<compile_context>
chip_gen: v7x
topology: tpu7x:2x2x1
jax: 0.10.2.dev20260603
libtpu: 0.0.44.dev20260713+nightly
codegen_flags: <defaults>
</compile_context>

<pallas_src>
import functools

import jax
import jax.numpy as jnp
from jax import lax
from jax.experimental import pallas as pl
from jax.experimental.pallas import tpu as pltpu
from jax.experimental.pallas import tpu_sc as plsc

_D = 64
_A = 16
_B = 16
_HW = 1024
_NTOK = _B * _HW
_CLW = 0.1
_PLW = 0.33
_BB = 8

_NC = 2
_NS = 16
_TPW = _NTOK // (_NC * _NS)
_L = 16


def _dist_kernel(x_ref, cb_ref, prev_ref, idx_ref, loss_ref):
    b = pl.program_id(0)
    nb = pl.num_programs(0)
    cb = cb_ref[...]
    cbnorm = jnp.sum(cb * cb, axis=1, keepdims=True)

    part = jnp.zeros((1, 128), jnp.float32)
    lane = lax.broadcasted_iota(jnp.int32, (1, 128), 1)
    rowid = lax.broadcasted_iota(jnp.int32, (_A, _HW), 0)
    for sb in range(_BB):
        x = x_ref[sb]
        dot = jax.lax.dot_general(cb, x, (((1,), (0,)), ((), ())),
                                  preferred_element_type=jnp.float32)
        xnorm = jnp.sum(x * x, axis=0, keepdims=True)
        dist = (xnorm + cbnorm) - 2.0 * dot

        for lvl in range(4):
            a = 2 ** (lvl + 1)
            big = jnp.where(rowid < a, dist, jnp.inf)
            minv = jnp.min(big, axis=0, keepdims=True)
            idx = jnp.min(jnp.where(big == minv, rowid, _A), axis=0,
                          keepdims=True)
            idx_ref[lvl, sb] = idx[0]
            part = part + jnp.where(lane == lvl, jnp.sum(minv), 0.0)

    @pl.when(b == 0)
    def _init():
        loss_ref[...] = jnp.zeros((1, 128), jnp.float32)

    acc = loss_ref[...] + part

    m = acc * jnp.float32(1.0 / (_NTOK * _D))
    prev = prev_ref[...]
    dv = prev - cb
    dv2 = dv * dv
    prow = lax.broadcasted_iota(jnp.int32, (_A, _D), 0)
    p2 = jnp.sum(jnp.where(prow < 2, dv2, 0.0)) * jnp.float32(1.0 / (2 * _D))
    p4 = jnp.sum(jnp.where(prow < 4, dv2, 0.0)) * jnp.float32(1.0 / (4 * _D))
    p8 = jnp.sum(jnp.where(prow < 8, dv2, 0.0)) * jnp.float32(1.0 / (8 * _D))
    clw_vec = jnp.where(lane < 2, jnp.float32(_CLW), 0.0)
    prox_vec = (jnp.where(lane == 1, jnp.float32(1 * _PLW) * p2, 0.0)
                + jnp.where(lane == 2, jnp.float32(_PLW) * p4, 0.0)
                + jnp.where(lane == 3, jnp.float32(_PLW) * p8, 0.0))
    final = (m + clw_vec * m) + prox_vec

    loss_ref[...] = jnp.where(b == nb - 1, final, acc)


def _tc_stage(x3, cb16, prev):
    return pl.pallas_call(
        _dist_kernel,
        grid=(_B // _BB,),
        in_specs=[
            pl.BlockSpec((_BB, _D, _HW), lambda b: (b, 0, 0)),
            pl.BlockSpec((_A, _D), lambda b: (0, 0)),
            pl.BlockSpec((_A, _D), lambda b: (0, 0)),
        ],
        out_specs=[
            pl.BlockSpec((4, _BB, _HW), lambda b: (0, b, 0)),
            pl.BlockSpec((1, 128), lambda b: (0, 0)),
        ],
        out_shape=[
            jax.ShapeDtypeStruct((4, _B, _HW), jnp.int32),
            jax.ShapeDtypeStruct((1, 128), jnp.float32),
        ],
        compiler_params=pltpu.CompilerParams(
            dimension_semantics=("arbitrary",)),
    )(x3, cb16, prev)


def _sc_gather(idx_ref, cbtab_ref, quant_ref, idx_v, cbtab_v, obuf, sem0, sem1):
    wid = lax.axis_index("s") * _NC + lax.axis_index("c")
    b = wid // 2
    hw0 = (wid % 2) * _TPW

    pltpu.sync_copy(cbtab_ref, cbtab_v)
    pltpu.sync_copy(idx_ref.at[:, b, pl.ds(hw0, _TPW)], idx_v)

    lanes = lax.broadcasted_iota(jnp.int32, (_L,), 0)
    ngrp = _TPW // _L
    sems = (sem0, sem1)
    pending = [None, None]

    for lvl in range(4):
        bi = lvl % 2
        if pending[bi] is not None:
            pending[bi].wait()

        @plsc.parallel_loop(0, ngrp, unroll=2)
        def body(g, lvl=lvl, bi=bi):
            iv = idx_v[lvl, pl.ds(g * _L, _L)]
            ivs = iv * _L + lanes

            @plsc.parallel_loop(0, _D, unroll=8)
            def cbody(c, ivs=ivs, g=g, bi=bi):
                vals = plsc.load_gather(
                    cbtab_v.at[pl.ds(c * (_A * _L), _A * _L)], [ivs])
                obuf[bi, c, pl.ds(g * _L, _L)] = vals
        pending[bi] = pltpu.async_copy(
            obuf.at[bi], quant_ref.at[lvl, b, :, pl.ds(hw0, _TPW)], sems[bi])
    pending[0].wait()
    pending[1].wait()


def _make_sc_stage():
    mesh = plsc.VectorSubcoreMesh(core_axis_name="c", subcore_axis_name="s")
    return functools.partial(
        pl.kernel,
        mesh=mesh,
        out_type=jax.ShapeDtypeStruct((4, _B, _D, _HW), jnp.float32),
        scratch_types=[
            pltpu.VMEM((4, _TPW), jnp.int32),
            pltpu.VMEM((_D * _A * _L,), jnp.float32),
            pltpu.VMEM((2, _D, _TPW), jnp.float32),
            pltpu.SemaphoreType.DMA,
            pltpu.SemaphoreType.DMA,
        ],
        compiler_params=pltpu.CompilerParams(needs_layout_passes=False),
    )(_sc_gather)


@jax.jit
def _run(x3, cb16, cbtab, prev):
    idx, loss = _tc_stage(x3, cb16, prev)
    quant = _make_sc_stage()(idx, cbtab)
    return quant, loss


def kernel(input_data, num_active_vectors, previous_active_vectors, codebook):
    x3 = input_data.reshape(_B, _D, _HW)
    cb16 = codebook[:_A]
    cbtab = jnp.broadcast_to(cb16.T[:, :, None], (_D, _A, _L)).reshape(-1)
    quant, loss = _run(x3, cb16, cbtab, previous_active_vectors)
    quantized = quant.reshape(4, _B, _D, 32, 32)
    losses = loss[0, :4]
    return quantized, losses, cb16

# --- scband reference (transcript-rebuilt; emitter-appended) ---
"""Pipeline reference for scband-adaptive-vector-quantizer-86715389706646 (READ-ONLY COPY).

The authoritative reference and input builder live on the scoring server;
editing this copy changes nothing except your own understanding.
"""

import jax, jax.numpy as jnp
import numpy as np
import math

NUM_EMBEDDINGS = 64
CODEBOOK_SIZE = 1024
CLW = 0.1
PLW = 0.33


def setup_inputs(seed: int = 0) -> dict:
    key = jax.random.key(seed)
    k1, k2, k3 = jax.random.split(key, 3)
    input_data = jax.random.normal(k1, (16, 64, 32, 32), dtype=jnp.float32)
    previous_active_vectors = jax.random.normal(k2, (16, 64), dtype=jnp.float32)
    codebook = jax.random.uniform(k3, (CODEBOOK_SIZE, NUM_EMBEDDINGS), dtype=jnp.float32,
                                  minval=-1.0 / CODEBOOK_SIZE, maxval=1.0 / CODEBOOK_SIZE)
    return {"input_data": input_data, "num_active_vectors": 16,
            "previous_active_vectors": previous_active_vectors, "codebook": codebook}


def reference(input_data, num_active_vectors, previous_active_vectors, codebook):
    d = NUM_EMBEDDINGS
    p = CODEBOOK_SIZE
    sg = jax.lax.stop_gradient
    # B,C,H,W -> B,H,W,C
    x = jnp.transpose(input_data, (0, 2, 3, 1))
    input_shape = x.shape
    flat = x.reshape(-1, d)
    nav = jnp.asarray(num_active_vectors)
    flat = flat + (nav - nav).astype(flat.dtype)
    L = 4
    quantized_vectors = []
    for lvl in range(L):
        active = codebook[: 2 ** (lvl + 1)]
        dist = (jnp.sum(flat ** 2, axis=1, keepdims=True)
                + jnp.sum(active ** 2, axis=1)
                - 2.0 * jnp.matmul(flat, active.T))
        idx = jnp.argmin(dist, axis=1)
        enc = jax.nn.one_hot(idx, p, dtype=flat.dtype)
        q = jnp.matmul(enc, codebook).reshape(input_shape)
        quantized_vectors.append(q)
    # in the torch code, `active_vectors` in the loss loop is the leftover
    # variable from the last quantization level
    active_vectors = codebook[: 2 ** L]
    losses = []
    for lvl in range(L):
        q_latent = jnp.mean((quantized_vectors[lvl] - sg(x)) ** 2)
        if lvl == 0:
            prox = jnp.float32(0.0)
            e_latent = jnp.mean((sg(quantized_vectors[lvl]) - x) ** 2)
        elif lvl == 1:
            e_latent = jnp.mean((sg(quantized_vectors[lvl]) - x) ** 2)
            n = (2 ** (lvl + 1)) // 2
            prox = lvl * PLW * jnp.mean((previous_active_vectors[:n] - active_vectors[:n]) ** 2)
        else:
            e_latent = jnp.float32(0.0)
            n = (2 ** (lvl + 1)) // 2
            prox = PLW * jnp.mean((previous_active_vectors[:n] - active_vectors[:n]) ** 2)
        cb_loss = q_latent + CLW * e_latent + prox
        # straight-through estimator, then back to B,C,H,W
        qst = x + sg(quantized_vectors[lvl] - x)
        quantized_vectors[lvl] = jnp.transpose(qst, (0, 3, 1, 2))
        losses.append(cb_loss)
    return (jnp.stack(quantized_vectors, axis=0), jnp.stack(losses), active_vectors)

if __name__ == "__main__":
    import jax
    _d = setup_inputs()
    print(jax.jit(kernel)(*tuple(_d.values())))

</pallas_src>

<mosaic_0001>
#map = affine_map<(d0, d1) -> (0, 0, 0)>
#map1 = affine_map<(d0, d1) -> (0)>
#map2 = affine_map<(d0, d1) -> (0, 0, 0, 0)>
module attributes {stable_mosaic.version = 14 : i64} {
  func.func @_sc_gather(%arg0: i32, %arg1: i32, %arg2: memref<4x16x1024xi32, #tpu.memory_space<hbm>>, %arg3: memref<16384xf32, #tpu.memory_space<hbm>>, %arg4: memref<4x16x64x1024xf32, #tpu.memory_space<hbm>>, %arg5: memref<4x512xi32, #tpu.memory_space<vmem>>, %arg6: memref<16384xf32, #tpu.memory_space<vmem>>, %arg7: memref<2x64x512xf32, #tpu.memory_space<vmem>>, %arg8: memref<!tpu.dma_semaphore, #tpu.memory_space<semaphore_mem>>, %arg9: memref<!tpu.dma_semaphore, #tpu.memory_space<semaphore_mem>>) attributes {dimension_semantics = [#tpu.dimension_semantics<core_parallel>, #tpu.dimension_semantics<subcore_parallel>], iteration_bounds = array<i64: 2, 16>, scalar_prefetch = 0 : i64, scratch_operands = 5 : i64, tpu.core_type = #tpu.core_type<sc_vector_subcore>, window_params = [{transform_indices = #map}, {transform_indices = #map1}, {transform_indices = #map2}]} {
    %mul3A = arith.constant 2 : i32
    %mul3A_0 = arith.muli %arg1, %mul3A : i32
    %add3A = arith.addi %mul3A_0, %arg0 : i32
    %jit3A = arith.constant 2 : i32
    %div3A = arith.divsi %add3A, %jit3A : i32
    %sign3A = arith.constant 0 : i32
    %sign3A_1 = arith.cmpi sgt, %add3A, %sign3A : i32
    %sign3A_2 = arith.extui %sign3A_1 : i1 to i32
    %sign3A_3 = arith.constant 0 : i32
    %sign3A_4 = arith.cmpi slt, %add3A, %sign3A_3 : i32
    %sign3A_5 = arith.extui %sign3A_4 : i1 to i32
    %sign3A_6 = arith.subi %sign3A_2, %sign3A_5 : i32
    %sign3A_7 = arith.constant 0 : i32
    %sign3A_8 = arith.cmpi sgt, %jit3A, %sign3A_7 : i32
    %sign3A_9 = arith.extui %sign3A_8 : i1 to i32
    %sign3A_10 = arith.constant 0 : i32
    %sign3A_11 = arith.cmpi slt, %jit3A, %sign3A_10 : i32
    %sign3A_12 = arith.extui %sign3A_11 : i1 to i32
    %sign3A_13 = arith.subi %sign3A_9, %sign3A_12 : i32
    %ne3A = arith.cmpi ne, %sign3A_6, %sign3A_13 : i32
    %rem3A = arith.remsi %add3A, %jit3A : i32
    %ne3A_14 = arith.constant 0 : i32
    %ne3A_15 = arith.cmpi ne, %rem3A, %ne3A_14 : i32
    %and3A = arith.andi %ne3A, %ne3A_15 : i1
    %sub3A = arith.constant 1 : i32
    %sub3A_16 = arith.subi %div3A, %sub3A : i32
    %select_n3A = arith.select %and3A, %sub3A_16, %div3A : i32
    %jit3A_17 = arith.constant 2 : i32
    %eq3A = arith.constant 0 : i32
    %eq3A_18 = arith.cmpi eq, %jit3A_17, %eq3A : i32
    %jit3A_19 = arith.constant 1 : i32
    %select_n3A_20 = arith.select %eq3A_18, %jit3A_19, %jit3A_17 : i32
    %rem3A_21 = arith.remsi %add3A, %select_n3A_20 : i32
    %ne3A_22 = arith.constant 0 : i32
    %ne3A_23 = arith.cmpi ne, %rem3A_21, %ne3A_22 : i32
    %lt3A = arith.constant 0 : i32
    %lt3A_24 = arith.cmpi slt, %rem3A_21, %lt3A : i32
    %lt3A_25 = arith.constant 0 : i32
    %lt3A_26 = arith.cmpi slt, %select_n3A_20, %lt3A_25 : i32
    %ne3A_27 = arith.xori %lt3A_24, %lt3A_26 : i1
    %and3A_28 = arith.andi %ne3A_27, %ne3A_23 : i1
    %add3A_29 = arith.addi %rem3A_21, %select_n3A_20 : i32
    %select_n3A_30 = arith.select %and3A_28, %add3A_29, %rem3A_21 : i32
    %mul3A_31 = arith.constant 512 : i32
    %mul3A_32 = arith.muli %select_n3A_30, %mul3A_31 : i32
    "tpu.region"() ({
      %run_scoped3A = tpu.sem_alloc : memref<!tpu.dma_semaphore, #tpu.memory_space<semaphore_mem>>
      tpu.enqueue_dma source(%arg3 : memref<16384xf32, #tpu.memory_space<hbm>>) target(%arg6 : memref<16384xf32, #tpu.memory_space<vmem>>) target_semaphore(%run_scoped3A : memref<!tpu.dma_semaphore, #tpu.memory_space<semaphore_mem>>)
      tpu.wait_dma2 semaphore(%run_scoped3A : memref<!tpu.dma_semaphore, #tpu.memory_space<semaphore_mem>>) src(%arg3 : memref<16384xf32, #tpu.memory_space<hbm>>) dst(%arg6 : memref<16384xf32, #tpu.memory_space<vmem>>)
      tpu.yield
    }) : () -> ()
    "tpu.region"() ({
      %run_scoped3A = tpu.sem_alloc : memref<!tpu.dma_semaphore, #tpu.memory_space<semaphore_mem>>
      %dma_start3A_170 = arith.constant 0 : i32
      %dma_start3A_171 = tpu.memref_slice %arg2[%dma_start3A_170, %select_n3A, %mul3A_32] : memref<4x16x1024xi32, #tpu.memory_space<hbm>> -> memref<4x1x512xi32, #tpu.memory_space<hbm>>
      %dma_start3A_172 = tpu.memref_squeeze %dma_start3A_171 : memref<4x1x512xi32, #tpu.memory_space<hbm>> -> memref<4x512xi32, #tpu.memory_space<hbm>>
      %dma_start3A_173 = arith.constant 0 : i32
      %dma_start3A_174 = tpu.memref_slice %arg2[%dma_start3A_173, %select_n3A, %mul3A_32] : memref<4x16x1024xi32, #tpu.memory_space<hbm>> -> memref<4x1x512xi32, #tpu.memory_space<hbm>>
      %dma_start3A_175 = tpu.memref_squeeze %dma_start3A_174 : memref<4x1x512xi32, #tpu.memory_space<hbm>> -> memref<4x512xi32, #tpu.memory_space<hbm>>
      tpu.enqueue_dma source(%dma_start3A_175 : memref<4x512xi32, #tpu.memory_space<hbm>>) target(%arg5 : memref<4x512xi32, #tpu.memory_space<vmem>>) target_semaphore(%run_scoped3A : memref<!tpu.dma_semaphore, #tpu.memory_space<semaphore_mem>>)
      %dma_wait3A_176 = arith.constant 0 : i32
      %dma_wait3A_177 = tpu.memref_slice %arg2[%dma_wait3A_176, %select_n3A, %mul3A_32] : memref<4x16x1024xi32, #tpu.memory_space<hbm>> -> memref<4x1x512xi32, #tpu.memory_space<hbm>>
      %dma_wait3A_178 = tpu.memref_squeeze %dma_wait3A_177 : memref<4x1x512xi32, #tpu.memory_space<hbm>> -> memref<4x512xi32, #tpu.memory_space<hbm>>
      %dma_wait3A_179 = arith.constant 0 : i32
      %dma_wait3A_180 = tpu.memref_slice %arg2[%dma_wait3A_179, %select_n3A, %mul3A_32] : memref<4x16x1024xi32, #tpu.memory_space<hbm>> -> memref<4x1x512xi32, #tpu.memory_space<hbm>>
      %dma_wait3A_181 = tpu.memref_squeeze %dma_wait3A_180 : memref<4x1x512xi32, #tpu.memory_space<hbm>> -> memref<4x512xi32, #tpu.memory_space<hbm>>
      tpu.wait_dma2 semaphore(%run_scoped3A : memref<!tpu.dma_semaphore, #tpu.memory_space<semaphore_mem>>) src(%dma_wait3A_181 : memref<4x512xi32, #tpu.memory_space<hbm>>) dst(%arg5 : memref<4x512xi32, #tpu.memory_space<vmem>>)
      tpu.yield
    }) : () -> ()
    %iota3A = tpu.iota {dimensions = array<i32: 0>} : vector<16xi32>
    %parallel_loop3A = arith.constant 0 : i32
    %parallel_loop3A_33 = arith.constant 32 : i32
    %parallel_loop3A_34 = arith.constant 1 : i32
    scf.for %parallel_loop3A_170 = %parallel_loop3A to %parallel_loop3A_33 step %parallel_loop3A_34  : i32 {
      %parallel_loop3A_171 = arith.constant 16 : i32
      %parallel_loop3A_172 = arith.muli %parallel_loop3A_170, %parallel_loop3A_171 : i32
      %parallel_loop3A_173 = arith.constant 0 : i32
      %parallel_loop3A_174 = arith.index_cast %parallel_loop3A_173 : i32 to index
      %parallel_loop3A_175 = arith.index_cast %parallel_loop3A_172 : i32 to index
      %parallel_loop3A_176 = tpu.vector_load %arg5[%parallel_loop3A_174, %parallel_loop3A_175] {strides = array<i32>} : memref<4x512xi32, #tpu.memory_space<vmem>>, vector<16xi32>,
      %parallel_loop3A_177 = arith.constant 16 : i32
      %parallel_loop3A_178 = vector.broadcast %parallel_loop3A_177 : i32 to vector<16xi32>
      %parallel_loop3A_179 = arith.muli %parallel_loop3A_176, %parallel_loop3A_178 : vector<16xi32>
      %parallel_loop3A_180 = arith.addi %parallel_loop3A_179, %iota3A : vector<16xi32>
      %parallel_loop3A_181 = arith.constant 0 : i32
      %parallel_loop3A_182 = arith.constant 64 : i32
      %parallel_loop3A_183 = arith.constant 1 : i32
      scf.for %parallel_loop3A_184 = %parallel_loop3A_181 to %parallel_loop3A_182 step %parallel_loop3A_183  : i32 {
        %parallel_loop3A_185 = arith.constant 256 : i32
        %parallel_loop3A_186 = arith.muli %parallel_loop3A_184, %parallel_loop3A_185 : i32
        %parallel_loop3A_187 = tpu.memref_slice %arg6[%parallel_loop3A_186] : memref<16384xf32, #tpu.memory_space<vmem>> -> memref<256xf32, #tpu.memory_space<vmem>>
        %parallel_loop3A_188 = tpu.vector_load_idx %parallel_loop3A_187[%parallel_loop3A_180] : memref<256xf32, #tpu.memory_space<vmem>>[vector<16xi32>], vector<16xf32>,
        %parallel_loop3A_189 = arith.constant 16 : i32
        %parallel_loop3A_190 = arith.muli %parallel_loop3A_170, %parallel_loop3A_189 : i32
        %parallel_loop3A_191 = arith.constant 0 : i32
        %parallel_loop3A_192 = arith.index_cast %parallel_loop3A_191 : i32 to index
        %parallel_loop3A_193 = arith.index_cast %parallel_loop3A_184 : i32 to index
        %parallel_loop3A_194 = arith.index_cast %parallel_loop3A_190 : i32 to index
        %parallel_loop3A_195 = tpu.vector_load %arg7[%parallel_loop3A_192, %parallel_loop3A_193, %parallel_loop3A_194] {strides = array<i32>} : memref<2x64x512xf32, #tpu.memory_space<vmem>>, vector<16xf32>,
        tpu.vector_store %arg7[%parallel_loop3A_192, %parallel_loop3A_193, %parallel_loop3A_194], %parallel_loop3A_188 {strides = array<i32>} : memref<2x64x512xf32, #tpu.memory_space<vmem>>, vector<16xf32>,
      } {sc.loop_unroll_factor = 8 : i64, sc.parallel_access}
    } {sc.loop_unroll_factor = 2 : i64, sc.parallel_access}
    %dma_start3A = arith.constant 0 : i32
    %dma_start3A_35 = arith.constant 0 : i32
    %dma_start3A_36 = arith.constant 0 : i32
    %dma_start3A_37 = arith.constant 0 : i32
    %dma_start3A_38 = tpu.memref_slice %arg7[%dma_start3A, %dma_start3A_36, %dma_start3A_37] : memref<2x64x512xf32, #tpu.memory_space<vmem>> -> memref<1x64x512xf32, #tpu.memory_space<vmem>>
    %dma_start3A_39 = tpu.memref_squeeze %dma_start3A_38 : memref<1x64x512xf32, #tpu.memory_space<vmem>> -> memref<64x512xf32, #tpu.memory_space<vmem>>
    %dma_start3A_40 = arith.constant 0 : i32
    %dma_start3A_41 = tpu.memref_slice %arg4[%dma_start3A_35, %select_n3A, %dma_start3A_40, %mul3A_32] : memref<4x16x64x1024xf32, #tpu.memory_space<hbm>> -> memref<1x1x64x512xf32, #tpu.memory_space<hbm>>
    %dma_start3A_42 = tpu.memref_squeeze %dma_start3A_41 : memref<1x1x64x512xf32, #tpu.memory_space<hbm>> -> memref<64x512xf32, #tpu.memory_space<hbm>>
    %dma_start3A_43 = arith.constant 0 : i32
    %dma_start3A_44 = tpu.memref_slice %arg4[%dma_start3A_35, %select_n3A, %dma_start3A_43, %mul3A_32] : memref<4x16x64x1024xf32, #tpu.memory_space<hbm>> -> memref<1x1x64x512xf32, #tpu.memory_space<hbm>>
    %dma_start3A_45 = tpu.memref_squeeze %dma_start3A_44 : memref<1x1x64x512xf32, #tpu.memory_space<hbm>> -> memref<64x512xf32, #tpu.memory_space<hbm>>
    %dma_start3A_46 = arith.constant 0 : i32
    %dma_start3A_47 = arith.constant 0 : i32
    %dma_start3A_48 = tpu.memref_slice %arg7[%dma_start3A, %dma_start3A_46, %dma_start3A_47] : memref<2x64x512xf32, #tpu.memory_space<vmem>> -> memref<1x64x512xf32, #tpu.memory_space<vmem>>
    %dma_start3A_49 = tpu.memref_squeeze %dma_start3A_48 : memref<1x64x512xf32, #tpu.memory_space<vmem>> -> memref<64x512xf32, #tpu.memory_space<vmem>>
    tpu.enqueue_dma source(%dma_start3A_49 : memref<64x512xf32, #tpu.memory_space<vmem>>) target(%dma_start3A_45 : memref<64x512xf32, #tpu.memory_space<hbm>>) target_semaphore(%arg8 : memref<!tpu.dma_semaphore, #tpu.memory_space<semaphore_mem>>)
    %parallel_loop3A_50 = arith.constant 0 : i32
    %parallel_loop3A_51 = arith.constant 32 : i32
    %parallel_loop3A_52 = arith.constant 1 : i32
    scf.for %parallel_loop3A_170 = %parallel_loop3A_50 to %parallel_loop3A_51 step %parallel_loop3A_52  : i32 {
      %parallel_loop3A_171 = arith.constant 16 : i32
      %parallel_loop3A_172 = arith.muli %parallel_loop3A_170, %parallel_loop3A_171 : i32
      %parallel_loop3A_173 = arith.constant 1 : i32
      %parallel_loop3A_174 = arith.index_cast %parallel_loop3A_173 : i32 to index
      %parallel_loop3A_175 = arith.index_cast %parallel_loop3A_172 : i32 to index
      %parallel_loop3A_176 = tpu.vector_load %arg5[%parallel_loop3A_174, %parallel_loop3A_175] {strides = array<i32>} : memref<4x512xi32, #tpu.memory_space<vmem>>, vector<16xi32>,
      %parallel_loop3A_177 = arith.constant 16 : i32
      %parallel_loop3A_178 = vector.broadcast %parallel_loop3A_177 : i32 to vector<16xi32>
      %parallel_loop3A_179 = arith.muli %parallel_loop3A_176, %parallel_loop3A_178 : vector<16xi32>
      %parallel_loop3A_180 = arith.addi %parallel_loop3A_179, %iota3A : vector<16xi32>
      %parallel_loop3A_181 = arith.constant 0 : i32
      %parallel_loop3A_182 = arith.constant 64 : i32
      %parallel_loop3A_183 = arith.constant 1 : i32
      scf.for %parallel_loop3A_184 = %parallel_loop3A_181 to %parallel_loop3A_182 step %parallel_loop3A_183  : i32 {
        %parallel_loop3A_185 = arith.constant 256 : i32
        %parallel_loop3A_186 = arith.muli %parallel_loop3A_184, %parallel_loop3A_185 : i32
        %parallel_loop3A_187 = tpu.memref_slice %arg6[%parallel_loop3A_186] : memref<16384xf32, #tpu.memory_space<vmem>> -> memref<256xf32, #tpu.memory_space<vmem>>
        %parallel_loop3A_188 = tpu.vector_load_idx %parallel_loop3A_187[%parallel_loop3A_180] : memref<256xf32, #tpu.memory_space<vmem>>[vector<16xi32>], vector<16xf32>,
        %parallel_loop3A_189 = arith.constant 16 : i32
        %parallel_loop3A_190 = arith.muli %parallel_loop3A_170, %parallel_loop3A_189 : i32
        %parallel_loop3A_191 = arith.constant 1 : i32
        %parallel_loop3A_192 = arith.index_cast %parallel_loop3A_191 : i32 to index
        %parallel_loop3A_193 = arith.index_cast %parallel_loop3A_184 : i32 to index
        %parallel_loop3A_194 = arith.index_cast %parallel_loop3A_190 : i32 to index
        %parallel_loop3A_195 = tpu.vector_load %arg7[%parallel_loop3A_192, %parallel_loop3A_193, %parallel_loop3A_194] {strides = array<i32>} : memref<2x64x512xf32, #tpu.memory_space<vmem>>, vector<16xf32>,
        tpu.vector_store %arg7[%parallel_loop3A_192, %parallel_loop3A_193, %parallel_loop3A_194], %parallel_loop3A_188 {strides = array<i32>} : memref<2x64x512xf32, #tpu.memory_space<vmem>>, vector<16xf32>,
      } {sc.loop_unroll_factor = 8 : i64, sc.parallel_access}
    } {sc.loop_unroll_factor = 2 : i64, sc.parallel_access}
    %dma_start3A_53 = arith.constant 1 : i32
    %dma_start3A_54 = arith.constant 1 : i32
    %dma_start3A_55 = arith.constant 0 : i32
    %dma_start3A_56 = arith.constant 0 : i32
    %dma_start3A_57 = tpu.memref_slice %arg7[%dma_start3A_53, %dma_start3A_55, %dma_start3A_56] : memref<2x64x512xf32, #tpu.memory_space<vmem>> -> memref<1x64x512xf32, #tpu.memory_space<vmem>>
    %dma_start3A_58 = tpu.memref_squeeze %dma_start3A_57 : memref<1x64x512xf32, #tpu.memory_space<vmem>> -> memref<64x512xf32, #tpu.memory_space<vmem>>
    %dma_start3A_59 = arith.constant 0 : i32
    %dma_start3A_60 = tpu.memref_slice %arg4[%dma_start3A_54, %select_n3A, %dma_start3A_59, %mul3A_32] : memref<4x16x64x1024xf32, #tpu.memory_space<hbm>> -> memref<1x1x64x512xf32, #tpu.memory_space<hbm>>
    %dma_start3A_61 = tpu.memref_squeeze %dma_start3A_60 : memref<1x1x64x512xf32, #tpu.memory_space<hbm>> -> memref<64x512xf32, #tpu.memory_space<hbm>>
    %dma_start3A_62 = arith.constant 0 : i32
    %dma_start3A_63 = tpu.memref_slice %arg4[%dma_start3A_54, %select_n3A, %dma_start3A_62, %mul3A_32] : memref<4x16x64x1024xf32, #tpu.memory_space<hbm>> -> memref<1x1x64x512xf32, #tpu.memory_space<hbm>>
    %dma_start3A_64 = tpu.memref_squeeze %dma_start3A_63 : memref<1x1x64x512xf32, #tpu.memory_space<hbm>> -> memref<64x512xf32, #tpu.memory_space<hbm>>
    %dma_start3A_65 = arith.constant 0 : i32
    %dma_start3A_66 = arith.constant 0 : i32
    %dma_start3A_67 = tpu.memref_slice %arg7[%dma_start3A_53, %dma_start3A_65, %dma_start3A_66] : memref<2x64x512xf32, #tpu.memory_space<vmem>> -> memref<1x64x512xf32, #tpu.memory_space<vmem>>
    %dma_start3A_68 = tpu.memref_squeeze %dma_start3A_67 : memref<1x64x512xf32, #tpu.memory_space<vmem>> -> memref<64x512xf32, #tpu.memory_space<vmem>>
    tpu.enqueue_dma source(%dma_start3A_68 : memref<64x512xf32, #tpu.memory_space<vmem>>) target(%dma_start3A_64 : memref<64x512xf32, #tpu.memory_space<hbm>>) target_semaphore(%arg9 : memref<!tpu.dma_semaphore, #tpu.memory_space<semaphore_mem>>)
    %dma_wait3A = arith.constant 0 : i32
    %dma_wait3A_69 = arith.constant 0 : i32
    %dma_wait3A_70 = arith.constant 0 : i32
    %dma_wait3A_71 = arith.constant 0 : i32
    %dma_wait3A_72 = tpu.memref_slice %arg7[%dma_wait3A, %dma_wait3A_70, %dma_wait3A_71] : memref<2x64x512xf32, #tpu.memory_space<vmem>> -> memref<1x64x512xf32, #tpu.memory_space<vmem>>
    %dma_wait3A_73 = tpu.memref_squeeze %dma_wait3A_72 : memref<1x64x512xf32, #tpu.memory_space<vmem>> -> memref<64x512xf32, #tpu.memory_space<vmem>>
    %dma_wait3A_74 = arith.constant 0 : i32
    %dma_wait3A_75 = tpu.memref_slice %arg4[%dma_wait3A_69, %select_n3A, %dma_wait3A_74, %mul3A_32] : memref<4x16x64x1024xf32, #tpu.memory_space<hbm>> -> memref<1x1x64x512xf32, #tpu.memory_space<hbm>>
    %dma_wait3A_76 = tpu.memref_squeeze %dma_wait3A_75 : memref<1x1x64x512xf32, #tpu.memory_space<hbm>> -> memref<64x512xf32, #tpu.memory_space<hbm>>
    %dma_wait3A_77 = arith.constant 0 : i32
    %dma_wait3A_78 = tpu.memref_slice %arg4[%dma_wait3A_69, %select_n3A, %dma_wait3A_77, %mul3A_32] : memref<4x16x64x1024xf32, #tpu.memory_space<hbm>> -> memref<1x1x64x512xf32, #tpu.memory_space<hbm>>
    %dma_wait3A_79 = tpu.memref_squeeze %dma_wait3A_78 : memref<1x1x64x512xf32, #tpu.memory_space<hbm>> -> memref<64x512xf32, #tpu.memory_space<hbm>>
    %dma_wait3A_80 = arith.constant 0 : i32
    %dma_wait3A_81 = arith.constant 0 : i32
    %dma_wait3A_82 = tpu.memref_slice %arg7[%dma_wait3A, %dma_wait3A_80, %dma_wait3A_81] : memref<2x64x512xf32, #tpu.memory_space<vmem>> -> memref<1x64x512xf32, #tpu.memory_space<vmem>>
    %dma_wait3A_83 = tpu.memref_squeeze %dma_wait3A_82 : memref<1x64x512xf32, #tpu.memory_space<vmem>> -> memref<64x512xf32, #tpu.memory_space<vmem>>
    tpu.wait_dma2 semaphore(%arg8 : memref<!tpu.dma_semaphore, #tpu.memory_space<semaphore_mem>>) src(%dma_wait3A_83 : memref<64x512xf32, #tpu.memory_space<vmem>>) dst(%dma_wait3A_79 : memref<64x512xf32, #tpu.memory_space<hbm>>)
    %parallel_loop3A_84 = arith.constant 0 : i32
    %parallel_loop3A_85 = arith.constant 32 : i32
    %parallel_loop3A_86 = arith.constant 1 : i32
    scf.for %parallel_loop3A_170 = %parallel_loop3A_84 to %parallel_loop3A_85 step %parallel_loop3A_86  : i32 {
      %parallel_loop3A_171 = arith.constant 16 : i32
      %parallel_loop3A_172 = arith.muli %parallel_loop3A_170, %parallel_loop3A_171 : i32
      %parallel_loop3A_173 = arith.constant 2 : i32
      %parallel_loop3A_174 = arith.index_cast %parallel_loop3A_173 : i32 to index
      %parallel_loop3A_175 = arith.index_cast %parallel_loop3A_172 : i32 to index
      %parallel_loop3A_176 = tpu.vector_load %arg5[%parallel_loop3A_174, %parallel_loop3A_175] {strides = array<i32>} : memref<4x512xi32, #tpu.memory_space<vmem>>, vector<16xi32>,
      %parallel_loop3A_177 = arith.constant 16 : i32
      %parallel_loop3A_178 = vector.broadcast %parallel_loop3A_177 : i32 to vector<16xi32>
      %parallel_loop3A_179 = arith.muli %parallel_loop3A_176, %parallel_loop3A_178 : vector<16xi32>
      %parallel_loop3A_180 = arith.addi %parallel_loop3A_179, %iota3A : vector<16xi32>
      %parallel_loop3A_181 = arith.constant 0 : i32
      %parallel_loop3A_182 = arith.constant 64 : i32
      %parallel_loop3A_183 = arith.constant 1 : i32
      scf.for %parallel_loop3A_184 = %parallel_loop3A_181 to %parallel_loop3A_182 step %parallel_loop3A_183  : i32 {
        %parallel_loop3A_185 = arith.constant 256 : i32
        %parallel_loop3A_186 = arith.muli %parallel_loop3A_184, %parallel_loop3A_185 : i32
        %parallel_loop3A_187 = tpu.memref_slice %arg6[%parallel_loop3A_186] : memref<16384xf32, #tpu.memory_space<vmem>> -> memref<256xf32, #tpu.memory_space<vmem>>
        %parallel_loop3A_188 = tpu.vector_load_idx %parallel_loop3A_187[%parallel_loop3A_180] : memref<256xf32, #tpu.memory_space<vmem>>[vector<16xi32>], vector<16xf32>,
        %parallel_loop3A_189 = arith.constant 16 : i32
        %parallel_loop3A_190 = arith.muli %parallel_loop3A_170, %parallel_loop3A_189 : i32
        %parallel_loop3A_191 = arith.constant 0 : i32
        %parallel_loop3A_192 = arith.index_cast %parallel_loop3A_191 : i32 to index
        %parallel_loop3A_193 = arith.index_cast %parallel_loop3A_184 : i32 to index
        %parallel_loop3A_194 = arith.index_cast %parallel_loop3A_190 : i32 to index
        %parallel_loop3A_195 = tpu.vector_load %arg7[%parallel_loop3A_192, %parallel_loop3A_193, %parallel_loop3A_194] {strides = array<i32>} : memref<2x64x512xf32, #tpu.memory_space<vmem>>, vector<16xf32>,
        tpu.vector_store %arg7[%parallel_loop3A_192, %parallel_loop3A_193, %parallel_loop3A_194], %parallel_loop3A_188 {strides = array<i32>} : memref<2x64x512xf32, #tpu.memory_space<vmem>>, vector<16xf32>,
      } {sc.loop_unroll_factor = 8 : i64, sc.parallel_access}
    } {sc.loop_unroll_factor = 2 : i64, sc.parallel_access}
    %dma_start3A_87 = arith.constant 0 : i32
    %dma_start3A_88 = arith.constant 2 : i32
    %dma_start3A_89 = arith.constant 0 : i32
    %dma_start3A_90 = arith.constant 0 : i32
    %dma_start3A_91 = tpu.memref_slice %arg7[%dma_start3A_87, %dma_start3A_89, %dma_start3A_90] : memref<2x64x512xf32, #tpu.memory_space<vmem>> -> memref<1x64x512xf32, #tpu.memory_space<vmem>>
    %dma_start3A_92 = tpu.memref_squeeze %dma_start3A_91 : memref<1x64x512xf32, #tpu.memory_space<vmem>> -> memref<64x512xf32, #tpu.memory_space<vmem>>
    %dma_start3A_93 = arith.constant 0 : i32
    %dma_start3A_94 = tpu.memref_slice %arg4[%dma_start3A_88, %select_n3A, %dma_start3A_93, %mul3A_32] : memref<4x16x64x1024xf32, #tpu.memory_space<hbm>> -> memref<1x1x64x512xf32, #tpu.memory_space<hbm>>
    %dma_start3A_95 = tpu.memref_squeeze %dma_start3A_94 : memref<1x1x64x512xf32, #tpu.memory_space<hbm>> -> memref<64x512xf32, #tpu.memory_space<hbm>>
    %dma_start3A_96 = arith.constant 0 : i32
    %dma_start3A_97 = tpu.memref_slice %arg4[%dma_start3A_88, %select_n3A, %dma_start3A_96, %mul3A_32] : memref<4x16x64x1024xf32, #tpu.memory_space<hbm>> -> memref<1x1x64x512xf32, #tpu.memory_space<hbm>>
    %dma_start3A_98 = tpu.memref_squeeze %dma_start3A_97 : memref<1x1x64x512xf32, #tpu.memory_space<hbm>> -> memref<64x512xf32, #tpu.memory_space<hbm>>
    %dma_start3A_99 = arith.constant 0 : i32
    %dma_start3A_100 = arith.constant 0 : i32
    %dma_start3A_101 = tpu.memref_slice %arg7[%dma_start3A_87, %dma_start3A_99, %dma_start3A_100] : memref<2x64x512xf32, #tpu.memory_space<vmem>> -> memref<1x64x512xf32, #tpu.memory_space<vmem>>
    %dma_start3A_102 = tpu.memref_squeeze %dma_start3A_101 : memref<1x64x512xf32, #tpu.memory_space<vmem>> -> memref<64x512xf32, #tpu.memory_space<vmem>>
    tpu.enqueue_dma source(%dma_start3A_102 : memref<64x512xf32, #tpu.memory_space<vmem>>) target(%dma_start3A_98 : memref<64x512xf32, #tpu.memory_space<hbm>>) target_semaphore(%arg8 : memref<!tpu.dma_semaphore, #tpu.memory_space<semaphore_mem>>)
    %dma_wait3A_103 = arith.constant 1 : i32
    %dma_wait3A_104 = arith.constant 1 : i32
    %dma_wait3A_105 = arith.constant 0 : i32
    %dma_wait3A_106 = arith.constant 0 : i32
    %dma_wait3A_107 = tpu.memref_slice %arg7[%dma_wait3A_103, %dma_wait3A_105, %dma_wait3A_106] : memref<2x64x512xf32, #tpu.memory_space<vmem>> -> memref<1x64x512xf32, #tpu.memory_space<vmem>>
    %dma_wait3A_108 = tpu.memref_squeeze %dma_wait3A_107 : memref<1x64x512xf32, #tpu.memory_space<vmem>> -> memref<64x512xf32, #tpu.memory_space<vmem>>
    %dma_wait3A_109 = arith.constant 0 : i32
    %dma_wait3A_110 = tpu.memref_slice %arg4[%dma_wait3A_104, %select_n3A, %dma_wait3A_109, %mul3A_32] : memref<4x16x64x1024xf32, #tpu.memory_space<hbm>> -> memref<1x1x64x512xf32, #tpu.memory_space<hbm>>
    %dma_wait3A_111 = tpu.memref_squeeze %dma_wait3A_110 : memref<1x1x64x512xf32, #tpu.memory_space<hbm>> -> memref<64x512xf32, #tpu.memory_space<hbm>>
    %dma_wait3A_112 = arith.constant 0 : i32
    %dma_wait3A_113 = tpu.memref_slice %arg4[%dma_wait3A_104, %select_n3A, %dma_wait3A_112, %mul3A_32] : memref<4x16x64x1024xf32, #tpu.memory_space<hbm>> -> memref<1x1x64x512xf32, #tpu.memory_space<hbm>>
    %dma_wait3A_114 = tpu.memref_squeeze %dma_wait3A_113 : memref<1x1x64x512xf32, #tpu.memory_space<hbm>> -> memref<64x512xf32, #tpu.memory_space<hbm>>
    %dma_wait3A_115 = arith.constant 0 : i32
    %dma_wait3A_116 = arith.constant 0 : i32
    %dma_wait3A_117 = tpu.memref_slice %arg7[%dma_wait3A_103, %dma_wait3A_115, %dma_wait3A_116] : memref<2x64x512xf32, #tpu.memory_space<vmem>> -> memref<1x64x512xf32, #tpu.memory_space<vmem>>
    %dma_wait3A_118 = tpu.memref_squeeze %dma_wait3A_117 : memref<1x64x512xf32, #tpu.memory_space<vmem>> -> memref<64x512xf32, #tpu.memory_space<vmem>>
    tpu.wait_dma2 semaphore(%arg9 : memref<!tpu.dma_semaphore, #tpu.memory_space<semaphore_mem>>) src(%dma_wait3A_118 : memref<64x512xf32, #tpu.memory_space<vmem>>) dst(%dma_wait3A_114 : memref<64x512xf32, #tpu.memory_space<hbm>>)
    %parallel_loop3A_119 = arith.constant 0 : i32
    %parallel_loop3A_120 = arith.constant 32 : i32
    %parallel_loop3A_121 = arith.constant 1 : i32
    scf.for %parallel_loop3A_170 = %parallel_loop3A_119 to %parallel_loop3A_120 step %parallel_loop3A_121  : i32 {
      %parallel_loop3A_171 = arith.constant 16 : i32
      %parallel_loop3A_172 = arith.muli %parallel_loop3A_170, %parallel_loop3A_171 : i32
      %parallel_loop3A_173 = arith.constant 3 : i32
      %parallel_loop3A_174 = arith.index_cast %parallel_loop3A_173 : i32 to index
      %parallel_loop3A_175 = arith.index_cast %parallel_loop3A_172 : i32 to index
      %parallel_loop3A_176 = tpu.vector_load %arg5[%parallel_loop3A_174, %parallel_loop3A_175] {strides = array<i32>} : memref<4x512xi32, #tpu.memory_space<vmem>>, vector<16xi32>,
      %parallel_loop3A_177 = arith.constant 16 : i32
      %parallel_loop3A_178 = vector.broadcast %parallel_loop3A_177 : i32 to vector<16xi32>
      %parallel_loop3A_179 = arith.muli %parallel_loop3A_176, %parallel_loop3A_178 : vector<16xi32>
      %parallel_loop3A_180 = arith.addi %parallel_loop3A_179, %iota3A : vector<16xi32>
      %parallel_loop3A_181 = arith.constant 0 : i32
      %parallel_loop3A_182 = arith.constant 64 : i32
      %parallel_loop3A_183 = arith.constant 1 : i32
      scf.for %parallel_loop3A_184 = %parallel_loop3A_181 to %parallel_loop3A_182 step %parallel_loop3A_183  : i32 {
        %parallel_loop3A_185 = arith.constant 256 : i32
        %parallel_loop3A_186 = arith.muli %parallel_loop3A_184, %parallel_loop3A_185 : i32
        %parallel_loop3A_187 = tpu.memref_slice %arg6[%parallel_loop3A_186] : memref<16384xf32, #tpu.memory_space<vmem>> -> memref<256xf32, #tpu.memory_space<vmem>>
        %parallel_loop3A_188 = tpu.vector_load_idx %parallel_loop3A_187[%parallel_loop3A_180] : memref<256xf32, #tpu.memory_space<vmem>>[vector<16xi32>], vector<16xf32>,
        %parallel_loop3A_189 = arith.constant 16 : i32
        %parallel_loop3A_190 = arith.muli %parallel_loop3A_170, %parallel_loop3A_189 : i32
        %parallel_loop3A_191 = arith.constant 1 : i32
        %parallel_loop3A_192 = arith.index_cast %parallel_loop3A_191 : i32 to index
        %parallel_loop3A_193 = arith.index_cast %parallel_loop3A_184 : i32 to index
        %parallel_loop3A_194 = arith.index_cast %parallel_loop3A_190 : i32 to index
        %parallel_loop3A_195 = tpu.vector_load %arg7[%parallel_loop3A_192, %parallel_loop3A_193, %parallel_loop3A_194] {strides = array<i32>} : memref<2x64x512xf32, #tpu.memory_space<vmem>>, vector<16xf32>,
        tpu.vector_store %arg7[%parallel_loop3A_192, %parallel_loop3A_193, %parallel_loop3A_194], %parallel_loop3A_188 {strides = array<i32>} : memref<2x64x512xf32, #tpu.memory_space<vmem>>, vector<16xf32>,
      } {sc.loop_unroll_factor = 8 : i64, sc.parallel_access}
    } {sc.loop_unroll_factor = 2 : i64, sc.parallel_access}
    %dma_start3A_122 = arith.constant 1 : i32
    %dma_start3A_123 = arith.constant 3 : i32
    %dma_start3A_124 = arith.constant 0 : i32
    %dma_start3A_125 = arith.constant 0 : i32
    %dma_start3A_126 = tpu.memref_slice %arg7[%dma_start3A_122, %dma_start3A_124, %dma_start3A_125] : memref<2x64x512xf32, #tpu.memory_space<vmem>> -> memref<1x64x512xf32, #tpu.memory_space<vmem>>
    %dma_start3A_127 = tpu.memref_squeeze %dma_start3A_126 : memref<1x64x512xf32, #tpu.memory_space<vmem>> -> memref<64x512xf32, #tpu.memory_space<vmem>>
    %dma_start3A_128 = arith.constant 0 : i32
    %dma_start3A_129 = tpu.memref_slice %arg4[%dma_start3A_123, %select_n3A, %dma_start3A_128, %mul3A_32] : memref<4x16x64x1024xf32, #tpu.memory_space<hbm>> -> memref<1x1x64x512xf32, #tpu.memory_space<hbm>>
    %dma_start3A_130 = tpu.memref_squeeze %dma_start3A_129 : memref<1x1x64x512xf32, #tpu.memory_space<hbm>> -> memref<64x512xf32, #tpu.memory_space<hbm>>
    %dma_start3A_131 = arith.constant 0 : i32
    %dma_start3A_132 = tpu.memref_slice %arg4[%dma_start3A_123, %select_n3A, %dma_start3A_131, %mul3A_32] : memref<4x16x64x1024xf32, #tpu.memory_space<hbm>> -> memref<1x1x64x512xf32, #tpu.memory_space<hbm>>
    %dma_start3A_133 = tpu.memref_squeeze %dma_start3A_132 : memref<1x1x64x512xf32, #tpu.memory_space<hbm>> -> memref<64x512xf32, #tpu.memory_space<hbm>>
    %dma_start3A_134 = arith.constant 0 : i32
    %dma_start3A_135 = arith.constant 0 : i32
    %dma_start3A_136 = tpu.memref_slice %arg7[%dma_start3A_122, %dma_start3A_134, %dma_start3A_135] : memref<2x64x512xf32, #tpu.memory_space<vmem>> -> memref<1x64x512xf32, #tpu.memory_space<vmem>>
    %dma_start3A_137 = tpu.memref_squeeze %dma_start3A_136 : memref<1x64x512xf32, #tpu.memory_space<vmem>> -> memref<64x512xf32, #tpu.memory_space<vmem>>
    tpu.enqueue_dma source(%dma_start3A_137 : memref<64x512xf32, #tpu.memory_space<vmem>>) target(%dma_start3A_133 : memref<64x512xf32, #tpu.memory_space<hbm>>) target_semaphore(%arg9 : memref<!tpu.dma_semaphore, #tpu.memory_space<semaphore_mem>>)
    %dma_wait3A_138 = arith.constant 0 : i32
    %dma_wait3A_139 = arith.constant 2 : i32
    %dma_wait3A_140 = arith.constant 0 : i32
    %dma_wait3A_141 = arith.constant 0 : i32
    %dma_wait3A_142 = tpu.memref_slice %arg7[%dma_wait3A_138, %dma_wait3A_140, %dma_wait3A_141] : memref<2x64x512xf32, #tpu.memory_space<vmem>> -> memref<1x64x512xf32, #tpu.memory_space<vmem>>
    %dma_wait3A_143 = tpu.memref_squeeze %dma_wait3A_142 : memref<1x64x512xf32, #tpu.memory_space<vmem>> -> memref<64x512xf32, #tpu.memory_space<vmem>>
    %dma_wait3A_144 = arith.constant 0 : i32
    %dma_wait3A_145 = tpu.memref_slice %arg4[%dma_wait3A_139, %select_n3A, %dma_wait3A_144, %mul3A_32] : memref<4x16x64x1024xf32, #tpu.memory_space<hbm>> -> memref<1x1x64x512xf32, #tpu.memory_space<hbm>>
    %dma_wait3A_146 = tpu.memref_squeeze %dma_wait3A_145 : memref<1x1x64x512xf32, #tpu.memory_space<hbm>> -> memref<64x512xf32, #tpu.memory_space<hbm>>
    %dma_wait3A_147 = arith.constant 0 : i32
    %dma_wait3A_148 = tpu.memref_slice %arg4[%dma_wait3A_139, %select_n3A, %dma_wait3A_147, %mul3A_32] : memref<4x16x64x1024xf32, #tpu.memory_space<hbm>> -> memref<1x1x64x512xf32, #tpu.memory_space<hbm>>
    %dma_wait3A_149 = tpu.memref_squeeze %dma_wait3A_148 : memref<1x1x64x512xf32, #tpu.memory_space<hbm>> -> memref<64x512xf32, #tpu.memory_space<hbm>>
    %dma_wait3A_150 = arith.constant 0 : i32
    %dma_wait3A_151 = arith.constant 0 : i32
    %dma_wait3A_152 = tpu.memref_slice %arg7[%dma_wait3A_138, %dma_wait3A_150, %dma_wait3A_151] : memref<2x64x512xf32, #tpu.memory_space<vmem>> -> memref<1x64x512xf32, #tpu.memory_space<vmem>>
    %dma_wait3A_153 = tpu.memref_squeeze %dma_wait3A_152 : memref<1x64x512xf32, #tpu.memory_space<vmem>> -> memref<64x512xf32, #tpu.memory_space<vmem>>
    tpu.wait_dma2 semaphore(%arg8 : memref<!tpu.dma_semaphore, #tpu.memory_space<semaphore_mem>>) src(%dma_wait3A_153 : memref<64x512xf32, #tpu.memory_space<vmem>>) dst(%dma_wait3A_149 : memref<64x512xf32, #tpu.memory_space<hbm>>)
    %dma_wait3A_154 = arith.constant 1 : i32
    %dma_wait3A_155 = arith.constant 3 : i32
    %dma_wait3A_156 = arith.constant 0 : i32
    %dma_wait3A_157 = arith.constant 0 : i32
    %dma_wait3A_158 = tpu.memref_slice %arg7[%dma_wait3A_154, %dma_wait3A_156, %dma_wait3A_157] : memref<2x64x512xf32, #tpu.memory_space<vmem>> -> memref<1x64x512xf32, #tpu.memory_space<vmem>>
    %dma_wait3A_159 = tpu.memref_squeeze %dma_wait3A_158 : memref<1x64x512xf32, #tpu.memory_space<vmem>> -> memref<64x512xf32, #tpu.memory_space<vmem>>
    %dma_wait3A_160 = arith.constant 0 : i32
    %dma_wait3A_161 = tpu.memref_slice %arg4[%dma_wait3A_155, %select_n3A, %dma_wait3A_160, %mul3A_32] : memref<4x16x64x1024xf32, #tpu.memory_space<hbm>> -> memref<1x1x64x512xf32, #tpu.memory_space<hbm>>
    %dma_wait3A_162 = tpu.memref_squeeze %dma_wait3A_161 : memref<1x1x64x512xf32, #tpu.memory_space<hbm>> -> memref<64x512xf32, #tpu.memory_space<hbm>>
    %dma_wait3A_163 = arith.constant 0 : i32
    %dma_wait3A_164 = tpu.memref_slice %arg4[%dma_wait3A_155, %select_n3A, %dma_wait3A_163, %mul3A_32] : memref<4x16x64x1024xf32, #tpu.memory_space<hbm>> -> memref<1x1x64x512xf32, #tpu.memory_space<hbm>>
    %dma_wait3A_165 = tpu.memref_squeeze %dma_wait3A_164 : memref<1x1x64x512xf32, #tpu.memory_space<hbm>> -> memref<64x512xf32, #tpu.memory_space<hbm>>
    %dma_wait3A_166 = arith.constant 0 : i32
    %dma_wait3A_167 = arith.constant 0 : i32
    %dma_wait3A_168 = tpu.memref_slice %arg7[%dma_wait3A_154, %dma_wait3A_166, %dma_wait3A_167] : memref<2x64x512xf32, #tpu.memory_space<vmem>> -> memref<1x64x512xf32, #tpu.memory_space<vmem>>
    %dma_wait3A_169 = tpu.memref_squeeze %dma_wait3A_168 : memref<1x64x512xf32, #tpu.memory_space<vmem>> -> memref<64x512xf32, #tpu.memory_space<vmem>>
    tpu.wait_dma2 semaphore(%arg9 : memref<!tpu.dma_semaphore, #tpu.memory_space<semaphore_mem>>) src(%dma_wait3A_169 : memref<64x512xf32, #tpu.memory_space<vmem>>) dst(%dma_wait3A_165 : memref<64x512xf32, #tpu.memory_space<hbm>>)
    return
  }
}

module attributes {stable_mosaic.version = 14 : i64} {
  func.func @_dist_kernel(%arg0: i32, %arg1: memref<8x64x1024xf32, #tpu.memory_space<vmem>>, %arg2: memref<16x64xf32, #tpu.memory_space<vmem>>, %arg3: memref<16x64xf32, #tpu.memory_space<vmem>>, %arg4: memref<4x8x1024xi32, #tpu.memory_space<vmem>>, %arg5: memref<1x128xf32, #tpu.memory_space<vmem>>) attributes {dimension_semantics = [#tpu.dimension_semantics<arbitrary>], iteration_bounds = array<i64: 2>, scalar_prefetch = 0 : i64, scratch_operands = 0 : i64, tpu.core_type = #tpu.core_type<tc>, window_params = [{transform_indices = @transform_0, window_bounds = array<i64: 8, 64, 1024>}, {pipeline_mode = #tpu.pipeline_mode<synchronous>, transform_indices = @transform_1, window_bounds = array<i64: 16, 64>}, {pipeline_mode = #tpu.pipeline_mode<synchronous>, transform_indices = @transform_2, window_bounds = array<i64: 16, 64>}, {transform_indices = @transform_3, window_bounds = array<i64: 4, 8, 1024>}, {pipeline_mode = #tpu.pipeline_mode<synchronous>, transform_indices = @transform_4, window_bounds = array<i64: 1, 128>}]} {
    %get3A = arith.constant 0 : index
    %get3A_0 = arith.constant 0 : index
    %get3A_1 = vector.load %arg2[%get3A, %get3A_0] : memref<16x64xf32, #tpu.memory_space<vmem>>, vector<16x64xf32>
    %mul3A = arith.mulf %get3A_1, %get3A_1 : vector<16x64xf32>
    %reduce_sum3A = arith.constant dense<0.000000e+00> : vector<16xf32>
    %reduce_sum3A_2 = vector.multi_reduction <add>, %mul3A, %reduce_sum3A [1] : vector<16x64xf32> to vector<16xf32>
    %broadcast_in_dim3A = vector.shape_cast %reduce_sum3A_2 : vector<16xf32> to vector<16x1xf32>
    %broadcast_in_dim3A_3 = arith.constant 0.000000e+00 : f32
    %broadcast_in_dim3A_4 = vector.broadcast %broadcast_in_dim3A_3 : f32 to vector<1x128xf32>
    %iota3A = tpu.iota {dimensions = array<i32: 1>} : vector<1x128xi32>
    %iota3A_5 = tpu.iota {dimensions = array<i32: 0>} : vector<16x1024xi32>
    %get3A_6 = arith.constant 0 : index
    %get3A_7 = arith.constant 0 : index
    %get3A_8 = arith.constant 0 : index
    %get3A_9 = vector.load %arg1[%get3A_6, %get3A_7, %get3A_8] : memref<8x64x1024xf32, #tpu.memory_space<vmem>>, vector<1x64x1024xf32>
    %get3A_10 = vector.shape_cast %get3A_9 : vector<1x64x1024xf32> to vector<64x1024xf32>
    %dot_general3A = arith.constant dense<0.000000e+00> : vector<16x1024xf32>
    %dot_general3A_11 = tpu.matmul %get3A_1, %get3A_10, %dot_general3A {dimension_numbers = #tpu.dot_dimension_numbers<[1], [0], [0], [1], [0, 0, 1, 1], [], []>, transpose_lhs_hint = false} : vector<16x64xf32>, vector<64x1024xf32>, vector<16x1024xf32> -> vector<16x1024xf32>
    %mul3A_12 = arith.mulf %get3A_10, %get3A_10 : vector<64x1024xf32>
    %reduce_sum3A_13 = arith.constant dense<0.000000e+00> : vector<1024xf32>
    %reduce_sum3A_14 = vector.multi_reduction <add>, %mul3A_12, %reduce_sum3A_13 [0] : vector<64x1024xf32> to vector<1024xf32>
    %broadcast_in_dim3A_15 = vector.shape_cast %reduce_sum3A_14 : vector<1024xf32> to vector<1x1024xf32>
    %add3A = vector.broadcast %broadcast_in_dim3A_15 : vector<1x1024xf32> to vector<16x1024xf32>
    %add3A_16 = vector.broadcast %broadcast_in_dim3A : vector<16x1xf32> to vector<16x1024xf32>
    %add3A_17 = arith.addf %add3A, %add3A_16 : vector<16x1024xf32>
    %mul3A_18 = arith.constant 2.000000e+00 : f32
    %mul3A_19 = vector.broadcast %mul3A_18 : f32 to vector<16x1024xf32>
    %mul3A_20 = arith.mulf %mul3A_19, %dot_general3A_11 : vector<16x1024xf32>
    %sub3A = arith.subf %add3A_17, %mul3A_20 : vector<16x1024xf32>
    %lt3A = arith.constant 2 : i32
    %lt3A_21 = vector.broadcast %lt3A : i32 to vector<16x1024xi32>
    %lt3A_22 = arith.cmpi slt, %iota3A_5, %lt3A_21 : vector<16x1024xi32>
    %jit3A = arith.constant 0x7F800000 : f32
    %broadcast_in_dim3A_23 = vector.broadcast %jit3A : f32 to vector<16x1024xf32>
    %select_n3A = arith.select %lt3A_22, %sub3A, %broadcast_in_dim3A_23 : vector<16x1024xi1>, vector<16x1024xf32>
    %reduce_min3A = arith.constant dense<0x7F800000> : vector<1024xf32>
    %reduce_min3A_24 = vector.multi_reduction <minimumf>, %select_n3A, %reduce_min3A [0] : vector<16x1024xf32> to vector<1024xf32>
    %broadcast_in_dim3A_25 = vector.shape_cast %reduce_min3A_24 : vector<1024xf32> to vector<1x1024xf32>
    %eq3A = vector.broadcast %broadcast_in_dim3A_25 : vector<1x1024xf32> to vector<16x1024xf32>
    %eq3A_26 = arith.cmpf oeq, %select_n3A, %eq3A : vector<16x1024xf32>
    %jit3A_27 = arith.constant 16 : i32
    %broadcast_in_dim3A_28 = vector.broadcast %jit3A_27 : i32 to vector<16x1024xi32>
    %select_n3A_29 = arith.select %eq3A_26, %iota3A_5, %broadcast_in_dim3A_28 : vector<16x1024xi1>, vector<16x1024xi32>
    %reduce_min3A_30 = arith.constant dense<2147483647> : vector<1024xi32>
    %reduce_min3A_31 = vector.multi_reduction <minsi>, %select_n3A_29, %reduce_min3A_30 [0] : vector<16x1024xi32> to vector<1024xi32>
    %broadcast_in_dim3A_32 = vector.shape_cast %reduce_min3A_31 : vector<1024xi32> to vector<1x1024xi32>
    %squeeze3A = vector.shape_cast %broadcast_in_dim3A_32 : vector<1x1024xi32> to vector<1024xi32>
    %swap3A = arith.constant 0 : index
    %swap3A_33 = arith.constant 0 : index
    %swap3A_34 = arith.constant 0 : index
    %swap3A_35 = vector.load %arg4[%swap3A, %swap3A_33, %swap3A_34] : memref<4x8x1024xi32, #tpu.memory_space<vmem>>, vector<1x1x1024xi32>
    %swap3A_36 = vector.shape_cast %swap3A_35 : vector<1x1x1024xi32> to vector<1024xi32>
    %swap3A_37 = vector.shape_cast %squeeze3A : vector<1024xi32> to vector<1x1x1024xi32>
    tpu.vector_store %arg4[%swap3A, %swap3A_33, %swap3A_34], %swap3A_37 {strides = array<i32>} : memref<4x8x1024xi32, #tpu.memory_space<vmem>>, vector<1x1x1024xi32>,
    %eq3A_38 = arith.constant 0 : i32
    %eq3A_39 = vector.broadcast %eq3A_38 : i32 to vector<1x128xi32>
    %eq3A_40 = arith.cmpi eq, %iota3A, %eq3A_39 : vector<1x128xi32>
    %reduce_sum3A_41 = vector.shape_cast %broadcast_in_dim3A_25 : vector<1x1024xf32> to vector<1x1x1024xf32>
    %reduce_sum3A_42 = arith.constant dense<0.000000e+00> : vector<1xf32>
    %reduce_sum3A_43 = vector.multi_reduction <add>, %reduce_sum3A_41, %reduce_sum3A_42 [1, 2] : vector<1x1x1024xf32> to vector<1xf32>
    %reduce_sum3A_44 = vector.shape_cast %reduce_sum3A_43 : vector<1xf32> to vector<1x1x1xf32>
    %reduce_sum3A_45 = vector.extract %reduce_sum3A_44[0, 0, 0] : f32 from vector<1x1x1xf32>
    %jit3A_46 = arith.constant 0.000000e+00 : f32
    %broadcast_in_dim3A_47 = vector.broadcast %reduce_sum3A_45 : f32 to vector<1x128xf32>
    %broadcast_in_dim3A_48 = vector.broadcast %jit3A_46 : f32 to vector<1x128xf32>
    %select_n3A_49 = arith.select %eq3A_40, %broadcast_in_dim3A_47, %broadcast_in_dim3A_48 : vector<1x128xi1>, vector<1x128xf32>
    %add3A_50 = arith.addf %broadcast_in_dim3A_4, %select_n3A_49 : vector<1x128xf32>
    %lt3A_51 = arith.constant 4 : i32
    %lt3A_52 = vector.broadcast %lt3A_51 : i32 to vector<16x1024xi32>
    %lt3A_53 = arith.cmpi slt, %iota3A_5, %lt3A_52 : vector<16x1024xi32>
    %jit3A_54 = arith.constant 0x7F800000 : f32
    %broadcast_in_dim3A_55 = vector.broadcast %jit3A_54 : f32 to vector<16x1024xf32>
    %select_n3A_56 = arith.select %lt3A_53, %sub3A, %broadcast_in_dim3A_55 : vector<16x1024xi1>, vector<16x1024xf32>
    %reduce_min3A_57 = arith.constant dense<0x7F800000> : vector<1024xf32>
    %reduce_min3A_58 = vector.multi_reduction <minimumf>, %select_n3A_56, %reduce_min3A_57 [0] : vector<16x1024xf32> to vector<1024xf32>
    %broadcast_in_dim3A_59 = vector.shape_cast %reduce_min3A_58 : vector<1024xf32> to vector<1x1024xf32>
    %eq3A_60 = vector.broadcast %broadcast_in_dim3A_59 : vector<1x1024xf32> to vector<16x1024xf32>
    %eq3A_61 = arith.cmpf oeq, %select_n3A_56, %eq3A_60 : vector<16x1024xf32>
    %jit3A_62 = arith.constant 16 : i32
    %broadcast_in_dim3A_63 = vector.broadcast %jit3A_62 : i32 to vector<16x1024xi32>
    %select_n3A_64 = arith.select %eq3A_61, %iota3A_5, %broadcast_in_dim3A_63 : vector<16x1024xi1>, vector<16x1024xi32>
    %reduce_min3A_65 = arith.constant dense<2147483647> : vector<1024xi32>
    %reduce_min3A_66 = vector.multi_reduction <minsi>, %select_n3A_64, %reduce_min3A_65 [0] : vector<16x1024xi32> to vector<1024xi32>
    %broadcast_in_dim3A_67 = vector.shape_cast %reduce_min3A_66 : vector<1024xi32> to vector<1x1024xi32>
    %squeeze3A_68 = vector.shape_cast %broadcast_in_dim3A_67 : vector<1x1024xi32> to vector<1024xi32>
    %swap3A_69 = arith.constant 1 : index
    %swap3A_70 = arith.constant 0 : index
    %swap3A_71 = arith.constant 0 : index
    %swap3A_72 = vector.load %arg4[%swap3A_69, %swap3A_70, %swap3A_71] : memref<4x8x1024xi32, #tpu.memory_space<vmem>>, vector<1x1x1024xi32>
    %swap3A_73 = vector.shape_cast %swap3A_72 : vector<1x1x1024xi32> to vector<1024xi32>
    %swap3A_74 = vector.shape_cast %squeeze3A_68 : vector<1024xi32> to vector<1x1x1024xi32>
    tpu.vector_store %arg4[%swap3A_69, %swap3A_70, %swap3A_71], %swap3A_74 {strides = array<i32>} : memref<4x8x1024xi32, #tpu.memory_space<vmem>>, vector<1x1x1024xi32>,
    %eq3A_75 = arith.constant 1 : i32
    %eq3A_76 = vector.broadcast %eq3A_75 : i32 to vector<1x128xi32>
    %eq3A_77 = arith.cmpi eq, %iota3A, %eq3A_76 : vector<1x128xi32>
    %reduce_sum3A_78 = vector.shape_cast %broadcast_in_dim3A_59 : vector<1x1024xf32> to vector<1x1x1024xf32>
    %reduce_sum3A_79 = arith.constant dense<0.000000e+00> : vector<1xf32>
    %reduce_sum3A_80 = vector.multi_reduction <add>, %reduce_sum3A_78, %reduce_sum3A_79 [1, 2] : vector<1x1x1024xf32> to vector<1xf32>
    %reduce_sum3A_81 = vector.shape_cast %reduce_sum3A_80 : vector<1xf32> to vector<1x1x1xf32>
    %reduce_sum3A_82 = vector.extract %reduce_sum3A_81[0, 0, 0] : f32 from vector<1x1x1xf32>
    %jit3A_83 = arith.constant 0.000000e+00 : f32
    %broadcast_in_dim3A_84 = vector.broadcast %reduce_sum3A_82 : f32 to vector<1x128xf32>
    %broadcast_in_dim3A_85 = vector.broadcast %jit3A_83 : f32 to vector<1x128xf32>
    %select_n3A_86 = arith.select %eq3A_77, %broadcast_in_dim3A_84, %broadcast_in_dim3A_85 : vector<1x128xi1>, vector<1x128xf32>
    %add3A_87 = arith.addf %add3A_50, %select_n3A_86 : vector<1x128xf32>
    %lt3A_88 = arith.constant 8 : i32
    %lt3A_89 = vector.broadcast %lt3A_88 : i32 to vector<16x1024xi32>
    %lt3A_90 = arith.cmpi slt, %iota3A_5, %lt3A_89 : vector<16x1024xi32>
    %jit3A_91 = arith.constant 0x7F800000 : f32
    %broadcast_in_dim3A_92 = vector.broadcast %jit3A_91 : f32 to vector<16x1024xf32>
    %select_n3A_93 = arith.select %lt3A_90, %sub3A, %broadcast_in_dim3A_92 : vector<16x1024xi1>, vector<16x1024xf32>
    %reduce_min3A_94 = arith.constant dense<0x7F800000> : vector<1024xf32>
    %reduce_min3A_95 = vector.multi_reduction <minimumf>, %select_n3A_93, %reduce_min3A_94 [0] : vector<16x1024xf32> to vector<1024xf32>
    %broadcast_in_dim3A_96 = vector.shape_cast %reduce_min3A_95 : vector<1024xf32> to vector<1x1024xf32>
    %eq3A_97 = vector.broadcast %broadcast_in_dim3A_96 : vector<1x1024xf32> to vector<16x1024xf32>
    %eq3A_98 = arith.cmpf oeq, %select_n3A_93, %eq3A_97 : vector<16x1024xf32>
    %jit3A_99 = arith.constant 16 : i32
    %broadcast_in_dim3A_100 = vector.broadcast %jit3A_99 : i32 to vector<16x1024xi32>
    %select_n3A_101 = arith.select %eq3A_98, %iota3A_5, %broadcast_in_dim3A_100 : vector<16x1024xi1>, vector<16x1024xi32>
    %reduce_min3A_102 = arith.constant dense<2147483647> : vector<1024xi32>
    %reduce_min3A_103 = vector.multi_reduction <minsi>, %select_n3A_101, %reduce_min3A_102 [0] : vector<16x1024xi32> to vector<1024xi32>
    %broadcast_in_dim3A_104 = vector.shape_cast %reduce_min3A_103 : vector<1024xi32> to vector<1x1024xi32>
    %squeeze3A_105 = vector.shape_cast %broadcast_in_dim3A_104 : vector<1x1024xi32> to vector<1024xi32>
    %swap3A_106 = arith.constant 2 : index
    %swap3A_107 = arith.constant 0 : index
    %swap3A_108 = arith.constant 0 : index
    %swap3A_109 = vector.load %arg4[%swap3A_106, %swap3A_107, %swap3A_108] : memref<4x8x1024xi32, #tpu.memory_space<vmem>>, vector<1x1x1024xi32>
    %swap3A_110 = vector.shape_cast %swap3A_109 : vector<1x1x1024xi32> to vector<1024xi32>
    %swap3A_111 = vector.shape_cast %squeeze3A_105 : vector<1024xi32> to vector<1x1x1024xi32>
    tpu.vector_store %arg4[%swap3A_106, %swap3A_107, %swap3A_108], %swap3A_111 {strides = array<i32>} : memref<4x8x1024xi32, #tpu.memory_space<vmem>>, vector<1x1x1024xi32>,
    %eq3A_112 = arith.constant 2 : i32
    %eq3A_113 = vector.broadcast %eq3A_112 : i32 to vector<1x128xi32>
    %eq3A_114 = arith.cmpi eq, %iota3A, %eq3A_113 : vector<1x128xi32>
    %reduce_sum3A_115 = vector.shape_cast %broadcast_in_dim3A_96 : vector<1x1024xf32> to vector<1x1x1024xf32>
    %reduce_sum3A_116 = arith.constant dense<0.000000e+00> : vector<1xf32>
    %reduce_sum3A_117 = vector.multi_reduction <add>, %reduce_sum3A_115, %reduce_sum3A_116 [1, 2] : vector<1x1x1024xf32> to vector<1xf32>
    %reduce_sum3A_118 = vector.shape_cast %reduce_sum3A_117 : vector<1xf32> to vector<1x1x1xf32>
    %reduce_sum3A_119 = vector.extract %reduce_sum3A_118[0, 0, 0] : f32 from vector<1x1x1xf32>
    %jit3A_120 = arith.constant 0.000000e+00 : f32
    %broadcast_in_dim3A_121 = vector.broadcast %reduce_sum3A_119 : f32 to vector<1x128xf32>
    %broadcast_in_dim3A_122 = vector.broadcast %jit3A_120 : f32 to vector<1x128xf32>
    %select_n3A_123 = arith.select %eq3A_114, %broadcast_in_dim3A_121, %broadcast_in_dim3A_122 : vector<1x128xi1>, vector<1x128xf32>
    %add3A_124 = arith.addf %add3A_87, %select_n3A_123 : vector<1x128xf32>
    %lt3A_125 = arith.constant 16 : i32
    %lt3A_126 = vector.broadcast %lt3A_125 : i32 to vector<16x1024xi32>
    %lt3A_127 = arith.cmpi slt, %iota3A_5, %lt3A_126 : vector<16x1024xi32>
    %jit3A_128 = arith.constant 0x7F800000 : f32
    %broadcast_in_dim3A_129 = vector.broadcast %jit3A_128 : f32 to vector<16x1024xf32>
    %select_n3A_130 = arith.select %lt3A_127, %sub3A, %broadcast_in_dim3A_129 : vector<16x1024xi1>, vector<16x1024xf32>
    %reduce_min3A_131 = arith.constant dense<0x7F800000> : vector<1024xf32>
    %reduce_min3A_132 = vector.multi_reduction <minimumf>, %select_n3A_130, %reduce_min3A_131 [0] : vector<16x1024xf32> to vector<1024xf32>
    %broadcast_in_dim3A_133 = vector.shape_cast %reduce_min3A_132 : vector<1024xf32> to vector<1x1024xf32>
    %eq3A_134 = vector.broadcast %broadcast_in_dim3A_133 : vector<1x1024xf32> to vector<16x1024xf32>
    %eq3A_135 = arith.cmpf oeq, %select_n3A_130, %eq3A_134 : vector<16x1024xf32>
    %jit3A_136 = arith.constant 16 : i32
    %broadcast_in_dim3A_137 = vector.broadcast %jit3A_136 : i32 to vector<16x1024xi32>
    %select_n3A_138 = arith.select %eq3A_135, %iota3A_5, %broadcast_in_dim3A_137 : vector<16x1024xi1>, vector<16x1024xi32>
    %reduce_min3A_139 = arith.constant dense<2147483647> : vector<1024xi32>
    %reduce_min3A_140 = vector.multi_reduction <minsi>, %select_n3A_138, %reduce_min3A_139 [0] : vector<16x1024xi32> to vector<1024xi32>
    %broadcast_in_dim3A_141 = vector.shape_cast %reduce_min3A_140 : vector<1024xi32> to vector<1x1024xi32>
    %squeeze3A_142 = vector.shape_cast %broadcast_in_dim3A_141 : vector<1x1024xi32> to vector<1024xi32>
    %swap3A_143 = arith.constant 3 : index
    %swap3A_144 = arith.constant 0 : index
    %swap3A_145 = arith.constant 0 : index
    %swap3A_146 = vector.load %arg4[%swap3A_143, %swap3A_144, %swap3A_145] : memref<4x8x1024xi32, #tpu.memory_space<vmem>>, vector<1x1x1024xi32>
    %swap3A_147 = vector.shape_cast %swap3A_146 : vector<1x1x1024xi32> to vector<1024xi32>
    %swap3A_148 = vector.shape_cast %squeeze3A_142 : vector<1024xi32> to vector<1x1x1024xi32>
    tpu.vector_store %arg4[%swap3A_143, %swap3A_144, %swap3A_145], %swap3A_148 {strides = array<i32>} : memref<4x8x1024xi32, #tpu.memory_space<vmem>>, vector<1x1x1024xi32>,
    %eq3A_149 = arith.constant 3 : i32
    %eq3A_150 = vector.broadcast %eq3A_149 : i32 to vector<1x128xi32>
    %eq3A_151 = arith.cmpi eq, %iota3A, %eq3A_150 : vector<1x128xi32>
    %reduce_sum3A_152 = vector.shape_cast %broadcast_in_dim3A_133 : vector<1x1024xf32> to vector<1x1x1024xf32>
    %reduce_sum3A_153 = arith.constant dense<0.000000e+00> : vector<1xf32>
    %reduce_sum3A_154 = vector.multi_reduction <add>, %reduce_sum3A_152, %reduce_sum3A_153 [1, 2] : vector<1x1x1024xf32> to vector<1xf32>
    %reduce_sum3A_155 = vector.shape_cast %reduce_sum3A_154 : vector<1xf32> to vector<1x1x1xf32>
    %reduce_sum3A_156 = vector.extract %reduce_sum3A_155[0, 0, 0] : f32 from vector<1x1x1xf32>
    %jit3A_157 = arith.constant 0.000000e+00 : f32
    %broadcast_in_dim3A_158 = vector.broadcast %reduce_sum3A_156 : f32 to vector<1x128xf32>
    %broadcast_in_dim3A_159 = vector.broadcast %jit3A_157 : f32 to vector<1x128xf32>
    %select_n3A_160 = arith.select %eq3A_151, %broadcast_in_dim3A_158, %broadcast_in_dim3A_159 : vector<1x128xi1>, vector<1x128xf32>
    %add3A_161 = arith.addf %add3A_124, %select_n3A_160 : vector<1x128xf32>
    %get3A_162 = arith.constant 1 : index
    %get3A_163 = arith.constant 0 : index
    %get3A_164 = arith.constant 0 : index
    %get3A_165 = vector.load %arg1[%get3A_162, %get3A_163, %get3A_164] : memref<8x64x1024xf32, #tpu.memory_space<vmem>>, vector<1x64x1024xf32>
    %get3A_166 = vector.shape_cast %get3A_165 : vector<1x64x1024xf32> to vector<64x1024xf32>
    %dot_general3A_167 = arith.constant dense<0.000000e+00> : vector<16x1024xf32>
    %dot_general3A_168 = tpu.matmul %get3A_1, %get3A_166, %dot_general3A_167 {dimension_numbers = #tpu.dot_dimension_numbers<[1], [0], [0], [1], [0, 0, 1, 1], [], []>, transpose_lhs_hint = false} : vector<16x64xf32>, vector<64x1024xf32>, vector<16x1024xf32> -> vector<16x1024xf32>
    %mul3A_169 = arith.mulf %get3A_166, %get3A_166 : vector<64x1024xf32>
    %reduce_sum3A_170 = arith.constant dense<0.000000e+00> : vector<1024xf32>
    %reduce_sum3A_171 = vector.multi_reduction <add>, %mul3A_169, %reduce_sum3A_170 [0] : vector<64x1024xf32> to vector<1024xf32>
    %broadcast_in_dim3A_172 = vector.shape_cast %reduce_sum3A_171 : vector<1024xf32> to vector<1x1024xf32>
    %add3A_173 = vector.broadcast %broadcast_in_dim3A_172 : vector<1x1024xf32> to vector<16x1024xf32>
    %add3A_174 = vector.broadcast %broadcast_in_dim3A : vector<16x1xf32> to vector<16x1024xf32>
    %add3A_175 = arith.addf %add3A_173, %add3A_174 : vector<16x1024xf32>
    %mul3A_176 = arith.constant 2.000000e+00 : f32
    %mul3A_177 = vector.broadcast %mul3A_176 : f32 to vector<16x1024xf32>
    %mul3A_178 = arith.mulf %mul3A_177, %dot_general3A_168 : vector<16x1024xf32>
    %sub3A_179 = arith.subf %add3A_175, %mul3A_178 : vector<16x1024xf32>
    %lt3A_180 = arith.constant 2 : i32
    %lt3A_181 = vector.broadcast %lt3A_180 : i32 to vector<16x1024xi32>
    %lt3A_182 = arith.cmpi slt, %iota3A_5, %lt3A_181 : vector<16x1024xi32>
    %jit3A_183 = arith.constant 0x7F800000 : f32
    %broadcast_in_dim3A_184 = vector.broadcast %jit3A_183 : f32 to vector<16x1024xf32>
    %select_n3A_185 = arith.select %lt3A_182, %sub3A_179, %broadcast_in_dim3A_184 : vector<16x1024xi1>, vector<16x1024xf32>
    %reduce_min3A_186 = arith.constant dense<0x7F800000> : vector<1024xf32>
    %reduce_min3A_187 = vector.multi_reduction <minimumf>, %select_n3A_185, %reduce_min3A_186 [0] : vector<16x1024xf32> to vector<1024xf32>
    %broadcast_in_dim3A_188 = vector.shape_cast %reduce_min3A_187 : vector<1024xf32> to vector<1x1024xf32>
    %eq3A_189 = vector.broadcast %broadcast_in_dim3A_188 : vector<1x1024xf32> to vector<16x1024xf32>
    %eq3A_190 = arith.cmpf oeq, %select_n3A_185, %eq3A_189 : vector<16x1024xf32>
    %jit3A_191 = arith.constant 16 : i32
    %broadcast_in_dim3A_192 = vector.broadcast %jit3A_191 : i32 to vector<16x1024xi32>
    %select_n3A_193 = arith.select %eq3A_190, %iota3A_5, %broadcast_in_dim3A_192 : vector<16x1024xi1>, vector<16x1024xi32>
    %reduce_min3A_194 = arith.constant dense<2147483647> : vector<1024xi32>
    %reduce_min3A_195 = vector.multi_reduction <minsi>, %select_n3A_193, %reduce_min3A_194 [0] : vector<16x1024xi32> to vector<1024xi32>
    %broadcast_in_dim3A_196 = vector.shape_cast %reduce_min3A_195 : vector<1024xi32> to vector<1x1024xi32>
    %squeeze3A_197 = vector.shape_cast %broadcast_in_dim3A_196 : vector<1x1024xi32> to vector<1024xi32>
    %swap3A_198 = arith.constant 0 : index
    %swap3A_199 = arith.constant 1 : index
    %swap3A_200 = arith.constant 0 : index
    %swap3A_201 = vector.load %arg4[%swap3A_198, %swap3A_199, %swap3A_200] : memref<4x8x1024xi32, #tpu.memory_space<vmem>>, vector<1x1x1024xi32>
    %swap3A_202 = vector.shape_cast %swap3A_201 : vector<1x1x1024xi32> to vector<1024xi32>
    %swap3A_203 = vector.shape_cast %squeeze3A_197 : vector<1024xi32> to vector<1x1x1024xi32>
    tpu.vector_store %arg4[%swap3A_198, %swap3A_199, %swap3A_200], %swap3A_203 {strides = array<i32>} : memref<4x8x1024xi32, #tpu.memory_space<vmem>>, vector<1x1x1024xi32>,
    %eq3A_204 = arith.constant 0 : i32
    %eq3A_205 = vector.broadcast %eq3A_204 : i32 to vector<1x128xi32>
    %eq3A_206 = arith.cmpi eq, %iota3A, %eq3A_205 : vector<1x128xi32>
    %reduce_sum3A_207 = vector.shape_cast %broadcast_in_dim3A_188 : vector<1x1024xf32> to vector<1x1x1024xf32>
    %reduce_sum3A_208 = arith.constant dense<0.000000e+00> : vector<1xf32>
    %reduce_sum3A_209 = vector.multi_reduction <add>, %reduce_sum3A_207, %reduce_sum3A_208 [1, 2] : vector<1x1x1024xf32> to vector<1xf32>
    %reduce_sum3A_210 = vector.shape_cast %reduce_sum3A_209 : vector<1xf32> to vector<1x1x1xf32>
    %reduce_sum3A_211 = vector.extract %reduce_sum3A_210[0, 0, 0] : f32 from vector<1x1x1xf32>
    %jit3A_212 = arith.constant 0.000000e+00 : f32
    %broadcast_in_dim3A_213 = vector.broadcast %reduce_sum3A_211 : f32 to vector<1x128xf32>
    %broadcast_in_dim3A_214 = vector.broadcast %jit3A_212 : f32 to vector<1x128xf32>
    %select_n3A_215 = arith.select %eq3A_206, %broadcast_in_dim3A_213, %broadcast_in_dim3A_214 : vector<1x128xi1>, vector<1x128xf32>
    %add3A_216 = arith.addf %add3A_161, %select_n3A_215 : vector<1x128xf32>
    %lt3A_217 = arith.constant 4 : i32
    %lt3A_218 = vector.broadcast %lt3A_217 : i32 to vector<16x1024xi32>
    %lt3A_219 = arith.cmpi slt, %iota3A_5, %lt3A_218 : vector<16x1024xi32>
    %jit3A_220 = arith.constant 0x7F800000 : f32
    %broadcast_in_dim3A_221 = vector.broadcast %jit3A_220 : f32 to vector<16x1024xf32>
    %select_n3A_222 = arith.select %lt3A_219, %sub3A_179, %broadcast_in_dim3A_221 : vector<16x1024xi1>, vector<16x1024xf32>
    %reduce_min3A_223 = arith.constant dense<0x7F800000> : vector<1024xf32>
    %reduce_min3A_224 = vector.multi_reduction <minimumf>, %select_n3A_222, %reduce_min3A_223 [0] : vector<16x1024xf32> to vector<1024xf32>
    %broadcast_in_dim3A_225 = vector.shape_cast %reduce_min3A_224 : vector<1024xf32> to vector<1x1024xf32>
    %eq3A_226 = vector.broadcast %broadcast_in_dim3A_225 : vector<1x1024xf32> to vector<16x1024xf32>
    %eq3A_227 = arith.cmpf oeq, %select_n3A_222, %eq3A_226 : vector<16x1024xf32>
    %jit3A_228 = arith.constant 16 : i32
    %broadcast_in_dim3A_229 = vector.broadcast %jit3A_228 : i32 to vector<16x1024xi32>
    %select_n3A_230 = arith.select %eq3A_227, %iota3A_5, %broadcast_in_dim3A_229 : vector<16x1024xi1>, vector<16x1024xi32>
    %reduce_min3A_231 = arith.constant dense<2147483647> : vector<1024xi32>
    %reduce_min3A_232 = vector.multi_reduction <minsi>, %select_n3A_230, %reduce_min3A_231 [0] : vector<16x1024xi32> to vector<1024xi32>
    %broadcast_in_dim3A_233 = vector.shape_cast %reduce_min3A_232 : vector<1024xi32> to vector<1x1024xi32>
    %squeeze3A_234 = vector.shape_cast %broadcast_in_dim3A_233 : vector<1x1024xi32> to vector<1024xi32>
    %swap3A_235 = arith.constant 1 : index
    %swap3A_236 = arith.constant 1 : index
    %swap3A_237 = arith.constant 0 : index
    %swap3A_238 = vector.load %arg4[%swap3A_235, %swap3A_236, %swap3A_237] : memref<4x8x1024xi32, #tpu.memory_space<vmem>>, vector<1x1x1024xi32>
    %swap3A_239 = vector.shape_cast %swap3A_238 : vector<1x1x1024xi32> to vector<1024xi32>
    %swap3A_240 = vector.shape_cast %squeeze3A_234 : vector<1024xi32> to vector<1x1x1024xi32>
    tpu.vector_store %arg4[%swap3A_235, %swap3A_236, %swap3A_237], %swap3A_240 {strides = array<i32>} : memref<4x8x1024xi32, #tpu.memory_space<vmem>>, vector<1x1x1024xi32>,
    %eq3A_241 = arith.constant 1 : i32
    %eq3A_242 = vector.broadcast %eq3A_241 : i32 to vector<1x128xi32>
    %eq3A_243 = arith.cmpi eq, %iota3A, %eq3A_242 : vector<1x128xi32>
    %reduce_sum3A_244 = vector.shape_cast %broadcast_in_dim3A_225 : vector<1x1024xf32> to vector<1x1x1024xf32>
    %reduce_sum3A_245 = arith.constant dense<0.000000e+00> : vector<1xf32>
    %reduce_sum3A_246 = vector.multi_reduction <add>, %reduce_sum3A_244, %reduce_sum3A_245 [1, 2] : vector<1x1x1024xf32> to vector<1xf32>
    %reduce_sum3A_247 = vector.shape_cast %reduce_sum3A_246 : vector<1xf32> to vector<1x1x1xf32>
    %reduce_sum3A_248 = vector.extract %reduce_sum3A_247[0, 0, 0] : f32 from vector<1x1x1xf32>
    %jit3A_249 = arith.constant 0.000000e+00 : f32
    %broadcast_in_dim3A_250 = vector.broadcast %reduce_sum3A_248 : f32 to vector<1x128xf32>
    %broadcast_in_dim3A_251 = vector.broadcast %jit3A_249 : f32 to vector<1x128xf32>
    %select_n3A_252 = arith.select %eq3A_243, %broadcast_in_dim3A_250, %broadcast_in_dim3A_251 : vector<1x128xi1>, vector<1x128xf32>
    %add3A_253 = arith.addf %add3A_216, %select_n3A_252 : vector<1x128xf32>
    %lt3A_254 = arith.constant 8 : i32
    %lt3A_255 = vector.broadcast %lt3A_254 : i32 to vector<16x1024xi32>
    %lt3A_256 = arith.cmpi slt, %iota3A_5, %lt3A_255 : vector<16x1024xi32>
    %jit3A_257 = arith.constant 0x7F800000 : f32
    %broadcast_in_dim3A_258 = vector.broadcast %jit3A_257 : f32 to vector<16x1024xf32>
    %select_n3A_259 = arith.select %lt3A_256, %sub3A_179, %broadcast_in_dim3A_258 : vector<16x1024xi1>, vector<16x1024xf32>
    %reduce_min3A_260 = arith.constant dense<0x7F800000> : vector<1024xf32>
    %reduce_min3A_261 = vector.multi_reduction <minimumf>, %select_n3A_259, %reduce_min3A_260 [0] : vector<16x1024xf32> to vector<1024xf32>
    %broadcast_in_dim3A_262 = vector.shape_cast %reduce_min3A_261 : vector<1024xf32> to vector<1x1024xf32>
    %eq3A_263 = vector.broadcast %broadcast_in_dim3A_262 : vector<1x1024xf32> to vector<16x1024xf32>
    %eq3A_264 = arith.cmpf oeq, %select_n3A_259, %eq3A_263 : vector<16x1024xf32>
    %jit3A_265 = arith.constant 16 : i32
    %broadcast_in_dim3A_266 = vector.broadcast %jit3A_265 : i32 to vector<16x1024xi32>
    %select_n3A_267 = arith.select %eq3A_264, %iota3A_5, %broadcast_in_dim3A_266 : vector<16x1024xi1>, vector<16x1024xi32>
    %reduce_min3A_268 = arith.constant dense<2147483647> : vector<1024xi32>
    %reduce_min3A_269 = vector.multi_reduction <minsi>, %select_n3A_267, %reduce_min3A_268 [0] : vector<16x1024xi32> to vector<1024xi32>
    %broadcast_in_dim3A_270 = vector.shape_cast %reduce_min3A_269 : vector<1024xi32> to vector<1x1024xi32>
    %squeeze3A_271 = vector.shape_cast %broadcast_in_dim3A_270 : vector<1x1024xi32> to vector<1024xi32>
    %swap3A_272 = arith.constant 2 : index
    %swap3A_273 = arith.constant 1 : index
    %swap3A_274 = arith.constant 0 : index
    %swap3A_275 = vector.load %arg4[%swap3A_272, %swap3A_273, %swap3A_274] : memref<4x8x1024xi32, #tpu.memory_space<vmem>>, vector<1x1x1024xi32>
    %swap3A_276 = vector.shape_cast %swap3A_275 : vector<1x1x1024xi32> to vector<1024xi32>
    %swap3A_277 = vector.shape_cast %squeeze3A_271 : vector<1024xi32> to vector<1x1x1024xi32>
    tpu.vector_store %arg4[%swap3A_272, %swap3A_273, %swap3A_274], %swap3A_277 {strides = array<i32>} : memref<4x8x1024xi32, #tpu.memory_space<vmem>>, vector<1x1x1024xi32>,
    %eq3A_278 = arith.constant 2 : i32
    %eq3A_279 = vector.broadcast %eq3A_278 : i32 to vector<1x128xi32>
    %eq3A_280 = arith.cmpi eq, %iota3A, %eq3A_279 : vector<1x128xi32>
    %reduce_sum3A_281 = vector.shape_cast %broadcast_in_dim3A_262 : vector<1x1024xf32> to vector<1x1x1024xf32>
    %reduce_sum3A_282 = arith.constant dense<0.000000e+00> : vector<1xf32>
    %reduce_sum3A_283 = vector.multi_reduction <add>, %reduce_sum3A_281, %reduce_sum3A_282 [1, 2] : vector<1x1x1024xf32> to vector<1xf32>
    %reduce_sum3A_284 = vector.shape_cast %reduce_sum3A_283 : vector<1xf32> to vector<1x1x1xf32>
    %reduce_sum3A_285 = vector.extract %reduce_sum3A_284[0, 0, 0] : f32 from vector<1x1x1xf32>
    %jit3A_286 = arith.constant 0.000000e+00 : f32
    %broadcast_in_dim3A_287 = vector.broadcast %reduce_sum3A_285 : f32 to vector<1x128xf32>
    %broadcast_in_dim3A_288 = vector.broadcast %jit3A_286 : f32 to vector<1x128xf32>
    %select_n3A_289 = arith.select %eq3A_280, %broadcast_in_dim3A_287, %broadcast_in_dim3A_288 : vector<1x128xi1>, vector<1x128xf32>
    %add3A_290 = arith.addf %add3A_253, %select_n3A_289 : vector<1x128xf32>
    %lt3A_291 = arith.constant 16 : i32
    %lt3A_292 = vector.broadcast %lt3A_291 : i32 to vector<16x1024xi32>
    %lt3A_293 = arith.cmpi slt, %iota3A_5, %lt3A_292 : vector<16x1024xi32>
    %jit3A_294 = arith.constant 0x7F800000 : f32
    %broadcast_in_dim3A_295 = vector.broadcast %jit3A_294 : f32 to vector<16x1024xf32>
    %select_n3A_296 = arith.select %lt3A_293, %sub3A_179, %broadcast_in_dim3A_295 : vector<16x1024xi1>, vector<16x1024xf32>
    %reduce_min3A_297 = arith.constant dense<0x7F800000> : vector<1024xf32>
    %reduce_min3A_298 = vector.multi_reduction <minimumf>, %select_n3A_296, %reduce_min3A_297 [0] : vector<16x1024xf32> to vector<1024xf32>
    %broadcast_in_dim3A_299 = vector.shape_cast %reduce_min3A_298 : vector<1024xf32> to vector<1x1024xf32>
    %eq3A_300 = vector.broadcast %broadcast_in_dim3A_299 : vector<1x1024xf32> to vector<16x1024xf32>
    %eq3A_301 = arith.cmpf oeq, %select_n3A_296, %eq3A_300 : vector<16x1024xf32>
    %jit3A_302 = arith.constant 16 : i32
    %broadcast_in_dim3A_303 = vector.broadcast %jit3A_302 : i32 to vector<16x1024xi32>
    %select_n3A_304 = arith.select %eq3A_301, %iota3A_5, %broadcast_in_dim3A_303 : vector<16x1024xi1>, vector<16x1024xi32>
    %reduce_min3A_305 = arith.constant dense<2147483647> : vector<1024xi32>
    %reduce_min3A_306 = vector.multi_reduction <minsi>, %select_n3A_304, %reduce_min3A_305 [0] : vector<16x1024xi32> to vector<1024xi32>
    %broadcast_in_dim3A_307 = vector.shape_cast %reduce_min3A_306 : vector<1024xi32> to vector<1x1024xi32>
    %squeeze3A_308 = vector.shape_cast %broadcast_in_dim3A_307 : vector<1x1024xi32> to vector<1024xi32>
    %swap3A_309 = arith.constant 3 : index
    %swap3A_310 = arith.constant 1 : index
    %swap3A_311 = arith.constant 0 : index
    %swap3A_312 = vector.load %arg4[%swap3A_309, %swap3A_310, %swap3A_311] : memref<4x8x1024xi32, #tpu.memory_space<vmem>>, vector<1x1x1024xi32>
    %swap3A_313 = vector.shape_cast %swap3A_312 : vector<1x1x1024xi32> to vector<1024xi32>
    %swap3A_314 = vector.shape_cast %squeeze3A_308 : vector<1024xi32> to vector<1x1x1024xi32>
    tpu.vector_store %arg4[%swap3A_309, %swap3A_310, %swap3A_311], %swap3A_314 {strides = array<i32>} : memref<4x8x1024xi32, #tpu.memory_space<vmem>>, vector<1x1x1024xi32>,
    %eq3A_315 = arith.constant 3 : i32
    %eq3A_316 = vector.broadcast %eq3A_315 : i32 to vector<1x128xi32>
    %eq3A_317 = arith.cmpi eq, %iota3A, %eq3A_316 : vector<1x128xi32>
    %reduce_sum3A_318 = vector.shape_cast %broadcast_in_dim3A_299 : vector<1x1024xf32> to vector<1x1x1024xf32>
    %reduce_sum3A_319 = arith.constant dense<0.000000e+00> : vector<1xf32>
    %reduce_sum3A_320 = vector.multi_reduction <add>, %reduce_sum3A_318, %reduce_sum3A_319 [1, 2] : vector<1x1x1024xf32> to vector<1xf32>
    %reduce_sum3A_321 = vector.shape_cast %reduce_sum3A_320 : vector<1xf32> to vector<1x1x1xf32>
    %reduce_sum3A_322 = vector.extract %reduce_sum3A_321[0, 0, 0] : f32 from vector<1x1x1xf32>
    %jit3A_323 = arith.constant 0.000000e+00 : f32
    %broadcast_in_dim3A_324 = vector.broadcast %reduce_sum3A_322 : f32 to vector<1x128xf32>
    %broadcast_in_dim3A_325 = vector.broadcast %jit3A_323 : f32 to vector<1x128xf32>
    %select_n3A_326 = arith.select %eq3A_317, %broadcast_in_dim3A_324, %broadcast_in_dim3A_325 : vector<1x128xi1>, vector<1x128xf32>
    %add3A_327 = arith.addf %add3A_290, %select_n3A_326 : vector<1x128xf32>
    %get3A_328 = arith.constant 2 : index
    %get3A_329 = arith.constant 0 : index
    %get3A_330 = arith.constant 0 : index
    %get3A_331 = vector.load %arg1[%get3A_328, %get3A_329, %get3A_330] : memref<8x64x1024xf32, #tpu.memory_space<vmem>>, vector<1x64x1024xf32>
    %get3A_332 = vector.shape_cast %get3A_331 : vector<1x64x1024xf32> to vector<64x1024xf32>
    %dot_general3A_333 = arith.constant dense<0.000000e+00> : vector<16x1024xf32>
    %dot_general3A_334 = tpu.matmul %get3A_1, %get3A_332, %dot_general3A_333 {dimension_numbers = #tpu.dot_dimension_numbers<[1], [0], [0], [1], [0, 0, 1, 1], [], []>, transpose_lhs_hint = false} : vector<16x64xf32>, vector<64x1024xf32>, vector<16x1024xf32> -> vector<16x1024xf32>
    %mul3A_335 = arith.mulf %get3A_332, %get3A_332 : vector<64x1024xf32>
    %reduce_sum3A_336 = arith.constant dense<0.000000e+00> : vector<1024xf32>
    %reduce_sum3A_337 = vector.multi_reduction <add>, %mul3A_335, %reduce_sum3A_336 [0] : vector<64x1024xf32> to vector<1024xf32>
    %broadcast_in_dim3A_338 = vector.shape_cast %reduce_sum3A_337 : vector<1024xf32> to vector<1x1024xf32>
    %add3A_339 = vector.broadcast %broadcast_in_dim3A_338 : vector<1x1024xf32> to vector<16x1024xf32>
    %add3A_340 = vector.broadcast %broadcast_in_dim3A : vector<16x1xf32> to vector<16x1024xf32>
    %add3A_341 = arith.addf %add3A_339, %add3A_340 : vector<16x1024xf32>
    %mul3A_342 = arith.constant 2.000000e+00 : f32
    %mul3A_343 = vector.broadcast %mul3A_342 : f32 to vector<16x1024xf32>
    %mul3A_344 = arith.mulf %mul3A_343, %dot_general3A_334 : vector<16x1024xf32>
    %sub3A_345 = arith.subf %add3A_341, %mul3A_344 : vector<16x1024xf32>
    %lt3A_346 = arith.constant 2 : i32
    %lt3A_347 = vector.broadcast %lt3A_346 : i32 to vector<16x1024xi32>
    %lt3A_348 = arith.cmpi slt, %iota3A_5, %lt3A_347 : vector<16x1024xi32>
    %jit3A_349 = arith.constant 0x7F800000 : f32
    %broadcast_in_dim3A_350 = vector.broadcast %jit3A_349 : f32 to vector<16x1024xf32>
    %select_n3A_351 = arith.select %lt3A_348, %sub3A_345, %broadcast_in_dim3A_350 : vector<16x1024xi1>, vector<16x1024xf32>
    %reduce_min3A_352 = arith.constant dense<0x7F800000> : vector<1024xf32>
    %reduce_min3A_353 = vector.multi_reduction <minimumf>, %select_n3A_351, %reduce_min3A_352 [0] : vector<16x1024xf32> to vector<1024xf32>
    %broadcast_in_dim3A_354 = vector.shape_cast %reduce_min3A_353 : vector<1024xf32> to vector<1x1024xf32>
    %eq3A_355 = vector.broadcast %broadcast_in_dim3A_354 : vector<1x1024xf32> to vector<16x1024xf32>
    %eq3A_356 = arith.cmpf oeq, %select_n3A_351, %eq3A_355 : vector<16x1024xf32>
    %jit3A_357 = arith.constant 16 : i32
    %broadcast_in_dim3A_358 = vector.broadcast %jit3A_357 : i32 to vector<16x1024xi32>
    %select_n3A_359 = arith.select %eq3A_356, %iota3A_5, %broadcast_in_dim3A_358 : vector<16x1024xi1>, vector<16x1024xi32>
    %reduce_min3A_360 = arith.constant dense<2147483647> : vector<1024xi32>
    %reduce_min3A_361 = vector.multi_reduction <minsi>, %select_n3A_359, %reduce_min3A_360 [0] : vector<16x1024xi32> to vector<1024xi32>
    %broadcast_in_dim3A_362 = vector.shape_cast %reduce_min3A_361 : vector<1024xi32> to vector<1x1024xi32>
    %squeeze3A_363 = vector.shape_cast %broadcast_in_dim3A_362 : vector<1x1024xi32> to vector<1024xi32>
    %swap3A_364 = arith.constant 0 : index
    %swap3A_365 = arith.constant 2 : index
    %swap3A_366 = arith.constant 0 : index
    %swap3A_367 = vector.load %arg4[%swap3A_364, %swap3A_365, %swap3A_366] : memref<4x8x1024xi32, #tpu.memory_space<vmem>>, vector<1x1x1024xi32>
    %swap3A_368 = vector.shape_cast %swap3A_367 : vector<1x1x1024xi32> to vector<1024xi32>
    %swap3A_369 = vector.shape_cast %squeeze3A_363 : vector<1024xi32> to vector<1x1x1024xi32>
    tpu.vector_store %arg4[%swap3A_364, %swap3A_365, %swap3A_366], %swap3A_369 {strides = array<i32>} : memref<4x8x1024xi32, #tpu.memory_space<vmem>>, vector<1x1x1024xi32>,
    %eq3A_370 = arith.constant 0 : i32
    %eq3A_371 = vector.broadcast %eq3A_370 : i32 to vector<1x128xi32>
    %eq3A_372 = arith.cmpi eq, %iota3A, %eq3A_371 : vector<1x128xi32>
    %reduce_sum3A_373 = vector.shape_cast %broadcast_in_dim3A_354 : vector<1x1024xf32> to vector<1x1x1024xf32>
    %reduce_sum3A_374 = arith.constant dense<0.000000e+00> : vector<1xf32>
    %reduce_sum3A_375 = vector.multi_reduction <add>, %reduce_sum3A_373, %reduce_sum3A_374 [1, 2] : vector<1x1x1024xf32> to vector<1xf32>
    %reduce_sum3A_376 = vector.shape_cast %reduce_sum3A_375 : vector<1xf32> to vector<1x1x1xf32>
    %reduce_sum3A_377 = vector.extract %reduce_sum3A_376[0, 0, 0] : f32 from vector<1x1x1xf32>
    %jit3A_378 = arith.constant 0.000000e+00 : f32
    %broadcast_in_dim3A_379 = vector.broadcast %reduce_sum3A_377 : f32 to vector<1x128xf32>
    %broadcast_in_dim3A_380 = vector.broadcast %jit3A_378 : f32 to vector<1x128xf32>
    %select_n3A_381 = arith.select %eq3A_372, %broadcast_in_dim3A_379, %broadcast_in_dim3A_380 : vector<1x128xi1>, vector<1x128xf32>
    %add3A_382 = arith.addf %add3A_327, %select_n3A_381 : vector<1x128xf32>
    %lt3A_383 = arith.constant 4 : i32
    %lt3A_384 = vector.broadcast %lt3A_383 : i32 to vector<16x1024xi32>
    %lt3A_385 = arith.cmpi slt, %iota3A_5, %lt3A_384 : vector<16x1024xi32>
    %jit3A_386 = arith.constant 0x7F800000 : f32
    %broadcast_in_dim3A_387 = vector.broadcast %jit3A_386 : f32 to vector<16x1024xf32>
    %select_n3A_388 = arith.select %lt3A_385, %sub3A_345, %broadcast_in_dim3A_387 : vector<16x1024xi1>, vector<16x1024xf32>
    %reduce_min3A_389 = arith.constant dense<0x7F800000> : vector<1024xf32>
    %reduce_min3A_390 = vector.multi_reduction <minimumf>, %select_n3A_388, %reduce_min3A_389 [0] : vector<16x1024xf32> to vector<1024xf32>
    %broadcast_in_dim3A_391 = vector.shape_cast %reduce_min3A_390 : vector<1024xf32> to vector<1x1024xf32>
    %eq3A_392 = vector.broadcast %broadcast_in_dim3A_391 : vector<1x1024xf32> to vector<16x1024xf32>
    %eq3A_393 = arith.cmpf oeq, %select_n3A_388, %eq3A_392 : vector<16x1024xf32>
    %jit3A_394 = arith.constant 16 : i32
    %broadcast_in_dim3A_395 = vector.broadcast %jit3A_394 : i32 to vector<16x1024xi32>
    %select_n3A_396 = arith.select %eq3A_393, %iota3A_5, %broadcast_in_dim3A_395 : vector<16x1024xi1>, vector<16x1024xi32>
    %reduce_min3A_397 = arith.constant dense<2147483647> : vector<1024xi32>
    %reduce_min3A_398 = vector.multi_reduction <minsi>, %select_n3A_396, %reduce_min3A_397 [0] : vector<16x1024xi32> to vector<1024xi32>
    %broadcast_in_dim3A_399 = vector.shape_cast %reduce_min3A_398 : vector<1024xi32> to vector<1x1024xi32>
    %squeeze3A_400 = vector.shape_cast %broadcast_in_dim3A_399 : vector<1x1024xi32> to vector<1024xi32>
    %swap3A_401 = arith.constant 1 : index
    %swap3A_402 = arith.constant 2 : index
    %swap3A_403 = arith.constant 0 : index
    %swap3A_404 = vector.load %arg4[%swap3A_401, %swap3A_402, %swap3A_403] : memref<4x8x1024xi32, #tpu.memory_space<vmem>>, vector<1x1x1024xi32>
    %swap3A_405 = vector.shape_cast %swap3A_404 : vector<1x1x1024xi32> to vector<1024xi32>
    %swap3A_406 = vector.shape_cast %squeeze3A_400 : vector<1024xi32> to vector<1x1x1024xi32>
    tpu.vector_store %arg4[%swap3A_401, %swap3A_402, %swap3A_403], %swap3A_406 {strides = array<i32>} : memref<4x8x1024xi32, #tpu.memory_space<vmem>>, vector<1x1x1024xi32>,
    %eq3A_407 = arith.constant 1 : i32
    %eq3A_408 = vector.broadcast %eq3A_407 : i32 to vector<1x128xi32>
    %eq3A_409 = arith.cmpi eq, %iota3A, %eq3A_408 : vector<1x128xi32>
    %reduce_sum3A_410 = vector.shape_cast %broadcast_in_dim3A_391 : vector<1x1024xf32> to vector<1x1x1024xf32>
    %reduce_sum3A_411 = arith.constant dense<0.000000e+00> : vector<1xf32>
    %reduce_sum3A_412 = vector.multi_reduction <add>, %reduce_sum3A_410, %reduce_sum3A_411 [1, 2] : vector<1x1x1024xf32> to vector<1xf32>
    %reduce_sum3A_413 = vector.shape_cast %reduce_sum3A_412 : vector<1xf32> to vector<1x1x1xf32>
    %reduce_sum3A_414 = vector.extract %reduce_sum3A_413[0, 0, 0] : f32 from vector<1x1x1xf32>
    %jit3A_415 = arith.constant 0.000000e+00 : f32
    %broadcast_in_dim3A_416 = vector.broadcast %reduce_sum3A_414 : f32 to vector<1x128xf32>
    %broadcast_in_dim3A_417 = vector.broadcast %jit3A_415 : f32 to vector<1x128xf32>
    %select_n3A_418 = arith.select %eq3A_409, %broadcast_in_dim3A_416, %broadcast_in_dim3A_417 : vector<1x128xi1>, vector<1x128xf32>
    %add3A_419 = arith.addf %add3A_382, %select_n3A_418 : vector<1x128xf32>
    %lt3A_420 = arith.constant 8 : i32
    %lt3A_421 = vector.broadcast %lt3A_420 : i32 to vector<16x1024xi32>
    %lt3A_422 = arith.cmpi slt, %iota3A_5, %lt3A_421 : vector<16x1024xi32>
    %jit3A_423 = arith.constant 0x7F800000 : f32
    %broadcast_in_dim3A_424 = vector.broadcast %jit3A_423 : f32 to vector<16x1024xf32>
    %select_n3A_425 = arith.select %lt3A_422, %sub3A_345, %broadcast_in_dim3A_424 : vector<16x1024xi1>, vector<16x1024xf32>
    %reduce_min3A_426 = arith.constant dense<0x7F800000> : vector<1024xf32>
    %reduce_min3A_427 = vector.multi_reduction <minimumf>, %select_n3A_425, %reduce_min3A_426 [0] : vector<16x1024xf32> to vector<1024xf32>
    %broadcast_in_dim3A_428 = vector.shape_cast %reduce_min3A_427 : vector<1024xf32> to vector<1x1024xf32>
    %eq3A_429 = vector.broadcast %broadcast_in_dim3A_428 : vector<1x1024xf32> to vector<16x1024xf32>
    %eq3A_430 = arith.cmpf oeq, %select_n3A_425, %eq3A_429 : vector<16x1024xf32>
    %jit3A_431 = arith.constant 16 : i32
    %broadcast_in_dim3A_432 = vector.broadcast %jit3A_431 : i32 to vector<16x1024xi32>
    %select_n3A_433 = arith.select %eq3A_430, %iota3A_5, %broadcast_in_dim3A_432 : vector<16x1024xi1>, vector<16x1024xi32>
    %reduce_min3A_434 = arith.constant dense<2147483647> : vector<1024xi32>
    %reduce_min3A_435 = vector.multi_reduction <minsi>, %select_n3A_433, %reduce_min3A_434 [0] : vector<16x1024xi32> to vector<1024xi32>
    %broadcast_in_dim3A_436 = vector.shape_cast %reduce_min3A_435 : vector<1024xi32> to vector<1x1024xi32>
    %squeeze3A_437 = vector.shape_cast %broadcast_in_dim3A_436 : vector<1x1024xi32> to vector<1024xi32>
    %swap3A_438 = arith.constant 2 : index
    %swap3A_439 = arith.constant 2 : index
    %swap3A_440 = arith.constant 0 : index
    %swap3A_441 = vector.load %arg4[%swap3A_438, %swap3A_439, %swap3A_440] : memref<4x8x1024xi32, #tpu.memory_space<vmem>>, vector<1x1x1024xi32>
    %swap3A_442 = vector.shape_cast %swap3A_441 : vector<1x1x1024xi32> to vector<1024xi32>
    %swap3A_443 = vector.shape_cast %squeeze3A_437 : vector<1024xi32> to vector<1x1x1024xi32>
    tpu.vector_store %arg4[%swap3A_438, %swap3A_439, %swap3A_440], %swap3A_443 {strides = array<i32>} : memref<4x8x1024xi32, #tpu.memory_space<vmem>>, vector<1x1x1024xi32>,
    %eq3A_444 = arith.constant 2 : i32
    %eq3A_445 = vector.broadcast %eq3A_444 : i32 to vector<1x128xi32>
    %eq3A_446 = arith.cmpi eq, %iota3A, %eq3A_445 : vector<1x128xi32>
    %reduce_sum3A_447 = vector.shape_cast %broadcast_in_dim3A_428 : vector<1x1024xf32> to vector<1x1x1024xf32>
    %reduce_sum3A_448 = arith.constant dense<0.000000e+00> : vector<1xf32>
    %reduce_sum3A_449 = vector.multi_reduction <add>, %reduce_sum3A_447, %reduce_sum3A_448 [1, 2] : vector<1x1x1024xf32> to vector<1xf32>
    %reduce_sum3A_450 = vector.shape_cast %reduce_sum3A_449 : vector<1xf32> to vector<1x1x1xf32>
    %reduce_sum3A_451 = vector.extract %reduce_sum3A_450[0, 0, 0] : f32 from vector<1x1x1xf32>
    %jit3A_452 = arith.constant 0.000000e+00 : f32
    %broadcast_in_dim3A_453 = vector.broadcast %reduce_sum3A_451 : f32 to vector<1x128xf32>
    %broadcast_in_dim3A_454 = vector.broadcast %jit3A_452 : f32 to vector<1x128xf32>
    %select_n3A_455 = arith.select %eq3A_446, %broadcast_in_dim3A_453, %broadcast_in_dim3A_454 : vector<1x128xi1>, vector<1x128xf32>
    %add3A_456 = arith.addf %add3A_419, %select_n3A_455 : vector<1x128xf32>
    %lt3A_457 = arith.constant 16 : i32
    %lt3A_458 = vector.broadcast %lt3A_457 : i32 to vector<16x1024xi32>
    %lt3A_459 = arith.cmpi slt, %iota3A_5, %lt3A_458 : vector<16x1024xi32>
    %jit3A_460 = arith.constant 0x7F800000 : f32
    %broadcast_in_dim3A_461 = vector.broadcast %jit3A_460 : f32 to vector<16x1024xf32>
    %select_n3A_462 = arith.select %lt3A_459, %sub3A_345, %broadcast_in_dim3A_461 : vector<16x1024xi1>, vector<16x1024xf32>
    %reduce_min3A_463 = arith.constant dense<0x7F800000> : vector<1024xf32>
    %reduce_min3A_464 = vector.multi_reduction <minimumf>, %select_n3A_462, %reduce_min3A_463 [0] : vector<16x1024xf32> to vector<1024xf32>
    %broadcast_in_dim3A_465 = vector.shape_cast %reduce_min3A_464 : vector<1024xf32> to vector<1x1024xf32>
    %eq3A_466 = vector.broadcast %broadcast_in_dim3A_465 : vector<1x1024xf32> to vector<16x1024xf32>
    %eq3A_467 = arith.cmpf oeq, %select_n3A_462, %eq3A_466 : vector<16x1024xf32>
    %jit3A_468 = arith.constant 16 : i32
    %broadcast_in_dim3A_469 = vector.broadcast %jit3A_468 : i32 to vector<16x1024xi32>
    %select_n3A_470 = arith.select %eq3A_467, %iota3A_5, %broadcast_in_dim3A_469 : vector<16x1024xi1>, vector<16x1024xi32>
    %reduce_min3A_471 = arith.constant dense<2147483647> : vector<1024xi32>
    %reduce_min3A_472 = vector.multi_reduction <minsi>, %select_n3A_470, %reduce_min3A_471 [0] : vector<16x1024xi32> to vector<1024xi32>
    %broadcast_in_dim3A_473 = vector.shape_cast %reduce_min3A_472 : vector<1024xi32> to vector<1x1024xi32>
    %squeeze3A_474 = vector.shape_cast %broadcast_in_dim3A_473 : vector<1x1024xi32> to vector<1024xi32>
    %swap3A_475 = arith.constant 3 : index
    %swap3A_476 = arith.constant 2 : index
    %swap3A_477 = arith.constant 0 : index
    %swap3A_478 = vector.load %arg4[%swap3A_475, %swap3A_476, %swap3A_477] : memref<4x8x1024xi32, #tpu.memory_space<vmem>>, vector<1x1x1024xi32>
    %swap3A_479 = vector.shape_cast %swap3A_478 : vector<1x1x1024xi32> to vector<1024xi32>
    %swap3A_480 = vector.shape_cast %squeeze3A_474 : vector<1024xi32> to vector<1x1x1024xi32>
    tpu.vector_store %arg4[%swap3A_475, %swap3A_476, %swap3A_477], %swap3A_480 {strides = array<i32>} : memref<4x8x1024xi32, #tpu.memory_space<vmem>>, vector<1x1x1024xi32>,
    %eq3A_481 = arith.constant 3 : i32
    %eq3A_482 = vector.broadcast %eq3A_481 : i32 to vector<1x128xi32>
    %eq3A_483 = arith.cmpi eq, %iota3A, %eq3A_482 : vector<1x128xi32>
    %reduce_sum3A_484 = vector.shape_cast %broadcast_in_dim3A_465 : vector<1x1024xf32> to vector<1x1x1024xf32>
    %reduce_sum3A_485 = arith.constant dense<0.000000e+00> : vector<1xf32>
    %reduce_sum3A_486 = vector.multi_reduction <add>, %reduce_sum3A_484, %reduce_sum3A_485 [1, 2] : vector<1x1x1024xf32> to vector<1xf32>
    %reduce_sum3A_487 = vector.shape_cast %reduce_sum3A_486 : vector<1xf32> to vector<1x1x1xf32>
    %reduce_sum3A_488 = vector.extract %reduce_sum3A_487[0, 0, 0] : f32 from vector<1x1x1xf32>
    %jit3A_489 = arith.constant 0.000000e+00 : f32
    %broadcast_in_dim3A_490 = vector.broadcast %reduce_sum3A_488 : f32 to vector<1x128xf32>
    %broadcast_in_dim3A_491 = vector.broadcast %jit3A_489 : f32 to vector<1x128xf32>
    %select_n3A_492 = arith.select %eq3A_483, %broadcast_in_dim3A_490, %broadcast_in_dim3A_491 : vector<1x128xi1>, vector<1x128xf32>
    %add3A_493 = arith.addf %add3A_456, %select_n3A_492 : vector<1x128xf32>
    %get3A_494 = arith.constant 3 : index
    %get3A_495 = arith.constant 0 : index
    %get3A_496 = arith.constant 0 : index
    %get3A_497 = vector.load %arg1[%get3A_494, %get3A_495, %get3A_496] : memref<8x64x1024xf32, #tpu.memory_space<vmem>>, vector<1x64x1024xf32>
    %get3A_498 = vector.shape_cast %get3A_497 : vector<1x64x1024xf32> to vector<64x1024xf32>
    %dot_general3A_499 = arith.constant dense<0.000000e+00> : vector<16x1024xf32>
    %dot_general3A_500 = tpu.matmul %get3A_1, %get3A_498, %dot_general3A_499 {dimension_numbers = #tpu.dot_dimension_numbers<[1], [0], [0], [1], [0, 0, 1, 1], [], []>, transpose_lhs_hint = false} : vector<16x64xf32>, vector<64x1024xf32>, vector<16x1024xf32> -> vector<16x1024xf32>
    %mul3A_501 = arith.mulf %get3A_498, %get3A_498 : vector<64x1024xf32>
    %reduce_sum3A_502 = arith.constant dense<0.000000e+00> : vector<1024xf32>
    %reduce_sum3A_503 = vector.multi_reduction <add>, %mul3A_501, %reduce_sum3A_502 [0] : vector<64x1024xf32> to vector<1024xf32>
    %broadcast_in_dim3A_504 = vector.shape_cast %reduce_sum3A_503 : vector<1024xf32> to vector<1x1024xf32>
    %add3A_505 = vector.broadcast %broadcast_in_dim3A_504 : vector<1x1024xf32> to vector<16x1024xf32>
    %add3A_506 = vector.broadcast %broadcast_in_dim3A : vector<16x1xf32> to vector<16x1024xf32>
    %add3A_507 = arith.addf %add3A_505, %add3A_506 : vector<16x1024xf32>
    %mul3A_508 = arith.constant 2.000000e+00 : f32
    %mul3A_509 = vector.broadcast %mul3A_508 : f32 to vector<16x1024xf32>
    %mul3A_510 = arith.mulf %mul3A_509, %dot_general3A_500 : vector<16x1024xf32>
    %sub3A_511 = arith.subf %add3A_507, %mul3A_510 : vector<16x1024xf32>
    %lt3A_512 = arith.constant 2 : i32
    %lt3A_513 = vector.broadcast %lt3A_512 : i32 to vector<16x1024xi32>
    %lt3A_514 = arith.cmpi slt, %iota3A_5, %lt3A_513 : vector<16x1024xi32>
    %jit3A_515 = arith.constant 0x7F800000 : f32
    %broadcast_in_dim3A_516 = vector.broadcast %jit3A_515 : f32 to vector<16x1024xf32>
    %select_n3A_517 = arith.select %lt3A_514, %sub3A_511, %broadcast_in_dim3A_516 : vector<16x1024xi1>, vector<16x1024xf32>
    %reduce_min3A_518 = arith.constant dense<0x7F800000> : vector<1024xf32>
    %reduce_min3A_519 = vector.multi_reduction <minimumf>, %select_n3A_517, %reduce_min3A_518 [0] : vector<16x1024xf32> to vector<1024xf32>
    %broadcast_in_dim3A_520 = vector.shape_cast %reduce_min3A_519 : vector<1024xf32> to vector<1x1024xf32>
    %eq3A_521 = vector.broadcast %broadcast_in_dim3A_520 : vector<1x1024xf32> to vector<16x1024xf32>
    %eq3A_522 = arith.cmpf oeq, %select_n3A_517, %eq3A_521 : vector<16x1024xf32>
    %jit3A_523 = arith.constant 16 : i32
    %broadcast_in_dim3A_524 = vector.broadcast %jit3A_523 : i32 to vector<16x1024xi32>
    %select_n3A_525 = arith.select %eq3A_522, %iota3A_5, %broadcast_in_dim3A_524 : vector<16x1024xi1>, vector<16x1024xi32>
    %reduce_min3A_526 = arith.constant dense<2147483647> : vector<1024xi32>
    %reduce_min3A_527 = vector.multi_reduction <minsi>, %select_n3A_525, %reduce_min3A_526 [0] : vector<16x1024xi32> to vector<1024xi32>
    %broadcast_in_dim3A_528 = vector.shape_cast %reduce_min3A_527 : vector<1024xi32> to vector<1x1024xi32>
    %squeeze3A_529 = vector.shape_cast %broadcast_in_dim3A_528 : vector<1x1024xi32> to vector<1024xi32>
    %swap3A_530 = arith.constant 0 : index
    %swap3A_531 = arith.constant 3 : index
    %swap3A_532 = arith.constant 0 : index
    %swap3A_533 = vector.load %arg4[%swap3A_530, %swap3A_531, %swap3A_532] : memref<4x8x1024xi32, #tpu.memory_space<vmem>>, vector<1x1x1024xi32>
    %swap3A_534 = vector.shape_cast %swap3A_533 : vector<1x1x1024xi32> to vector<1024xi32>
    %swap3A_535 = vector.shape_cast %squeeze3A_529 : vector<1024xi32> to vector<1x1x1024xi32>
    tpu.vector_store %arg4[%swap3A_530, %swap3A_531, %swap3A_532], %swap3A_535 {strides = array<i32>} : memref<4x8x1024xi32, #tpu.memory_space<vmem>>, vector<1x1x1024xi32>,
    %eq3A_536 = arith.constant 0 : i32
    %eq3A_537 = vector.broadcast %eq3A_536 : i32 to vector<1x128xi32>
    %eq3A_538 = arith.cmpi eq, %iota3A, %eq3A_537 : vector<1x128xi32>
    %reduce_sum3A_539 = vector.shape_cast %broadcast_in_dim3A_520 : vector<1x1024xf32> to vector<1x1x1024xf32>
    %reduce_sum3A_540 = arith.constant dense<0.000000e+00> : vector<1xf32>
    %reduce_sum3A_541 = vector.multi_reduction <add>, %reduce_sum3A_539, %reduce_sum3A_540 [1, 2] : vector<1x1x1024xf32> to vector<1xf32>
    %reduce_sum3A_542 = vector.shape_cast %reduce_sum3A_541 : vector<1xf32> to vector<1x1x1xf32>
    %reduce_sum3A_543 = vector.extract %reduce_sum3A_542[0, 0, 0] : f32 from vector<1x1x1xf32>
    %jit3A_544 = arith.constant 0.000000e+00 : f32
    %broadcast_in_dim3A_545 = vector.broadcast %reduce_sum3A_543 : f32 to vector<1x128xf32>
    %broadcast_in_dim3A_546 = vector.broadcast %jit3A_544 : f32 to vector<1x128xf32>
    %select_n3A_547 = arith.select %eq3A_538, %broadcast_in_dim3A_545, %broadcast_in_dim3A_546 : vector<1x128xi1>, vector<1x128xf32>
    %add3A_548 = arith.addf %add3A_493, %select_n3A_547 : vector<1x128xf32>
    %lt3A_549 = arith.constant 4 : i32
    %lt3A_550 = vector.broadcast %lt3A_549 : i32 to vector<16x1024xi32>
    %lt3A_551 = arith.cmpi slt, %iota3A_5, %lt3A_550 : vector<16x1024xi32>
    %jit3A_552 = arith.constant 0x7F800000 : f32
    %broadcast_in_dim3A_553 = vector.broadcast %jit3A_552 : f32 to vector<16x1024xf32>
    %select_n3A_554 = arith.select %lt3A_551, %sub3A_511, %broadcast_in_dim3A_553 : vector<16x1024xi1>, vector<16x1024xf32>
    %reduce_min3A_555 = arith.constant dense<0x7F800000> : vector<1024xf32>
    %reduce_min3A_556 = vector.multi_reduction <minimumf>, %select_n3A_554, %reduce_min3A_555 [0] : vector<16x1024xf32> to vector<1024xf32>
    %broadcast_in_dim3A_557 = vector.shape_cast %reduce_min3A_556 : vector<1024xf32> to vector<1x1024xf32>
    %eq3A_558 = vector.broadcast %broadcast_in_dim3A_557 : vector<1x1024xf32> to vector<16x1024xf32>
    %eq3A_559 = arith.cmpf oeq, %select_n3A_554, %eq3A_558 : vector<16x1024xf32>
    %jit3A_560 = arith.constant 16 : i32
    %broadcast_in_dim3A_561 = vector.broadcast %jit3A_560 : i32 to vector<16x1024xi32>
    %select_n3A_562 = arith.select %eq3A_559, %iota3A_5, %broadcast_in_dim3A_561 : vector<16x1024xi1>, vector<16x1024xi32>
    %reduce_min3A_563 = arith.constant dense<2147483647> : vector<1024xi32>
    %reduce_min3A_564 = vector.multi_reduction <minsi>, %select_n3A_562, %reduce_min3A_563 [0] : vector<16x1024xi32> to vector<1024xi32>
    %broadcast_in_dim3A_565 = vector.shape_cast %reduce_min3A_564 : vector<1024xi32> to vector<1x1024xi32>
    %squeeze3A_566 = vector.shape_cast %broadcast_in_dim3A_565 : vector<1x1024xi32> to vector<1024xi32>
    %swap3A_567 = arith.constant 1 : index
    %swap3A_568 = arith.constant 3 : index
    %swap3A_569 = arith.constant 0 : index
    %swap3A_570 = vector.load %arg4[%swap3A_567, %swap3A_568, %swap3A_569] : memref<4x8x1024xi32, #tpu.memory_space<vmem>>, vector<1x1x1024xi32>
    %swap3A_571 = vector.shape_cast %swap3A_570 : vector<1x1x1024xi32> to vector<1024xi32>
    %swap3A_572 = vector.shape_cast %squeeze3A_566 : vector<1024xi32> to vector<1x1x1024xi32>
    tpu.vector_store %arg4[%swap3A_567, %swap3A_568, %swap3A_569], %swap3A_572 {strides = array<i32>} : memref<4x8x1024xi32, #tpu.memory_space<vmem>>, vector<1x1x1024xi32>,
    %eq3A_573 = arith.constant 1 : i32
    %eq3A_574 = vector.broadcast %eq3A_573 : i32 to vector<1x128xi32>
    %eq3A_575 = arith.cmpi eq, %iota3A, %eq3A_574 : vector<1x128xi32>
    %reduce_sum3A_576 = vector.shape_cast %broadcast_in_dim3A_557 : vector<1x1024xf32> to vector<1x1x1024xf32>
    %reduce_sum3A_577 = arith.constant dense<0.000000e+00> : vector<1xf32>
    %reduce_sum3A_578 = vector.multi_reduction <add>, %reduce_sum3A_576, %reduce_sum3A_577 [1, 2] : vector<1x1x1024xf32> to vector<1xf32>
    %reduce_sum3A_579 = vector.shape_cast %reduce_sum3A_578 : vector<1xf32> to vector<1x1x1xf32>
    %reduce_sum3A_580 = vector.extract %reduce_sum3A_579[0, 0, 0] : f32 from vector<1x1x1xf32>
    %jit3A_581 = arith.constant 0.000000e+00 : f32
    %broadcast_in_dim3A_582 = vector.broadcast %reduce_sum3A_580 : f32 to vector<1x128xf32>
    %broadcast_in_dim3A_583 = vector.broadcast %jit3A_581 : f32 to vector<1x128xf32>
    %select_n3A_584 = arith.select %eq3A_575, %broadcast_in_dim3A_582, %broadcast_in_dim3A_583 : vector<1x128xi1>, vector<1x128xf32>
    %add3A_585 = arith.addf %add3A_548, %select_n3A_584 : vector<1x128xf32>
    %lt3A_586 = arith.constant 8 : i32
    %lt3A_587 = vector.broadcast %lt3A_586 : i32 to vector<16x1024xi32>
    %lt3A_588 = arith.cmpi slt, %iota3A_5, %lt3A_587 : vector<16x1024xi32>
    %jit3A_589 = arith.constant 0x7F800000 : f32
    %broadcast_in_dim3A_590 = vector.broadcast %jit3A_589 : f32 to vector<16x1024xf32>
    %select_n3A_591 = arith.select %lt3A_588, %sub3A_511, %broadcast_in_dim3A_590 : vector<16x1024xi1>, vector<16x1024xf32>
    %reduce_min3A_592 = arith.constant dense<0x7F800000> : vector<1024xf32>
    %reduce_min3A_593 = vector.multi_reduction <minimumf>, %select_n3A_591, %reduce_min3A_592 [0] : vector<16x1024xf32> to vector<1024xf32>
    %broadcast_in_dim3A_594 = vector.shape_cast %reduce_min3A_593 : vector<1024xf32> to vector<1x1024xf32>
    %eq3A_595 = vector.broadcast %broadcast_in_dim3A_594 : vector<1x1024xf32> to vector<16x1024xf32>
    %eq3A_596 = arith.cmpf oeq, %select_n3A_591, %eq3A_595 : vector<16x1024xf32>
    %jit3A_597 = arith.constant 16 : i32
    %broadcast_in_dim3A_598 = vector.broadcast %jit3A_597 : i32 to vector<16x1024xi32>
    %select_n3A_599 = arith.select %eq3A_596, %iota3A_5, %broadcast_in_dim3A_598 : vector<16x1024xi1>, vector<16x1024xi32>
    %reduce_min3A_600 = arith.constant dense<2147483647> : vector<1024xi32>
    %reduce_min3A_601 = vector.multi_reduction <minsi>, %select_n3A_599, %reduce_min3A_600 [0] : vector<16x1024xi32> to vector<1024xi32>
    %broadcast_in_dim3A_602 = vector.shape_cast %reduce_min3A_601 : vector<1024xi32> to vector<1x1024xi32>
    %squeeze3A_603 = vector.shape_cast %broadcast_in_dim3A_602 : vector<1x1024xi32> to vector<1024xi32>
    %swap3A_604 = arith.constant 2 : index
    %swap3A_605 = arith.constant 3 : index
    %swap3A_606 = arith.constant 0 : index
    %swap3A_607 = vector.load %arg4[%swap3A_604, %swap3A_605, %swap3A_606] : memref<4x8x1024xi32, #tpu.memory_space<vmem>>, vector<1x1x1024xi32>
    %swap3A_608 = vector.shape_cast %swap3A_607 : vector<1x1x1024xi32> to vector<1024xi32>
    %swap3A_609 = vector.shape_cast %squeeze3A_603 : vector<1024xi32> to vector<1x1x1024xi32>
    tpu.vector_store %arg4[%swap3A_604, %swap3A_605, %swap3A_606], %swap3A_609 {strides = array<i32>} : memref<4x8x1024xi32, #tpu.memory_space<vmem>>, vector<1x1x1024xi32>,
    %eq3A_610 = arith.constant 2 : i32
    %eq3A_611 = vector.broadcast %eq3A_610 : i32 to vector<1x128xi32>
    %eq3A_612 = arith.cmpi eq, %iota3A, %eq3A_611 : vector<1x128xi32>
    %reduce_sum3A_613 = vector.shape_cast %broadcast_in_dim3A_594 : vector<1x1024xf32> to vector<1x1x1024xf32>
    %reduce_sum3A_614 = arith.constant dense<0.000000e+00> : vector<1xf32>
    %reduce_sum3A_615 = vector.multi_reduction <add>, %reduce_sum3A_613, %reduce_sum3A_614 [1, 2] : vector<1x1x1024xf32> to vector<1xf32>
    %reduce_sum3A_616 = vector.shape_cast %reduce_sum3A_615 : vector<1xf32> to vector<1x1x1xf32>
    %reduce_sum3A_617 = vector.extract %reduce_sum3A_616[0, 0, 0] : f32 from vector<1x1x1xf32>
    %jit3A_618 = arith.constant 0.000000e+00 : f32
    %broadcast_in_dim3A_619 = vector.broadcast %reduce_sum3A_617 : f32 to vector<1x128xf32>
    %broadcast_in_dim3A_620 = vector.broadcast %jit3A_618 : f32 to vector<1x128xf32>
    %select_n3A_621 = arith.select %eq3A_612, %broadcast_in_dim3A_619, %broadcast_in_dim3A_620 : vector<1x128xi1>, vector<1x128xf32>
    %add3A_622 = arith.addf %add3A_585, %select_n3A_621 : vector<1x128xf32>
    %lt3A_623 = arith.constant 16 : i32
    %lt3A_624 = vector.broadcast %lt3A_623 : i32 to vector<16x1024xi32>
    %lt3A_625 = arith.cmpi slt, %iota3A_5, %lt3A_624 : vector<16x1024xi32>
    %jit3A_626 = arith.constant 0x7F800000 : f32
    %broadcast_in_dim3A_627 = vector.broadcast %jit3A_626 : f32 to vector<16x1024xf32>
    %select_n3A_628 = arith.select %lt3A_625, %sub3A_511, %broadcast_in_dim3A_627 : vector<16x1024xi1>, vector<16x1024xf32>
    %reduce_min3A_629 = arith.constant dense<0x7F800000> : vector<1024xf32>
    %reduce_min3A_630 = vector.multi_reduction <minimumf>, %select_n3A_628, %reduce_min3A_629 [0] : vector<16x1024xf32> to vector<1024xf32>
    %broadcast_in_dim3A_631 = vector.shape_cast %reduce_min3A_630 : vector<1024xf32> to vector<1x1024xf32>
    %eq3A_632 = vector.broadcast %broadcast_in_dim3A_631 : vector<1x1024xf32> to vector<16x1024xf32>
    %eq3A_633 = arith.cmpf oeq, %select_n3A_628, %eq3A_632 : vector<16x1024xf32>
    %jit3A_634 = arith.constant 16 : i32
    %broadcast_in_dim3A_635 = vector.broadcast %jit3A_634 : i32 to vector<16x1024xi32>
    %select_n3A_636 = arith.select %eq3A_633, %iota3A_5, %broadcast_in_dim3A_635 : vector<16x1024xi1>, vector<16x1024xi32>
    %reduce_min3A_637 = arith.constant dense<2147483647> : vector<1024xi32>
    %reduce_min3A_638 = vector.multi_reduction <minsi>, %select_n3A_636, %reduce_min3A_637 [0] : vector<16x1024xi32> to vector<1024xi32>
    %broadcast_in_dim3A_639 = vector.shape_cast %reduce_min3A_638 : vector<1024xi32> to vector<1x1024xi32>
    %squeeze3A_640 = vector.shape_cast %broadcast_in_dim3A_639 : vector<1x1024xi32> to vector<1024xi32>
    %swap3A_641 = arith.constant 3 : index
    %swap3A_642 = arith.constant 3 : index
    %swap3A_643 = arith.constant 0 : index
    %swap3A_644 = vector.load %arg4[%swap3A_641, %swap3A_642, %swap3A_643] : memref<4x8x1024xi32, #tpu.memory_space<vmem>>, vector<1x1x1024xi32>
    %swap3A_645 = vector.shape_cast %swap3A_644 : vector<1x1x1024xi32> to vector<1024xi32>
    %swap3A_646 = vector.shape_cast %squeeze3A_640 : vector<1024xi32> to vector<1x1x1024xi32>
    tpu.vector_store %arg4[%swap3A_641, %swap3A_642, %swap3A_643], %swap3A_646 {strides = array<i32>} : memref<4x8x1024xi32, #tpu.memory_space<vmem>>, vector<1x1x1024xi32>,
    %eq3A_647 = arith.constant 3 : i32
    %eq3A_648 = vector.broadcast %eq3A_647 : i32 to vector<1x128xi32>
    %eq3A_649 = arith.cmpi eq, %iota3A, %eq3A_648 : vector<1x128xi32>
    %reduce_sum3A_650 = vector.shape_cast %broadcast_in_dim3A_631 : vector<1x1024xf32> to vector<1x1x1024xf32>
    %reduce_sum3A_651 = arith.constant dense<0.000000e+00> : vector<1xf32>
    %reduce_sum3A_652 = vector.multi_reduction <add>, %reduce_sum3A_650, %reduce_sum3A_651 [1, 2] : vector<1x1x1024xf32> to vector<1xf32>
    %reduce_sum3A_653 = vector.shape_cast %reduce_sum3A_652 : vector<1xf32> to vector<1x1x1xf32>
    %reduce_sum3A_654 = vector.extract %reduce_sum3A_653[0, 0, 0] : f32 from vector<1x1x1xf32>
    %jit3A_655 = arith.constant 0.000000e+00 : f32
    %broadcast_in_dim3A_656 = vector.broadcast %reduce_sum3A_654 : f32 to vector<1x128xf32>
    %broadcast_in_dim3A_657 = vector.broadcast %jit3A_655 : f32 to vector<1x128xf32>
    %select_n3A_658 = arith.select %eq3A_649, %broadcast_in_dim3A_656, %broadcast_in_dim3A_657 : vector<1x128xi1>, vector<1x128xf32>
    %add3A_659 = arith.addf %add3A_622, %select_n3A_658 : vector<1x128xf32>
    %get3A_660 = arith.constant 4 : index
    %get3A_661 = arith.constant 0 : index
    %get3A_662 = arith.constant 0 : index
    %get3A_663 = vector.load %arg1[%get3A_660, %get3A_661, %get3A_662] : memref<8x64x1024xf32, #tpu.memory_space<vmem>>, vector<1x64x1024xf32>
    %get3A_664 = vector.shape_cast %get3A_663 : vector<1x64x1024xf32> to vector<64x1024xf32>
    %dot_general3A_665 = arith.constant dense<0.000000e+00> : vector<16x1024xf32>
    %dot_general3A_666 = tpu.matmul %get3A_1, %get3A_664, %dot_general3A_665 {dimension_numbers = #tpu.dot_dimension_numbers<[1], [0], [0], [1], [0, 0, 1, 1], [], []>, transpose_lhs_hint = false} : vector<16x64xf32>, vector<64x1024xf32>, vector<16x1024xf32> -> vector<16x1024xf32>
    %mul3A_667 = arith.mulf %get3A_664, %get3A_664 : vector<64x1024xf32>
    %reduce_sum3A_668 = arith.constant dense<0.000000e+00> : vector<1024xf32>
    %reduce_sum3A_669 = vector.multi_reduction <add>, %mul3A_667, %reduce_sum3A_668 [0] : vector<64x1024xf32> to vector<1024xf32>
    %broadcast_in_dim3A_670 = vector.shape_cast %reduce_sum3A_669 : vector<1024xf32> to vector<1x1024xf32>
    %add3A_671 = vector.broadcast %broadcast_in_dim3A_670 : vector<1x1024xf32> to vector<16x1024xf32>
    %add3A_672 = vector.broadcast %broadcast_in_dim3A : vector<16x1xf32> to vector<16x1024xf32>
    %add3A_673 = arith.addf %add3A_671, %add3A_672 : vector<16x1024xf32>
    %mul3A_674 = arith.constant 2.000000e+00 : f32
    %mul3A_675 = vector.broadcast %mul3A_674 : f32 to vector<16x1024xf32>
    %mul3A_676 = arith.mulf %mul3A_675, %dot_general3A_666 : vector<16x1024xf32>
    %sub3A_677 = arith.subf %add3A_673, %mul3A_676 : vector<16x1024xf32>
    %lt3A_678 = arith.constant 2 : i32
    %lt3A_679 = vector.broadcast %lt3A_678 : i32 to vector<16x1024xi32>
    %lt3A_680 = arith.cmpi slt, %iota3A_5, %lt3A_679 : vector<16x1024xi32>
    %jit3A_681 = arith.constant 0x7F800000 : f32
    %broadcast_in_dim3A_682 = vector.broadcast %jit3A_681 : f32 to vector<16x1024xf32>
    %select_n3A_683 = arith.select %lt3A_680, %sub3A_677, %broadcast_in_dim3A_682 : vector<16x1024xi1>, vector<16x1024xf32>
    %reduce_min3A_684 = arith.constant dense<0x7F800000> : vector<1024xf32>
    %reduce_min3A_685 = vector.multi_reduction <minimumf>, %select_n3A_683, %reduce_min3A_684 [0] : vector<16x1024xf32> to vector<1024xf32>
    %broadcast_in_dim3A_686 = vector.shape_cast %reduce_min3A_685 : vector<1024xf32> to vector<1x1024xf32>
    %eq3A_687 = vector.broadcast %broadcast_in_dim3A_686 : vector<1x1024xf32> to vector<16x1024xf32>
    %eq3A_688 = arith.cmpf oeq, %select_n3A_683, %eq3A_687 : vector<16x1024xf32>
    %jit3A_689 = arith.constant 16 : i32
    %broadcast_in_dim3A_690 = vector.broadcast %jit3A_689 : i32 to vector<16x1024xi32>
    %select_n3A_691 = arith.select %eq3A_688, %iota3A_5, %broadcast_in_dim3A_690 : vector<16x1024xi1>, vector<16x1024xi32>
    %reduce_min3A_692 = arith.constant dense<2147483647> : vector<1024xi32>
    %reduce_min3A_693 = vector.multi_reduction <minsi>, %select_n3A_691, %reduce_min3A_692 [0] : vector<16x1024xi32> to vector<1024xi32>
    %broadcast_in_dim3A_694 = vector.shape_cast %reduce_min3A_693 : vector<1024xi32> to vector<1x1024xi32>
    %squeeze3A_695 = vector.shape_cast %broadcast_in_dim3A_694 : vector<1x1024xi32> to vector<1024xi32>
    %swap3A_696 = arith.constant 0 : index
    %swap3A_697 = arith.constant 4 : index
    %swap3A_698 = arith.constant 0 : index
    %swap3A_699 = vector.load %arg4[%swap3A_696, %swap3A_697, %swap3A_698] : memref<4x8x1024xi32, #tpu.memory_space<vmem>>, vector<1x1x1024xi32>
    %swap3A_700 = vector.shape_cast %swap3A_699 : vector<1x1x1024xi32> to vector<1024xi32>
    %swap3A_701 = vector.shape_cast %squeeze3A_695 : vector<1024xi32> to vector<1x1x1024xi32>
    tpu.vector_store %arg4[%swap3A_696, %swap3A_697, %swap3A_698], %swap3A_701 {strides = array<i32>} : memref<4x8x1024xi32, #tpu.memory_space<vmem>>, vector<1x1x1024xi32>,
    %eq3A_702 = arith.constant 0 : i32
    %eq3A_703 = vector.broadcast %eq3A_702 : i32 to vector<1x128xi32>
    %eq3A_704 = arith.cmpi eq, %iota3A, %eq3A_703 : vector<1x128xi32>
    %reduce_sum3A_705 = vector.shape_cast %broadcast_in_dim3A_686 : vector<1x1024xf32> to vector<1x1x1024xf32>
    %reduce_sum3A_706 = arith.constant dense<0.000000e+00> : vector<1xf32>
    %reduce_sum3A_707 = vector.multi_reduction <add>, %reduce_sum3A_705, %reduce_sum3A_706 [1, 2] : vector<1x1x1024xf32> to vector<1xf32>
    %reduce_sum3A_708 = vector.shape_cast %reduce_sum3A_707 : vector<1xf32> to vector<1x1x1xf32>
    %reduce_sum3A_709 = vector.extract %reduce_sum3A_708[0, 0, 0] : f32 from vector<1x1x1xf32>
    %jit3A_710 = arith.constant 0.000000e+00 : f32
    %broadcast_in_dim3A_711 = vector.broadcast %reduce_sum3A_709 : f32 to vector<1x128xf32>
    %broadcast_in_dim3A_712 = vector.broadcast %jit3A_710 : f32 to vector<1x128xf32>
    %select_n3A_713 = arith.select %eq3A_704, %broadcast_in_dim3A_711, %broadcast_in_dim3A_712 : vector<1x128xi1>, vector<1x128xf32>
    %add3A_714 = arith.addf %add3A_659, %select_n3A_713 : vector<1x128xf32>
    %lt3A_715 = arith.constant 4 : i32
    %lt3A_716 = vector.broadcast %lt3A_715 : i32 to vector<16x1024xi32>
    %lt3A_717 = arith.cmpi slt, %iota3A_5, %lt3A_716 : vector<16x1024xi32>
    %jit3A_718 = arith.constant 0x7F800000 : f32
    %broadcast_in_dim3A_719 = vector.broadcast %jit3A_718 : f32 to vector<16x1024xf32>
    %select_n3A_720 = arith.select %lt3A_717, %sub3A_677, %broadcast_in_dim3A_719 : vector<16x1024xi1>, vector<16x1024xf32>
    %reduce_min3A_721 = arith.constant dense<0x7F800000> : vector<1024xf32>
    %reduce_min3A_722 = vector.multi_reduction <minimumf>, %select_n3A_720, %reduce_min3A_721 [0] : vector<16x1024xf32> to vector<1024xf32>
    %broadcast_in_dim3A_723 = vector.shape_cast %reduce_min3A_722 : vector<1024xf32> to vector<1x1024xf32>
    %eq3A_724 = vector.broadcast %broadcast_in_dim3A_723 : vector<1x1024xf32> to vector<16x1024xf32>
    %eq3A_725 = arith.cmpf oeq, %select_n3A_720, %eq3A_724 : vector<16x1024xf32>
    %jit3A_726 = arith.constant 16 : i32
    %broadcast_in_dim3A_727 = vector.broadcast %jit3A_726 : i32 to vector<16x1024xi32>
    %select_n3A_728 = arith.select %eq3A_725, %iota3A_5, %broadcast_in_dim3A_727 : vector<16x1024xi1>, vector<16x1024xi32>
    %reduce_min3A_729 = arith.constant dense<2147483647> : vector<1024xi32>
    %reduce_min3A_730 = vector.multi_reduction <minsi>, %select_n3A_728, %reduce_min3A_729 [0] : vector<16x1024xi32> to vector<1024xi32>
    %broadcast_in_dim3A_731 = vector.shape_cast %reduce_min3A_730 : vector<1024xi32> to vector<1x1024xi32>
    %squeeze3A_732 = vector.shape_cast %broadcast_in_dim3A_731 : vector<1x1024xi32> to vector<1024xi32>
    %swap3A_733 = arith.constant 1 : index
    %swap3A_734 = arith.constant 4 : index
    %swap3A_735 = arith.constant 0 : index
    %swap3A_736 = vector.load %arg4[%swap3A_733, %swap3A_734, %swap3A_735] : memref<4x8x1024xi32, #tpu.memory_space<vmem>>, vector<1x1x1024xi32>
    %swap3A_737 = vector.shape_cast %swap3A_736 : vector<1x1x1024xi32> to vector<1024xi32>
    %swap3A_738 = vector.shape_cast %squeeze3A_732 : vector<1024xi32> to vector<1x1x1024xi32>
    tpu.vector_store %arg4[%swap3A_733, %swap3A_734, %swap3A_735], %swap3A_738 {strides = array<i32>} : memref<4x8x1024xi32, #tpu.memory_space<vmem>>, vector<1x1x1024xi32>,
    %eq3A_739 = arith.constant 1 : i32
    %eq3A_740 = vector.broadcast %eq3A_739 : i32 to vector<1x128xi32>
    %eq3A_741 = arith.cmpi eq, %iota3A, %eq3A_740 : vector<1x128xi32>
    %reduce_sum3A_742 = vector.shape_cast %broadcast_in_dim3A_723 : vector<1x1024xf32> to vector<1x1x1024xf32>
    %reduce_sum3A_743 = arith.constant dense<0.000000e+00> : vector<1xf32>
    %reduce_sum3A_744 = vector.multi_reduction <add>, %reduce_sum3A_742, %reduce_sum3A_743 [1, 2] : vector<1x1x1024xf32> to vector<1xf32>
    %reduce_sum3A_745 = vector.shape_cast %reduce_sum3A_744 : vector<1xf32> to vector<1x1x1xf32>
    %reduce_sum3A_746 = vector.extract %reduce_sum3A_745[0, 0, 0] : f32 from vector<1x1x1xf32>
    %jit3A_747 = arith.constant 0.000000e+00 : f32
    %broadcast_in_dim3A_748 = vector.broadcast %reduce_sum3A_746 : f32 to vector<1x128xf32>
    %broadcast_in_dim3A_749 = vector.broadcast %jit3A_747 : f32 to vector<1x128xf32>
    %select_n3A_750 = arith.select %eq3A_741, %broadcast_in_dim3A_748, %broadcast_in_dim3A_749 : vector<1x128xi1>, vector<1x128xf32>
    %add3A_751 = arith.addf %add3A_714, %select_n3A_750 : vector<1x128xf32>
    %lt3A_752 = arith.constant 8 : i32
    %lt3A_753 = vector.broadcast %lt3A_752 : i32 to vector<16x1024xi32>
    %lt3A_754 = arith.cmpi slt, %iota3A_5, %lt3A_753 : vector<16x1024xi32>
    %jit3A_755 = arith.constant 0x7F800000 : f32
    %broadcast_in_dim3A_756 = vector.broadcast %jit3A_755 : f32 to vector<16x1024xf32>
    %select_n3A_757 = arith.select %lt3A_754, %sub3A_677, %broadcast_in_dim3A_756 : vector<16x1024xi1>, vector<16x1024xf32>
    %reduce_min3A_758 = arith.constant dense<0x7F800000> : vector<1024xf32>
    %reduce_min3A_759 = vector.multi_reduction <minimumf>, %select_n3A_757, %reduce_min3A_758 [0] : vector<16x1024xf32> to vector<1024xf32>
    %broadcast_in_dim3A_760 = vector.shape_cast %reduce_min3A_759 : vector<1024xf32> to vector<1x1024xf32>
    %eq3A_761 = vector.broadcast %broadcast_in_dim3A_760 : vector<1x1024xf32> to vector<16x1024xf32>
    %eq3A_762 = arith.cmpf oeq, %select_n3A_757, %eq3A_761 : vector<16x1024xf32>
    %jit3A_763 = arith.constant 16 : i32
    %broadcast_in_dim3A_764 = vector.broadcast %jit3A_763 : i32 to vector<16x1024xi32>
    %select_n3A_765 = arith.select %eq3A_762, %iota3A_5, %broadcast_in_dim3A_764 : vector<16x1024xi1>, vector<16x1024xi32>
    %reduce_min3A_766 = arith.constant dense<2147483647> : vector<1024xi32>
    %reduce_min3A_767 = vector.multi_reduction <minsi>, %select_n3A_765, %reduce_min3A_766 [0] : vector<16x1024xi32> to vector<1024xi32>
    %broadcast_in_dim3A_768 = vector.shape_cast %reduce_min3A_767 : vector<1024xi32> to vector<1x1024xi32>
    %squeeze3A_769 = vector.shape_cast %broadcast_in_dim3A_768 : vector<1x1024xi32> to vector<1024xi32>
    %swap3A_770 = arith.constant 2 : index
    %swap3A_771 = arith.constant 4 : index
    %swap3A_772 = arith.constant 0 : index
    %swap3A_773 = vector.load %arg4[%swap3A_770, %swap3A_771, %swap3A_772] : memref<4x8x1024xi32, #tpu.memory_space<vmem>>, vector<1x1x1024xi32>
    %swap3A_774 = vector.shape_cast %swap3A_773 : vector<1x1x1024xi32> to vector<1024xi32>
    %swap3A_775 = vector.shape_cast %squeeze3A_769 : vector<1024xi32> to vector<1x1x1024xi32>
    tpu.vector_store %arg4[%swap3A_770, %swap3A_771, %swap3A_772], %swap3A_775 {strides = array<i32>} : memref<4x8x1024xi32, #tpu.memory_space<vmem>>, vector<1x1x1024xi32>,
    %eq3A_776 = arith.constant 2 : i32
    %eq3A_777 = vector.broadcast %eq3A_776 : i32 to vector<1x128xi32>
    %eq3A_778 = arith.cmpi eq, %iota3A, %eq3A_777 : vector<1x128xi32>
    %reduce_sum3A_779 = vector.shape_cast %broadcast_in_dim3A_760 : vector<1x1024xf32> to vector<1x1x1024xf32>
    %reduce_sum3A_780 = arith.constant dense<0.000000e+00> : vector<1xf32>
    %reduce_sum3A_781 = vector.multi_reduction <add>, %reduce_sum3A_779, %reduce_sum3A_780 [1, 2] : vector<1x1x1024xf32> to vector<1xf32>
    %reduce_sum3A_782 = vector.shape_cast %reduce_sum3A_781 : vector<1xf32> to vector<1x1x1xf32>
    %reduce_sum3A_783 = vector.extract %reduce_sum3A_782[0, 0, 0] : f32 from vector<1x1x1xf32>
    %jit3A_784 = arith.constant 0.000000e+00 : f32
    %broadcast_in_dim3A_785 = vector.broadcast %reduce_sum3A_783 : f32 to vector<1x128xf32>
    %broadcast_in_dim3A_786 = vector.broadcast %jit3A_784 : f32 to vector<1x128xf32>
    %select_n3A_787 = arith.select %eq3A_778, %broadcast_in_dim3A_785, %broadcast_in_dim3A_786 : vector<1x128xi1>, vector<1x128xf32>
    %add3A_788 = arith.addf %add3A_751, %select_n3A_787 : vector<1x128xf32>
    %lt3A_789 = arith.constant 16 : i32
    %lt3A_790 = vector.broadcast %lt3A_789 : i32 to vector<16x1024xi32>
    %lt3A_791 = arith.cmpi slt, %iota3A_5, %lt3A_790 : vector<16x1024xi32>
    %jit3A_792 = arith.constant 0x7F800000 : f32
    %broadcast_in_dim3A_793 = vector.broadcast %jit3A_792 : f32 to vector<16x1024xf32>
    %select_n3A_794 = arith.select %lt3A_791, %sub3A_677, %broadcast_in_dim3A_793 : vector<16x1024xi1>, vector<16x1024xf32>
    %reduce_min3A_795 = arith.constant dense<0x7F800000> : vector<1024xf32>
    %reduce_min3A_796 = vector.multi_reduction <minimumf>, %select_n3A_794, %reduce_min3A_795 [0] : vector<16x1024xf32> to vector<1024xf32>
    %broadcast_in_dim3A_797 = vector.shape_cast %reduce_min3A_796 : vector<1024xf32> to vector<1x1024xf32>
    %eq3A_798 = vector.broadcast %broadcast_in_dim3A_797 : vector<1x1024xf32> to vector<16x1024xf32>
    %eq3A_799 = arith.cmpf oeq, %select_n3A_794, %eq3A_798 : vector<16x1024xf32>
    %jit3A_800 = arith.constant 16 : i32
    %broadcast_in_dim3A_801 = vector.broadcast %jit3A_800 : i32 to vector<16x1024xi32>
    %select_n3A_802 = arith.select %eq3A_799, %iota3A_5, %broadcast_in_dim3A_801 : vector<16x1024xi1>, vector<16x1024xi32>
    %reduce_min3A_803 = arith.constant dense<2147483647> : vector<1024xi32>
    %reduce_min3A_804 = vector.multi_reduction <minsi>, %select_n3A_802, %reduce_min3A_803 [0] : vector<16x1024xi32> to vector<1024xi32>
    %broadcast_in_dim3A_805 = vector.shape_cast %reduce_min3A_804 : vector<1024xi32> to vector<1x1024xi32>
    %squeeze3A_806 = vector.shape_cast %broadcast_in_dim3A_805 : vector<1x1024xi32> to vector<1024xi32>
    %swap3A_807 = arith.constant 3 : index
    %swap3A_808 = arith.constant 4 : index
    %swap3A_809 = arith.constant 0 : index
    %swap3A_810 = vector.load %arg4[%swap3A_807, %swap3A_808, %swap3A_809] : memref<4x8x1024xi32, #tpu.memory_space<vmem>>, vector<1x1x1024xi32>
    %swap3A_811 = vector.shape_cast %swap3A_810 : vector<1x1x1024xi32> to vector<1024xi32>
    %swap3A_812 = vector.shape_cast %squeeze3A_806 : vector<1024xi32> to vector<1x1x1024xi32>
    tpu.vector_store %arg4[%swap3A_807, %swap3A_808, %swap3A_809], %swap3A_812 {strides = array<i32>} : memref<4x8x1024xi32, #tpu.memory_space<vmem>>, vector<1x1x1024xi32>,
    %eq3A_813 = arith.constant 3 : i32
    %eq3A_814 = vector.broadcast %eq3A_813 : i32 to vector<1x128xi32>
    %eq3A_815 = arith.cmpi eq, %iota3A, %eq3A_814 : vector<1x128xi32>
    %reduce_sum3A_816 = vector.shape_cast %broadcast_in_dim3A_797 : vector<1x1024xf32> to vector<1x1x1024xf32>
    %reduce_sum3A_817 = arith.constant dense<0.000000e+00> : vector<1xf32>
    %reduce_sum3A_818 = vector.multi_reduction <add>, %reduce_sum3A_816, %reduce_sum3A_817 [1, 2] : vector<1x1x1024xf32> to vector<1xf32>
    %reduce_sum3A_819 = vector.shape_cast %reduce_sum3A_818 : vector<1xf32> to vector<1x1x1xf32>
    %reduce_sum3A_820 = vector.extract %reduce_sum3A_819[0, 0, 0] : f32 from vector<1x1x1xf32>
    %jit3A_821 = arith.constant 0.000000e+00 : f32
    %broadcast_in_dim3A_822 = vector.broadcast %reduce_sum3A_820 : f32 to vector<1x128xf32>
    %broadcast_in_dim3A_823 = vector.broadcast %jit3A_821 : f32 to vector<1x128xf32>
    %select_n3A_824 = arith.select %eq3A_815, %broadcast_in_dim3A_822, %broadcast_in_dim3A_823 : vector<1x128xi1>, vector<1x128xf32>
    %add3A_825 = arith.addf %add3A_788, %select_n3A_824 : vector<1x128xf32>
    %get3A_826 = arith.constant 5 : index
    %get3A_827 = arith.constant 0 : index
    %get3A_828 = arith.constant 0 : index
    %get3A_829 = vector.load %arg1[%get3A_826, %get3A_827, %get3A_828] : memref<8x64x1024xf32, #tpu.memory_space<vmem>>, vector<1x64x1024xf32>
    %get3A_830 = vector.shape_cast %get3A_829 : vector<1x64x1024xf32> to vector<64x1024xf32>
    %dot_general3A_831 = arith.constant dense<0.000000e+00> : vector<16x1024xf32>
    %dot_general3A_832 = tpu.matmul %get3A_1, %get3A_830, %dot_general3A_831 {dimension_numbers = #tpu.dot_dimension_numbers<[1], [0], [0], [1], [0, 0, 1, 1], [], []>, transpose_lhs_hint = false} : vector<16x64xf32>, vector<64x1024xf32>, vector<16x1024xf32> -> vector<16x1024xf32>
    %mul3A_833 = arith.mulf %get3A_830, %get3A_830 : vector<64x1024xf32>
    %reduce_sum3A_834 = arith.constant dense<0.000000e+00> : vector<1024xf32>
    %reduce_sum3A_835 = vector.multi_reduction <add>, %mul3A_833, %reduce_sum3A_834 [0] : vector<64x1024xf32> to vector<1024xf32>
    %broadcast_in_dim3A_836 = vector.shape_cast %reduce_sum3A_835 : vector<1024xf32> to vector<1x1024xf32>
    %add3A_837 = vector.broadcast %broadcast_in_dim3A_836 : vector<1x1024xf32> to vector<16x1024xf32>
    %add3A_838 = vector.broadcast %broadcast_in_dim3A : vector<16x1xf32> to vector<16x1024xf32>
    %add3A_839 = arith.addf %add3A_837, %add3A_838 : vector<16x1024xf32>
    %mul3A_840 = arith.constant 2.000000e+00 : f32
    %mul3A_841 = vector.broadcast %mul3A_840 : f32 to vector<16x1024xf32>
    %mul3A_842 = arith.mulf %mul3A_841, %dot_general3A_832 : vector<16x1024xf32>
    %sub3A_843 = arith.subf %add3A_839, %mul3A_842 : vector<16x1024xf32>
    %lt3A_844 = arith.constant 2 : i32
    %lt3A_845 = vector.broadcast %lt3A_844 : i32 to vector<16x1024xi32>
    %lt3A_846 = arith.cmpi slt, %iota3A_5, %lt3A_845 : vector<16x1024xi32>
    %jit3A_847 = arith.constant 0x7F800000 : f32
    %broadcast_in_dim3A_848 = vector.broadcast %jit3A_847 : f32 to vector<16x1024xf32>
    %select_n3A_849 = arith.select %lt3A_846, %sub3A_843, %broadcast_in_dim3A_848 : vector<16x1024xi1>, vector<16x1024xf32>
    %reduce_min3A_850 = arith.constant dense<0x7F800000> : vector<1024xf32>
    %reduce_min3A_851 = vector.multi_reduction <minimumf>, %select_n3A_849, %reduce_min3A_850 [0] : vector<16x1024xf32> to vector<1024xf32>
    %broadcast_in_dim3A_852 = vector.shape_cast %reduce_min3A_851 : vector<1024xf32> to vector<1x1024xf32>
    %eq3A_853 = vector.broadcast %broadcast_in_dim3A_852 : vector<1x1024xf32> to vector<16x1024xf32>
    %eq3A_854 = arith.cmpf oeq, %select_n3A_849, %eq3A_853 : vector<16x1024xf32>
    %jit3A_855 = arith.constant 16 : i32
    %broadcast_in_dim3A_856 = vector.broadcast %jit3A_855 : i32 to vector<16x1024xi32>
    %select_n3A_857 = arith.select %eq3A_854, %iota3A_5, %broadcast_in_dim3A_856 : vector<16x1024xi1>, vector<16x1024xi32>
    %reduce_min3A_858 = arith.constant dense<2147483647> : vector<1024xi32>
    %reduce_min3A_859 = vector.multi_reduction <minsi>, %select_n3A_857, %reduce_min3A_858 [0] : vector<16x1024xi32> to vector<1024xi32>
    %broadcast_in_dim3A_860 = vector.shape_cast %reduce_min3A_859 : vector<1024xi32> to vector<1x1024xi32>
    %squeeze3A_861 = vector.shape_cast %broadcast_in_dim3A_860 : vector<1x1024xi32> to vector<1024xi32>
    %swap3A_862 = arith.constant 0 : index
    %swap3A_863 = arith.constant 5 : index
    %swap3A_864 = arith.constant 0 : index
    %swap3A_865 = vector.load %arg4[%swap3A_862, %swap3A_863, %swap3A_864] : memref<4x8x1024xi32, #tpu.memory_space<vmem>>, vector<1x1x1024xi32>
    %swap3A_866 = vector.shape_cast %swap3A_865 : vector<1x1x1024xi32> to vector<1024xi32>
    %swap3A_867 = vector.shape_cast %squeeze3A_861 : vector<1024xi32> to vector<1x1x1024xi32>
    tpu.vector_store %arg4[%swap3A_862, %swap3A_863, %swap3A_864], %swap3A_867 {strides = array<i32>} : memref<4x8x1024xi32, #tpu.memory_space<vmem>>, vector<1x1x1024xi32>,
    %eq3A_868 = arith.constant 0 : i32
    %eq3A_869 = vector.broadcast %eq3A_868 : i32 to vector<1x128xi32>
    %eq3A_870 = arith.cmpi eq, %iota3A, %eq3A_869 : vector<1x128xi32>
    %reduce_sum3A_871 = vector.shape_cast %broadcast_in_dim3A_852 : vector<1x1024xf32> to vector<1x1x1024xf32>
    %reduce_sum3A_872 = arith.constant dense<0.000000e+00> : vector<1xf32>
    %reduce_sum3A_873 = vector.multi_reduction <add>, %reduce_sum3A_871, %reduce_sum3A_872 [1, 2] : vector<1x1x1024xf32> to vector<1xf32>
    %reduce_sum3A_874 = vector.shape_cast %reduce_sum3A_873 : vector<1xf32> to vector<1x1x1xf32>
    %reduce_sum3A_875 = vector.extract %reduce_sum3A_874[0, 0, 0] : f32 from vector<1x1x1xf32>
    %jit3A_876 = arith.constant 0.000000e+00 : f32
    %broadcast_in_dim3A_877 = vector.broadcast %reduce_sum3A_875 : f32 to vector<1x128xf32>
    %broadcast_in_dim3A_878 = vector.broadcast %jit3A_876 : f32 to vector<1x128xf32>
    %select_n3A_879 = arith.select %eq3A_870, %broadcast_in_dim3A_877, %broadcast_in_dim3A_878 : vector<1x128xi1>, vector<1x128xf32>
    %add3A_880 = arith.addf %add3A_825, %select_n3A_879 : vector<1x128xf32>
    %lt3A_881 = arith.constant 4 : i32
    %lt3A_882 = vector.broadcast %lt3A_881 : i32 to vector<16x1024xi32>
    %lt3A_883 = arith.cmpi slt, %iota3A_5, %lt3A_882 : vector<16x1024xi32>
    %jit3A_884 = arith.constant 0x7F800000 : f32
    %broadcast_in_dim3A_885 = vector.broadcast %jit3A_884 : f32 to vector<16x1024xf32>
    %select_n3A_886 = arith.select %lt3A_883, %sub3A_843, %broadcast_in_dim3A_885 : vector<16x1024xi1>, vector<16x1024xf32>
    %reduce_min3A_887 = arith.constant dense<0x7F800000> : vector<1024xf32>
    %reduce_min3A_888 = vector.multi_reduction <minimumf>, %select_n3A_886, %reduce_min3A_887 [0] : vector<16x1024xf32> to vector<1024xf32>
    %broadcast_in_dim3A_889 = vector.shape_cast %reduce_min3A_888 : vector<1024xf32> to vector<1x1024xf32>
    %eq3A_890 = vector.broadcast %broadcast_in_dim3A_889 : vector<1x1024xf32> to vector<16x1024xf32>
    %eq3A_891 = arith.cmpf oeq, %select_n3A_886, %eq3A_890 : vector<16x1024xf32>
    %jit3A_892 = arith.constant 16 : i32
    %broadcast_in_dim3A_893 = vector.broadcast %jit3A_892 : i32 to vector<16x1024xi32>
    %select_n3A_894 = arith.select %eq3A_891, %iota3A_5, %broadcast_in_dim3A_893 : vector<16x1024xi1>, vector<16x1024xi32>
    %reduce_min3A_895 = arith.constant dense<2147483647> : vector<1024xi32>
    %reduce_min3A_896 = vector.multi_reduction <minsi>, %select_n3A_894, %reduce_min3A_895 [0] : vector<16x1024xi32> to vector<1024xi32>
    %broadcast_in_dim3A_897 = vector.shape_cast %reduce_min3A_896 : vector<1024xi32> to vector<1x1024xi32>
    %squeeze3A_898 = vector.shape_cast %broadcast_in_dim3A_897 : vector<1x1024xi32> to vector<1024xi32>
    %swap3A_899 = arith.constant 1 : index
    %swap3A_900 = arith.constant 5 : index
    %swap3A_901 = arith.constant 0 : index
    %swap3A_902 = vector.load %arg4[%swap3A_899, %swap3A_900, %swap3A_901] : memref<4x8x1024xi32, #tpu.memory_space<vmem>>, vector<1x1x1024xi32>
    %swap3A_903 = vector.shape_cast %swap3A_902 : vector<1x1x1024xi32> to vector<1024xi32>
    %swap3A_904 = vector.shape_cast %squeeze3A_898 : vector<1024xi32> to vector<1x1x1024xi32>
    tpu.vector_store %arg4[%swap3A_899, %swap3A_900, %swap3A_901], %swap3A_904 {strides = array<i32>} : memref<4x8x1024xi32, #tpu.memory_space<vmem>>, vector<1x1x1024xi32>,
    %eq3A_905 = arith.constant 1 : i32
    %eq3A_906 = vector.broadcast %eq3A_905 : i32 to vector<1x128xi32>
    %eq3A_907 = arith.cmpi eq, %iota3A, %eq3A_906 : vector<1x128xi32>
    %reduce_sum3A_908 = vector.shape_cast %broadcast_in_dim3A_889 : vector<1x1024xf32> to vector<1x1x1024xf32>
    %reduce_sum3A_909 = arith.constant dense<0.000000e+00> : vector<1xf32>
    %reduce_sum3A_910 = vector.multi_reduction <add>, %reduce_sum3A_908, %reduce_sum3A_909 [1, 2] : vector<1x1x1024xf32> to vector<1xf32>
    %reduce_sum3A_911 = vector.shape_cast %reduce_sum3A_910 : vector<1xf32> to vector<1x1x1xf32>
    %reduce_sum3A_912 = vector.extract %reduce_sum3A_911[0, 0, 0] : f32 from vector<1x1x1xf32>
    %jit3A_913 = arith.constant 0.000000e+00 : f32
    %broadcast_in_dim3A_914 = vector.broadcast %reduce_sum3A_912 : f32 to vector<1x128xf32>
    %broadcast_in_dim3A_915 = vector.broadcast %jit3A_913 : f32 to vector<1x128xf32>
    %select_n3A_916 = arith.select %eq3A_907, %broadcast_in_dim3A_914, %broadcast_in_dim3A_915 : vector<1x128xi1>, vector<1x128xf32>
    %add3A_917 = arith.addf %add3A_880, %select_n3A_916 : vector<1x128xf32>
    %lt3A_918 = arith.constant 8 : i32
    %lt3A_919 = vector.broadcast %lt3A_918 : i32 to vector<16x1024xi32>
    %lt3A_920 = arith.cmpi slt, %iota3A_5, %lt3A_919 : vector<16x1024xi32>
    %jit3A_921 = arith.constant 0x7F800000 : f32
    %broadcast_in_dim3A_922 = vector.broadcast %jit3A_921 : f32 to vector<16x1024xf32>
    %select_n3A_923 = arith.select %lt3A_920, %sub3A_843, %broadcast_in_dim3A_922 : vector<16x1024xi1>, vector<16x1024xf32>
    %reduce_min3A_924 = arith.constant dense<0x7F800000> : vector<1024xf32>
    %reduce_min3A_925 = vector.multi_reduction <minimumf>, %select_n3A_923, %reduce_min3A_924 [0] : vector<16x1024xf32> to vector<1024xf32>
    %broadcast_in_dim3A_926 = vector.shape_cast %reduce_min3A_925 : vector<1024xf32> to vector<1x1024xf32>
    %eq3A_927 = vector.broadcast %broadcast_in_dim3A_926 : vector<1x1024xf32> to vector<16x1024xf32>
    %eq3A_928 = arith.cmpf oeq, %select_n3A_923, %eq3A_927 : vector<16x1024xf32>
    %jit3A_929 = arith.constant 16 : i32
    %broadcast_in_dim3A_930 = vector.broadcast %jit3A_929 : i32 to vector<16x1024xi32>
    %select_n3A_931 = arith.select %eq3A_928, %iota3A_5, %broadcast_in_dim3A_930 : vector<16x1024xi1>, vector<16x1024xi32>
    %reduce_min3A_932 = arith.constant dense<2147483647> : vector<1024xi32>
    %reduce_min3A_933 = vector.multi_reduction <minsi>, %select_n3A_931, %reduce_min3A_932 [0] : vector<16x1024xi32> to vector<1024xi32>
    %broadcast_in_dim3A_934 = vector.shape_cast %reduce_min3A_933 : vector<1024xi32> to vector<1x1024xi32>
    %squeeze3A_935 = vector.shape_cast %broadcast_in_dim3A_934 : vector<1x1024xi32> to vector<1024xi32>
    %swap3A_936 = arith.constant 2 : index
    %swap3A_937 = arith.constant 5 : index
    %swap3A_938 = arith.constant 0 : index
    %swap3A_939 = vector.load %arg4[%swap3A_936, %swap3A_937, %swap3A_938] : memref<4x8x1024xi32, #tpu.memory_space<vmem>>, vector<1x1x1024xi32>
    %swap3A_940 = vector.shape_cast %swap3A_939 : vector<1x1x1024xi32> to vector<1024xi32>
    %swap3A_941 = vector.shape_cast %squeeze3A_935 : vector<1024xi32> to vector<1x1x1024xi32>
    tpu.vector_store %arg4[%swap3A_936, %swap3A_937, %swap3A_938], %swap3A_941 {strides = array<i32>} : memref<4x8x1024xi32, #tpu.memory_space<vmem>>, vector<1x1x1024xi32>,
    %eq3A_942 = arith.constant 2 : i32
    %eq3A_943 = vector.broadcast %eq3A_942 : i32 to vector<1x128xi32>
    %eq3A_944 = arith.cmpi eq, %iota3A, %eq3A_943 : vector<1x128xi32>
    %reduce_sum3A_945 = vector.shape_cast %broadcast_in_dim3A_926 : vector<1x1024xf32> to vector<1x1x1024xf32>
    %reduce_sum3A_946 = arith.constant dense<0.000000e+00> : vector<1xf32>
    %reduce_sum3A_947 = vector.multi_reduction <add>, %reduce_sum3A_945, %reduce_sum3A_946 [1, 2] : vector<1x1x1024xf32> to vector<1xf32>
    %reduce_sum3A_948 = vector.shape_cast %reduce_sum3A_947 : vector<1xf32> to vector<1x1x1xf32>
    %reduce_sum3A_949 = vector.extract %reduce_sum3A_948[0, 0, 0] : f32 from vector<1x1x1xf32>
    %jit3A_950 = arith.constant 0.000000e+00 : f32
    %broadcast_in_dim3A_951 = vector.broadcast %reduce_sum3A_949 : f32 to vector<1x128xf32>
    %broadcast_in_dim3A_952 = vector.broadcast %jit3A_950 : f32 to vector<1x128xf32>
    %select_n3A_953 = arith.select %eq3A_944, %broadcast_in_dim3A_951, %broadcast_in_dim3A_952 : vector<1x128xi1>, vector<1x128xf32>
    %add3A_954 = arith.addf %add3A_917, %select_n3A_953 : vector<1x128xf32>
    %lt3A_955 = arith.constant 16 : i32
    %lt3A_956 = vector.broadcast %lt3A_955 : i32 to vector<16x1024xi32>
    %lt3A_957 = arith.cmpi slt, %iota3A_5, %lt3A_956 : vector<16x1024xi32>
    %jit3A_958 = arith.constant 0x7F800000 : f32
    %broadcast_in_dim3A_959 = vector.broadcast %jit3A_958 : f32 to vector<16x1024xf32>
    %select_n3A_960 = arith.select %lt3A_957, %sub3A_843, %broadcast_in_dim3A_959 : vector<16x1024xi1>, vector<16x1024xf32>
    %reduce_min3A_961 = arith.constant dense<0x7F800000> : vector<1024xf32>
    %reduce_min3A_962 = vector.multi_reduction <minimumf>, %select_n3A_960, %reduce_min3A_961 [0] : vector<16x1024xf32> to vector<1024xf32>
    %broadcast_in_dim3A_963 = vector.shape_cast %reduce_min3A_962 : vector<1024xf32> to vector<1x1024xf32>
    %eq3A_964 = vector.broadcast %broadcast_in_dim3A_963 : vector<1x1024xf32> to vector<16x1024xf32>
    %eq3A_965 = arith.cmpf oeq, %select_n3A_960, %eq3A_964 : vector<16x1024xf32>
    %jit3A_966 = arith.constant 16 : i32
    %broadcast_in_dim3A_967 = vector.broadcast %jit3A_966 : i32 to vector<16x1024xi32>
    %select_n3A_968 = arith.select %eq3A_965, %iota3A_5, %broadcast_in_dim3A_967 : vector<16x1024xi1>, vector<16x1024xi32>
    %reduce_min3A_969 = arith.constant dense<2147483647> : vector<1024xi32>
    %reduce_min3A_970 = vector.multi_reduction <minsi>, %select_n3A_968, %reduce_min3A_969 [0] : vector<16x1024xi32> to vector<1024xi32>
    %broadcast_in_dim3A_971 = vector.shape_cast %reduce_min3A_970 : vector<1024xi32> to vector<1x1024xi32>
    %squeeze3A_972 = vector.shape_cast %broadcast_in_dim3A_971 : vector<1x1024xi32> to vector<1024xi32>
    %swap3A_973 = arith.constant 3 : index
    %swap3A_974 = arith.constant 5 : index
    %swap3A_975 = arith.constant 0 : index
    %swap3A_976 = vector.load %arg4[%swap3A_973, %swap3A_974, %swap3A_975] : memref<4x8x1024xi32, #tpu.memory_space<vmem>>, vector<1x1x1024xi32>
    %swap3A_977 = vector.shape_cast %swap3A_976 : vector<1x1x1024xi32> to vector<1024xi32>
    %swap3A_978 = vector.shape_cast %squeeze3A_972 : vector<1024xi32> to vector<1x1x1024xi32>
    tpu.vector_store %arg4[%swap3A_973, %swap3A_974, %swap3A_975], %swap3A_978 {strides = array<i32>} : memref<4x8x1024xi32, #tpu.memory_space<vmem>>, vector<1x1x1024xi32>,
    %eq3A_979 = arith.constant 3 : i32
    %eq3A_980 = vector.broadcast %eq3A_979 : i32 to vector<1x128xi32>
    %eq3A_981 = arith.cmpi eq, %iota3A, %eq3A_980 : vector<1x128xi32>
    %reduce_sum3A_982 = vector.shape_cast %broadcast_in_dim3A_963 : vector<1x1024xf32> to vector<1x1x1024xf32>
    %reduce_sum3A_983 = arith.constant dense<0.000000e+00> : vector<1xf32>
    %reduce_sum3A_984 = vector.multi_reduction <add>, %reduce_sum3A_982, %reduce_sum3A_983 [1, 2] : vector<1x1x1024xf32> to vector<1xf32>
    %reduce_sum3A_985 = vector.shape_cast %reduce_sum3A_984 : vector<1xf32> to vector<1x1x1xf32>
    %reduce_sum3A_986 = vector.extract %reduce_sum3A_985[0, 0, 0] : f32 from vector<1x1x1xf32>
    %jit3A_987 = arith.constant 0.000000e+00 : f32
    %broadcast_in_dim3A_988 = vector.broadcast %reduce_sum3A_986 : f32 to vector<1x128xf32>
    %broadcast_in_dim3A_989 = vector.broadcast %jit3A_987 : f32 to vector<1x128xf32>
    %select_n3A_990 = arith.select %eq3A_981, %broadcast_in_dim3A_988, %broadcast_in_dim3A_989 : vector<1x128xi1>, vector<1x128xf32>
    %add3A_991 = arith.addf %add3A_954, %select_n3A_990 : vector<1x128xf32>
    %get3A_992 = arith.constant 6 : index
    %get3A_993 = arith.constant 0 : index
    %get3A_994 = arith.constant 0 : index
    %get3A_995 = vector.load %arg1[%get3A_992, %get3A_993, %get3A_994] : memref<8x64x1024xf32, #tpu.memory_space<vmem>>, vector<1x64x1024xf32>
    %get3A_996 = vector.shape_cast %get3A_995 : vector<1x64x1024xf32> to vector<64x1024xf32>
    %dot_general3A_997 = arith.constant dense<0.000000e+00> : vector<16x1024xf32>
    %dot_general3A_998 = tpu.matmul %get3A_1, %get3A_996, %dot_general3A_997 {dimension_numbers = #tpu.dot_dimension_numbers<[1], [0], [0], [1], [0, 0, 1, 1], [], []>, transpose_lhs_hint = false} : vector<16x64xf32>, vector<64x1024xf32>, vector<16x1024xf32> -> vector<16x1024xf32>
    %mul3A_999 = arith.mulf %get3A_996, %get3A_996 : vector<64x1024xf32>
    %reduce_sum3A_1000 = arith.constant dense<0.000000e+00> : vector<1024xf32>
    %reduce_sum3A_1001 = vector.multi_reduction <add>, %mul3A_999, %reduce_sum3A_1000 [0] : vector<64x1024xf32> to vector<1024xf32>
    %broadcast_in_dim3A_1002 = vector.shape_cast %reduce_sum3A_1001 : vector<1024xf32> to vector<1x1024xf32>
    %add3A_1003 = vector.broadcast %broadcast_in_dim3A_1002 : vector<1x1024xf32> to vector<16x1024xf32>
    %add3A_1004 = vector.broadcast %broadcast_in_dim3A : vector<16x1xf32> to vector<16x1024xf32>
    %add3A_1005 = arith.addf %add3A_1003, %add3A_1004 : vector<16x1024xf32>
    %mul3A_1006 = arith.constant 2.000000e+00 : f32
    %mul3A_1007 = vector.broadcast %mul3A_1006 : f32 to vector<16x1024xf32>
    %mul3A_1008 = arith.mulf %mul3A_1007, %dot_general3A_998 : vector<16x1024xf32>
    %sub3A_1009 = arith.subf %add3A_1005, %mul3A_1008 : vector<16x1024xf32>
    %lt3A_1010 = arith.constant 2 : i32
    %lt3A_1011 = vector.broadcast %lt3A_1010 : i32 to vector<16x1024xi32>
    %lt3A_1012 = arith.cmpi slt, %iota3A_5, %lt3A_1011 : vector<16x1024xi32>
    %jit3A_1013 = arith.constant 0x7F800000 : f32
    %broadcast_in_dim3A_1014 = vector.broadcast %jit3A_1013 : f32 to vector<16x1024xf32>
    %select_n3A_1015 = arith.select %lt3A_1012, %sub3A_1009, %broadcast_in_dim3A_1014 : vector<16x1024xi1>, vector<16x1024xf32>
    %reduce_min3A_1016 = arith.constant dense<0x7F800000> : vector<1024xf32>
    %reduce_min3A_1017 = vector.multi_reduction <minimumf>, %select_n3A_1015, %reduce_min3A_1016 [0] : vector<16x1024xf32> to vector<1024xf32>
    %broadcast_in_dim3A_1018 = vector.shape_cast %reduce_min3A_1017 : vector<1024xf32> to vector<1x1024xf32>
    %eq3A_1019 = vector.broadcast %broadcast_in_dim3A_1018 : vector<1x1024xf32> to vector<16x1024xf32>
    %eq3A_1020 = arith.cmpf oeq, %select_n3A_1015, %eq3A_1019 : vector<16x1024xf32>
    %jit3A_1021 = arith.constant 16 : i32
    %broadcast_in_dim3A_1022 = vector.broadcast %jit3A_1021 : i32 to vector<16x1024xi32>
    %select_n3A_1023 = arith.select %eq3A_1020, %iota3A_5, %broadcast_in_dim3A_1022 : vector<16x1024xi1>, vector<16x1024xi32>
    %reduce_min3A_1024 = arith.constant dense<2147483647> : vector<1024xi32>
    %reduce_min3A_1025 = vector.multi_reduction <minsi>, %select_n3A_1023, %reduce_min3A_1024 [0] : vector<16x1024xi32> to vector<1024xi32>
    %broadcast_in_dim3A_1026 = vector.shape_cast %reduce_min3A_1025 : vector<1024xi32> to vector<1x1024xi32>
    %squeeze3A_1027 = vector.shape_cast %broadcast_in_dim3A_1026 : vector<1x1024xi32> to vector<1024xi32>
    %swap3A_1028 = arith.constant 0 : index
    %swap3A_1029 = arith.constant 6 : index
    %swap3A_1030 = arith.constant 0 : index
    %swap3A_1031 = vector.load %arg4[%swap3A_1028, %swap3A_1029, %swap3A_1030] : memref<4x8x1024xi32, #tpu.memory_space<vmem>>, vector<1x1x1024xi32>
    %swap3A_1032 = vector.shape_cast %swap3A_1031 : vector<1x1x1024xi32> to vector<1024xi32>
    %swap3A_1033 = vector.shape_cast %squeeze3A_1027 : vector<1024xi32> to vector<1x1x1024xi32>
    tpu.vector_store %arg4[%swap3A_1028, %swap3A_1029, %swap3A_1030], %swap3A_1033 {strides = array<i32>} : memref<4x8x1024xi32, #tpu.memory_space<vmem>>, vector<1x1x1024xi32>,
    %eq3A_1034 = arith.constant 0 : i32
    %eq3A_1035 = vector.broadcast %eq3A_1034 : i32 to vector<1x128xi32>
    %eq3A_1036 = arith.cmpi eq, %iota3A, %eq3A_1035 : vector<1x128xi32>
    %reduce_sum3A_1037 = vector.shape_cast %broadcast_in_dim3A_1018 : vector<1x1024xf32> to vector<1x1x1024xf32>
    %reduce_sum3A_1038 = arith.constant dense<0.000000e+00> : vector<1xf32>
    %reduce_sum3A_1039 = vector.multi_reduction <add>, %reduce_sum3A_1037, %reduce_sum3A_1038 [1, 2] : vector<1x1x1024xf32> to vector<1xf32>
    %reduce_sum3A_1040 = vector.shape_cast %reduce_sum3A_1039 : vector<1xf32> to vector<1x1x1xf32>
    %reduce_sum3A_1041 = vector.extract %reduce_sum3A_1040[0, 0, 0] : f32 from vector<1x1x1xf32>
    %jit3A_1042 = arith.constant 0.000000e+00 : f32
    %broadcast_in_dim3A_1043 = vector.broadcast %reduce_sum3A_1041 : f32 to vector<1x128xf32>
    %broadcast_in_dim3A_1044 = vector.broadcast %jit3A_1042 : f32 to vector<1x128xf32>
    %select_n3A_1045 = arith.select %eq3A_1036, %broadcast_in_dim3A_1043, %broadcast_in_dim3A_1044 : vector<1x128xi1>, vector<1x128xf32>
    %add3A_1046 = arith.addf %add3A_991, %select_n3A_1045 : vector<1x128xf32>
    %lt3A_1047 = arith.constant 4 : i32
    %lt3A_1048 = vector.broadcast %lt3A_1047 : i32 to vector<16x1024xi32>
    %lt3A_1049 = arith.cmpi slt, %iota3A_5, %lt3A_1048 : vector<16x1024xi32>
    %jit3A_1050 = arith.constant 0x7F800000 : f32
    %broadcast_in_dim3A_1051 = vector.broadcast %jit3A_1050 : f32 to vector<16x1024xf32>
    %select_n3A_1052 = arith.select %lt3A_1049, %sub3A_1009, %broadcast_in_dim3A_1051 : vector<16x1024xi1>, vector<16x1024xf32>
    %reduce_min3A_1053 = arith.constant dense<0x7F800000> : vector<1024xf32>
    %reduce_min3A_1054 = vector.multi_reduction <minimumf>, %select_n3A_1052, %reduce_min3A_1053 [0] : vector<16x1024xf32> to vector<1024xf32>
    %broadcast_in_dim3A_1055 = vector.shape_cast %reduce_min3A_1054 : vector<1024xf32> to vector<1x1024xf32>
    %eq3A_1056 = vector.broadcast %broadcast_in_dim3A_1055 : vector<1x1024xf32> to vector<16x1024xf32>
    %eq3A_1057 = arith.cmpf oeq, %select_n3A_1052, %eq3A_1056 : vector<16x1024xf32>
    %jit3A_1058 = arith.constant 16 : i32
    %broadcast_in_dim3A_1059 = vector.broadcast %jit3A_1058 : i32 to vector<16x1024xi32>
    %select_n3A_1060 = arith.select %eq3A_1057, %iota3A_5, %broadcast_in_dim3A_1059 : vector<16x1024xi1>, vector<16x1024xi32>
    %reduce_min3A_1061 = arith.constant dense<2147483647> : vector<1024xi32>
    %reduce_min3A_1062 = vector.multi_reduction <minsi>, %select_n3A_1060, %reduce_min3A_1061 [0] : vector<16x1024xi32> to vector<1024xi32>
    %broadcast_in_dim3A_1063 = vector.shape_cast %reduce_min3A_1062 : vector<1024xi32> to vector<1x1024xi32>
    %squeeze3A_1064 = vector.shape_cast %broadcast_in_dim3A_1063 : vector<1x1024xi32> to vector<1024xi32>
    %swap3A_1065 = arith.constant 1 : index
    %swap3A_1066 = arith.constant 6 : index
    %swap3A_1067 = arith.constant 0 : index
    %swap3A_1068 = vector.load %arg4[%swap3A_1065, %swap3A_1066, %swap3A_1067] : memref<4x8x1024xi32, #tpu.memory_space<vmem>>, vector<1x1x1024xi32>
    %swap3A_1069 = vector.shape_cast %swap3A_1068 : vector<1x1x1024xi32> to vector<1024xi32>
    %swap3A_1070 = vector.shape_cast %squeeze3A_1064 : vector<1024xi32> to vector<1x1x1024xi32>
    tpu.vector_store %arg4[%swap3A_1065, %swap3A_1066, %swap3A_1067], %swap3A_1070 {strides = array<i32>} : memref<4x8x1024xi32, #tpu.memory_space<vmem>>, vector<1x1x1024xi32>,
    %eq3A_1071 = arith.constant 1 : i32
    %eq3A_1072 = vector.broadcast %eq3A_1071 : i32 to vector<1x128xi32>
    %eq3A_1073 = arith.cmpi eq, %iota3A, %eq3A_1072 : vector<1x128xi32>
    %reduce_sum3A_1074 = vector.shape_cast %broadcast_in_dim3A_1055 : vector<1x1024xf32> to vector<1x1x1024xf32>
    %reduce_sum3A_1075 = arith.constant dense<0.000000e+00> : vector<1xf32>
    %reduce_sum3A_1076 = vector.multi_reduction <add>, %reduce_sum3A_1074, %reduce_sum3A_1075 [1, 2] : vector<1x1x1024xf32> to vector<1xf32>
    %reduce_sum3A_1077 = vector.shape_cast %reduce_sum3A_1076 : vector<1xf32> to vector<1x1x1xf32>
    %reduce_sum3A_1078 = vector.extract %reduce_sum3A_1077[0, 0, 0] : f32 from vector<1x1x1xf32>
    %jit3A_1079 = arith.constant 0.000000e+00 : f32
    %broadcast_in_dim3A_1080 = vector.broadcast %reduce_sum3A_1078 : f32 to vector<1x128xf32>
    %broadcast_in_dim3A_1081 = vector.broadcast %jit3A_1079 : f32 to vector<1x128xf32>
    %select_n3A_1082 = arith.select %eq3A_1073, %broadcast_in_dim3A_1080, %broadcast_in_dim3A_1081 : vector<1x128xi1>, vector<1x128xf32>
    %add3A_1083 = arith.addf %add3A_1046, %select_n3A_1082 : vector<1x128xf32>
    %lt3A_1084 = arith.constant 8 : i32
    %lt3A_1085 = vector.broadcast %lt3A_1084 : i32 to vector<16x1024xi32>
    %lt3A_1086 = arith.cmpi slt, %iota3A_5, %lt3A_1085 : vector<16x1024xi32>
    %jit3A_1087 = arith.constant 0x7F800000 : f32
    %broadcast_in_dim3A_1088 = vector.broadcast %jit3A_1087 : f32 to vector<16x1024xf32>
    %select_n3A_1089 = arith.select %lt3A_1086, %sub3A_1009, %broadcast_in_dim3A_1088 : vector<16x1024xi1>, vector<16x1024xf32>
    %reduce_min3A_1090 = arith.constant dense<0x7F800000> : vector<1024xf32>
    %reduce_min3A_1091 = vector.multi_reduction <minimumf>, %select_n3A_1089, %reduce_min3A_1090 [0] : vector<16x1024xf32> to vector<1024xf32>
    %broadcast_in_dim3A_1092 = vector.shape_cast %reduce_min3A_1091 : vector<1024xf32> to vector<1x1024xf32>
    %eq3A_1093 = vector.broadcast %broadcast_in_dim3A_1092 : vector<1x1024xf32> to vector<16x1024xf32>
    %eq3A_1094 = arith.cmpf oeq, %select_n3A_1089, %eq3A_1093 : vector<16x1024xf32>
    %jit3A_1095 = arith.constant 16 : i32
    %broadcast_in_dim3A_1096 = vector.broadcast %jit3A_1095 : i32 to vector<16x1024xi32>
    %select_n3A_1097 = arith.select %eq3A_1094, %iota3A_5, %broadcast_in_dim3A_1096 : vector<16x1024xi1>, vector<16x1024xi32>
    %reduce_min3A_1098 = arith.constant dense<2147483647> : vector<1024xi32>
    %reduce_min3A_1099 = vector.multi_reduction <minsi>, %select_n3A_1097, %reduce_min3A_1098 [0] : vector<16x1024xi32> to vector<1024xi32>
    %broadcast_in_dim3A_1100 = vector.shape_cast %reduce_min3A_1099 : vector<1024xi32> to vector<1x1024xi32>
    %squeeze3A_1101 = vector.shape_cast %broadcast_in_dim3A_1100 : vector<1x1024xi32> to vector<1024xi32>
    %swap3A_1102 = arith.constant 2 : index
    %swap3A_1103 = arith.constant 6 : index
    %swap3A_1104 = arith.constant 0 : index
    %swap3A_1105 = vector.load %arg4[%swap3A_1102, %swap3A_1103, %swap3A_1104] : memref<4x8x1024xi32, #tpu.memory_space<vmem>>, vector<1x1x1024xi32>
    %swap3A_1106 = vector.shape_cast %swap3A_1105 : vector<1x1x1024xi32> to vector<1024xi32>
    %swap3A_1107 = vector.shape_cast %squeeze3A_1101 : vector<1024xi32> to vector<1x1x1024xi32>
    tpu.vector_store %arg4[%swap3A_1102, %swap3A_1103, %swap3A_1104], %swap3A_1107 {strides = array<i32>} : memref<4x8x1024xi32, #tpu.memory_space<vmem>>, vector<1x1x1024xi32>,
    %eq3A_1108 = arith.constant 2 : i32
    %eq3A_1109 = vector.broadcast %eq3A_1108 : i32 to vector<1x128xi32>
    %eq3A_1110 = arith.cmpi eq, %iota3A, %eq3A_1109 : vector<1x128xi32>
    %reduce_sum3A_1111 = vector.shape_cast %broadcast_in_dim3A_1092 : vector<1x1024xf32> to vector<1x1x1024xf32>
    %reduce_sum3A_1112 = arith.constant dense<0.000000e+00> : vector<1xf32>
    %reduce_sum3A_1113 = vector.multi_reduction <add>, %reduce_sum3A_1111, %reduce_sum3A_1112 [1, 2] : vector<1x1x1024xf32> to vector<1xf32>
    %reduce_sum3A_1114 = vector.shape_cast %reduce_sum3A_1113 : vector<1xf32> to vector<1x1x1xf32>
    %reduce_sum3A_1115 = vector.extract %reduce_sum3A_1114[0, 0, 0] : f32 from vector<1x1x1xf32>
    %jit3A_1116 = arith.constant 0.000000e+00 : f32
    %broadcast_in_dim3A_1117 = vector.broadcast %reduce_sum3A_1115 : f32 to vector<1x128xf32>
    %broadcast_in_dim3A_1118 = vector.broadcast %jit3A_1116 : f32 to vector<1x128xf32>
    %select_n3A_1119 = arith.select %eq3A_1110, %broadcast_in_dim3A_1117, %broadcast_in_dim3A_1118 : vector<1x128xi1>, vector<1x128xf32>
    %add3A_1120 = arith.addf %add3A_1083, %select_n3A_1119 : vector<1x128xf32>
    %lt3A_1121 = arith.constant 16 : i32
    %lt3A_1122 = vector.broadcast %lt3A_1121 : i32 to vector<16x1024xi32>
    %lt3A_1123 = arith.cmpi slt, %iota3A_5, %lt3A_1122 : vector<16x1024xi32>
    %jit3A_1124 = arith.constant 0x7F800000 : f32
    %broadcast_in_dim3A_1125 = vector.broadcast %jit3A_1124 : f32 to vector<16x1024xf32>
    %select_n3A_1126 = arith.select %lt3A_1123, %sub3A_1009, %broadcast_in_dim3A_1125 : vector<16x1024xi1>, vector<16x1024xf32>
    %reduce_min3A_1127 = arith.constant dense<0x7F800000> : vector<1024xf32>
    %reduce_min3A_1128 = vector.multi_reduction <minimumf>, %select_n3A_1126, %reduce_min3A_1127 [0] : vector<16x1024xf32> to vector<1024xf32>
    %broadcast_in_dim3A_1129 = vector.shape_cast %reduce_min3A_1128 : vector<1024xf32> to vector<1x1024xf32>
    %eq3A_1130 = vector.broadcast %broadcast_in_dim3A_1129 : vector<1x1024xf32> to vector<16x1024xf32>
    %eq3A_1131 = arith.cmpf oeq, %select_n3A_1126, %eq3A_1130 : vector<16x1024xf32>
    %jit3A_1132 = arith.constant 16 : i32
    %broadcast_in_dim3A_1133 = vector.broadcast %jit3A_1132 : i32 to vector<16x1024xi32>
    %select_n3A_1134 = arith.select %eq3A_1131, %iota3A_5, %broadcast_in_dim3A_1133 : vector<16x1024xi1>, vector<16x1024xi32>
    %reduce_min3A_1135 = arith.constant dense<2147483647> : vector<1024xi32>
    %reduce_min3A_1136 = vector.multi_reduction <minsi>, %select_n3A_1134, %reduce_min3A_1135 [0] : vector<16x1024xi32> to vector<1024xi32>
    %broadcast_in_dim3A_1137 = vector.shape_cast %reduce_min3A_1136 : vector<1024xi32> to vector<1x1024xi32>
    %squeeze3A_1138 = vector.shape_cast %broadcast_in_dim3A_1137 : vector<1x1024xi32> to vector<1024xi32>
    %swap3A_1139 = arith.constant 3 : index
    %swap3A_1140 = arith.constant 6 : index
    %swap3A_1141 = arith.constant 0 : index
    %swap3A_1142 = vector.load %arg4[%swap3A_1139, %swap3A_1140, %swap3A_1141] : memref<4x8x1024xi32, #tpu.memory_space<vmem>>, vector<1x1x1024xi32>
    %swap3A_1143 = vector.shape_cast %swap3A_1142 : vector<1x1x1024xi32> to vector<1024xi32>
    %swap3A_1144 = vector.shape_cast %squeeze3A_1138 : vector<1024xi32> to vector<1x1x1024xi32>
    tpu.vector_store %arg4[%swap3A_1139, %swap3A_1140, %swap3A_1141], %swap3A_1144 {strides = array<i32>} : memref<4x8x1024xi32, #tpu.memory_space<vmem>>, vector<1x1x1024xi32>,
    %eq3A_1145 = arith.constant 3 : i32
    %eq3A_1146 = vector.broadcast %eq3A_1145 : i32 to vector<1x128xi32>
    %eq3A_1147 = arith.cmpi eq, %iota3A, %eq3A_1146 : vector<1x128xi32>
    %reduce_sum3A_1148 = vector.shape_cast %broadcast_in_dim3A_1129 : vector<1x1024xf32> to vector<1x1x1024xf32>
    %reduce_sum3A_1149 = arith.constant dense<0.000000e+00> : vector<1xf32>
    %reduce_sum3A_1150 = vector.multi_reduction <add>, %reduce_sum3A_1148, %reduce_sum3A_1149 [1, 2] : vector<1x1x1024xf32> to vector<1xf32>
    %reduce_sum3A_1151 = vector.shape_cast %reduce_sum3A_1150 : vector<1xf32> to vector<1x1x1xf32>
    %reduce_sum3A_1152 = vector.extract %reduce_sum3A_1151[0, 0, 0] : f32 from vector<1x1x1xf32>
    %jit3A_1153 = arith.constant 0.000000e+00 : f32
    %broadcast_in_dim3A_1154 = vector.broadcast %reduce_sum3A_1152 : f32 to vector<1x128xf32>
    %broadcast_in_dim3A_1155 = vector.broadcast %jit3A_1153 : f32 to vector<1x128xf32>
    %select_n3A_1156 = arith.select %eq3A_1147, %broadcast_in_dim3A_1154, %broadcast_in_dim3A_1155 : vector<1x128xi1>, vector<1x128xf32>
    %add3A_1157 = arith.addf %add3A_1120, %select_n3A_1156 : vector<1x128xf32>
    %get3A_1158 = arith.constant 7 : index
    %get3A_1159 = arith.constant 0 : index
    %get3A_1160 = arith.constant 0 : index
    %get3A_1161 = vector.load %arg1[%get3A_1158, %get3A_1159, %get3A_1160] : memref<8x64x1024xf32, #tpu.memory_space<vmem>>, vector<1x64x1024xf32>
    %get3A_1162 = vector.shape_cast %get3A_1161 : vector<1x64x1024xf32> to vector<64x1024xf32>
    %dot_general3A_1163 = arith.constant dense<0.000000e+00> : vector<16x1024xf32>
    %dot_general3A_1164 = tpu.matmul %get3A_1, %get3A_1162, %dot_general3A_1163 {dimension_numbers = #tpu.dot_dimension_numbers<[1], [0], [0], [1], [0, 0, 1, 1], [], []>, transpose_lhs_hint = false} : vector<16x64xf32>, vector<64x1024xf32>, vector<16x1024xf32> -> vector<16x1024xf32>
    %mul3A_1165 = arith.mulf %get3A_1162, %get3A_1162 : vector<64x1024xf32>
    %reduce_sum3A_1166 = arith.constant dense<0.000000e+00> : vector<1024xf32>
    %reduce_sum3A_1167 = vector.multi_reduction <add>, %mul3A_1165, %reduce_sum3A_1166 [0] : vector<64x1024xf32> to vector<1024xf32>
    %broadcast_in_dim3A_1168 = vector.shape_cast %reduce_sum3A_1167 : vector<1024xf32> to vector<1x1024xf32>
    %add3A_1169 = vector.broadcast %broadcast_in_dim3A_1168 : vector<1x1024xf32> to vector<16x1024xf32>
    %add3A_1170 = vector.broadcast %broadcast_in_dim3A : vector<16x1xf32> to vector<16x1024xf32>
    %add3A_1171 = arith.addf %add3A_1169, %add3A_1170 : vector<16x1024xf32>
    %mul3A_1172 = arith.constant 2.000000e+00 : f32
    %mul3A_1173 = vector.broadcast %mul3A_1172 : f32 to vector<16x1024xf32>
    %mul3A_1174 = arith.mulf %mul3A_1173, %dot_general3A_1164 : vector<16x1024xf32>
    %sub3A_1175 = arith.subf %add3A_1171, %mul3A_1174 : vector<16x1024xf32>
    %lt3A_1176 = arith.constant 2 : i32
    %lt3A_1177 = vector.broadcast %lt3A_1176 : i32 to vector<16x1024xi32>
    %lt3A_1178 = arith.cmpi slt, %iota3A_5, %lt3A_1177 : vector<16x1024xi32>
    %jit3A_1179 = arith.constant 0x7F800000 : f32
    %broadcast_in_dim3A_1180 = vector.broadcast %jit3A_1179 : f32 to vector<16x1024xf32>
    %select_n3A_1181 = arith.select %lt3A_1178, %sub3A_1175, %broadcast_in_dim3A_1180 : vector<16x1024xi1>, vector<16x1024xf32>
    %reduce_min3A_1182 = arith.constant dense<0x7F800000> : vector<1024xf32>
    %reduce_min3A_1183 = vector.multi_reduction <minimumf>, %select_n3A_1181, %reduce_min3A_1182 [0] : vector<16x1024xf32> to vector<1024xf32>
    %broadcast_in_dim3A_1184 = vector.shape_cast %reduce_min3A_1183 : vector<1024xf32> to vector<1x1024xf32>
    %eq3A_1185 = vector.broadcast %broadcast_in_dim3A_1184 : vector<1x1024xf32> to vector<16x1024xf32>
    %eq3A_1186 = arith.cmpf oeq, %select_n3A_1181, %eq3A_1185 : vector<16x1024xf32>
    %jit3A_1187 = arith.constant 16 : i32
    %broadcast_in_dim3A_1188 = vector.broadcast %jit3A_1187 : i32 to vector<16x1024xi32>
    %select_n3A_1189 = arith.select %eq3A_1186, %iota3A_5, %broadcast_in_dim3A_1188 : vector<16x1024xi1>, vector<16x1024xi32>
    %reduce_min3A_1190 = arith.constant dense<2147483647> : vector<1024xi32>
    %reduce_min3A_1191 = vector.multi_reduction <minsi>, %select_n3A_1189, %reduce_min3A_1190 [0] : vector<16x1024xi32> to vector<1024xi32>
    %broadcast_in_dim3A_1192 = vector.shape_cast %reduce_min3A_1191 : vector<1024xi32> to vector<1x1024xi32>
    %squeeze3A_1193 = vector.shape_cast %broadcast_in_dim3A_1192 : vector<1x1024xi32> to vector<1024xi32>
    %swap3A_1194 = arith.constant 0 : index
    %swap3A_1195 = arith.constant 7 : index
    %swap3A_1196 = arith.constant 0 : index
    %swap3A_1197 = vector.load %arg4[%swap3A_1194, %swap3A_1195, %swap3A_1196] : memref<4x8x1024xi32, #tpu.memory_space<vmem>>, vector<1x1x1024xi32>
    %swap3A_1198 = vector.shape_cast %swap3A_1197 : vector<1x1x1024xi32> to vector<1024xi32>
    %swap3A_1199 = vector.shape_cast %squeeze3A_1193 : vector<1024xi32> to vector<1x1x1024xi32>
    tpu.vector_store %arg4[%swap3A_1194, %swap3A_1195, %swap3A_1196], %swap3A_1199 {strides = array<i32>} : memref<4x8x1024xi32, #tpu.memory_space<vmem>>, vector<1x1x1024xi32>,
    %eq3A_1200 = arith.constant 0 : i32
    %eq3A_1201 = vector.broadcast %eq3A_1200 : i32 to vector<1x128xi32>
    %eq3A_1202 = arith.cmpi eq, %iota3A, %eq3A_1201 : vector<1x128xi32>
    %reduce_sum3A_1203 = vector.shape_cast %broadcast_in_dim3A_1184 : vector<1x1024xf32> to vector<1x1x1024xf32>
    %reduce_sum3A_1204 = arith.constant dense<0.000000e+00> : vector<1xf32>
    %reduce_sum3A_1205 = vector.multi_reduction <add>, %reduce_sum3A_1203, %reduce_sum3A_1204 [1, 2] : vector<1x1x1024xf32> to vector<1xf32>
    %reduce_sum3A_1206 = vector.shape_cast %reduce_sum3A_1205 : vector<1xf32> to vector<1x1x1xf32>
    %reduce_sum3A_1207 = vector.extract %reduce_sum3A_1206[0, 0, 0] : f32 from vector<1x1x1xf32>
    %jit3A_1208 = arith.constant 0.000000e+00 : f32
    %broadcast_in_dim3A_1209 = vector.broadcast %reduce_sum3A_1207 : f32 to vector<1x128xf32>
    %broadcast_in_dim3A_1210 = vector.broadcast %jit3A_1208 : f32 to vector<1x128xf32>
    %select_n3A_1211 = arith.select %eq3A_1202, %broadcast_in_dim3A_1209, %broadcast_in_dim3A_1210 : vector<1x128xi1>, vector<1x128xf32>
    %add3A_1212 = arith.addf %add3A_1157, %select_n3A_1211 : vector<1x128xf32>
    %lt3A_1213 = arith.constant 4 : i32
    %lt3A_1214 = vector.broadcast %lt3A_1213 : i32 to vector<16x1024xi32>
    %lt3A_1215 = arith.cmpi slt, %iota3A_5, %lt3A_1214 : vector<16x1024xi32>
    %jit3A_1216 = arith.constant 0x7F800000 : f32
    %broadcast_in_dim3A_1217 = vector.broadcast %jit3A_1216 : f32 to vector<16x1024xf32>
    %select_n3A_1218 = arith.select %lt3A_1215, %sub3A_1175, %broadcast_in_dim3A_1217 : vector<16x1024xi1>, vector<16x1024xf32>
    %reduce_min3A_1219 = arith.constant dense<0x7F800000> : vector<1024xf32>
    %reduce_min3A_1220 = vector.multi_reduction <minimumf>, %select_n3A_1218, %reduce_min3A_1219 [0] : vector<16x1024xf32> to vector<1024xf32>
    %broadcast_in_dim3A_1221 = vector.shape_cast %reduce_min3A_1220 : vector<1024xf32> to vector<1x1024xf32>
    %eq3A_1222 = vector.broadcast %broadcast_in_dim3A_1221 : vector<1x1024xf32> to vector<16x1024xf32>
    %eq3A_1223 = arith.cmpf oeq, %select_n3A_1218, %eq3A_1222 : vector<16x1024xf32>
    %jit3A_1224 = arith.constant 16 : i32
    %broadcast_in_dim3A_1225 = vector.broadcast %jit3A_1224 : i32 to vector<16x1024xi32>
    %select_n3A_1226 = arith.select %eq3A_1223, %iota3A_5, %broadcast_in_dim3A_1225 : vector<16x1024xi1>, vector<16x1024xi32>
    %reduce_min3A_1227 = arith.constant dense<2147483647> : vector<1024xi32>
    %reduce_min3A_1228 = vector.multi_reduction <minsi>, %select_n3A_1226, %reduce_min3A_1227 [0] : vector<16x1024xi32> to vector<1024xi32>
    %broadcast_in_dim3A_1229 = vector.shape_cast %reduce_min3A_1228 : vector<1024xi32> to vector<1x1024xi32>
    %squeeze3A_1230 = vector.shape_cast %broadcast_in_dim3A_1229 : vector<1x1024xi32> to vector<1024xi32>
    %swap3A_1231 = arith.constant 1 : index
    %swap3A_1232 = arith.constant 7 : index
    %swap3A_1233 = arith.constant 0 : index
    %swap3A_1234 = vector.load %arg4[%swap3A_1231, %swap3A_1232, %swap3A_1233] : memref<4x8x1024xi32, #tpu.memory_space<vmem>>, vector<1x1x1024xi32>
    %swap3A_1235 = vector.shape_cast %swap3A_1234 : vector<1x1x1024xi32> to vector<1024xi32>
    %swap3A_1236 = vector.shape_cast %squeeze3A_1230 : vector<1024xi32> to vector<1x1x1024xi32>
    tpu.vector_store %arg4[%swap3A_1231, %swap3A_1232, %swap3A_1233], %swap3A_1236 {strides = array<i32>} : memref<4x8x1024xi32, #tpu.memory_space<vmem>>, vector<1x1x1024xi32>,
    %eq3A_1237 = arith.constant 1 : i32
    %eq3A_1238 = vector.broadcast %eq3A_1237 : i32 to vector<1x128xi32>
    %eq3A_1239 = arith.cmpi eq, %iota3A, %eq3A_1238 : vector<1x128xi32>
    %reduce_sum3A_1240 = vector.shape_cast %broadcast_in_dim3A_1221 : vector<1x1024xf32> to vector<1x1x1024xf32>
    %reduce_sum3A_1241 = arith.constant dense<0.000000e+00> : vector<1xf32>
    %reduce_sum3A_1242 = vector.multi_reduction <add>, %reduce_sum3A_1240, %reduce_sum3A_1241 [1, 2] : vector<1x1x1024xf32> to vector<1xf32>
    %reduce_sum3A_1243 = vector.shape_cast %reduce_sum3A_1242 : vector<1xf32> to vector<1x1x1xf32>
    %reduce_sum3A_1244 = vector.extract %reduce_sum3A_1243[0, 0, 0] : f32 from vector<1x1x1xf32>
    %jit3A_1245 = arith.constant 0.000000e+00 : f32
    %broadcast_in_dim3A_1246 = vector.broadcast %reduce_sum3A_1244 : f32 to vector<1x128xf32>
    %broadcast_in_dim3A_1247 = vector.broadcast %jit3A_1245 : f32 to vector<1x128xf32>
    %select_n3A_1248 = arith.select %eq3A_1239, %broadcast_in_dim3A_1246, %broadcast_in_dim3A_1247 : vector<1x128xi1>, vector<1x128xf32>
    %add3A_1249 = arith.addf %add3A_1212, %select_n3A_1248 : vector<1x128xf32>
    %lt3A_1250 = arith.constant 8 : i32
    %lt3A_1251 = vector.broadcast %lt3A_1250 : i32 to vector<16x1024xi32>
    %lt3A_1252 = arith.cmpi slt, %iota3A_5, %lt3A_1251 : vector<16x1024xi32>
    %jit3A_1253 = arith.constant 0x7F800000 : f32
    %broadcast_in_dim3A_1254 = vector.broadcast %jit3A_1253 : f32 to vector<16x1024xf32>
    %select_n3A_1255 = arith.select %lt3A_1252, %sub3A_1175, %broadcast_in_dim3A_1254 : vector<16x1024xi1>, vector<16x1024xf32>
    %reduce_min3A_1256 = arith.constant dense<0x7F800000> : vector<1024xf32>
    %reduce_min3A_1257 = vector.multi_reduction <minimumf>, %select_n3A_1255, %reduce_min3A_1256 [0] : vector<16x1024xf32> to vector<1024xf32>
    %broadcast_in_dim3A_1258 = vector.shape_cast %reduce_min3A_1257 : vector<1024xf32> to vector<1x1024xf32>
    %eq3A_1259 = vector.broadcast %broadcast_in_dim3A_1258 : vector<1x1024xf32> to vector<16x1024xf32>
    %eq3A_1260 = arith.cmpf oeq, %select_n3A_1255, %eq3A_1259 : vector<16x1024xf32>
    %jit3A_1261 = arith.constant 16 : i32
    %broadcast_in_dim3A_1262 = vector.broadcast %jit3A_1261 : i32 to vector<16x1024xi32>
    %select_n3A_1263 = arith.select %eq3A_1260, %iota3A_5, %broadcast_in_dim3A_1262 : vector<16x1024xi1>, vector<16x1024xi32>
    %reduce_min3A_1264 = arith.constant dense<2147483647> : vector<1024xi32>
    %reduce_min3A_1265 = vector.multi_reduction <minsi>, %select_n3A_1263, %reduce_min3A_1264 [0] : vector<16x1024xi32> to vector<1024xi32>
    %broadcast_in_dim3A_1266 = vector.shape_cast %reduce_min3A_1265 : vector<1024xi32> to vector<1x1024xi32>
    %squeeze3A_1267 = vector.shape_cast %broadcast_in_dim3A_1266 : vector<1x1024xi32> to vector<1024xi32>
    %swap3A_1268 = arith.constant 2 : index
    %swap3A_1269 = arith.constant 7 : index
    %swap3A_1270 = arith.constant 0 : index
    %swap3A_1271 = vector.load %arg4[%swap3A_1268, %swap3A_1269, %swap3A_1270] : memref<4x8x1024xi32, #tpu.memory_space<vmem>>, vector<1x1x1024xi32>
    %swap3A_1272 = vector.shape_cast %swap3A_1271 : vector<1x1x1024xi32> to vector<1024xi32>
    %swap3A_1273 = vector.shape_cast %squeeze3A_1267 : vector<1024xi32> to vector<1x1x1024xi32>
    tpu.vector_store %arg4[%swap3A_1268, %swap3A_1269, %swap3A_1270], %swap3A_1273 {strides = array<i32>} : memref<4x8x1024xi32, #tpu.memory_space<vmem>>, vector<1x1x1024xi32>,
    %eq3A_1274 = arith.constant 2 : i32
    %eq3A_1275 = vector.broadcast %eq3A_1274 : i32 to vector<1x128xi32>
    %eq3A_1276 = arith.cmpi eq, %iota3A, %eq3A_1275 : vector<1x128xi32>
    %reduce_sum3A_1277 = vector.shape_cast %broadcast_in_dim3A_1258 : vector<1x1024xf32> to vector<1x1x1024xf32>
    %reduce_sum3A_1278 = arith.constant dense<0.000000e+00> : vector<1xf32>
    %reduce_sum3A_1279 = vector.multi_reduction <add>, %reduce_sum3A_1277, %reduce_sum3A_1278 [1, 2] : vector<1x1x1024xf32> to vector<1xf32>
    %reduce_sum3A_1280 = vector.shape_cast %reduce_sum3A_1279 : vector<1xf32> to vector<1x1x1xf32>
    %reduce_sum3A_1281 = vector.extract %reduce_sum3A_1280[0, 0, 0] : f32 from vector<1x1x1xf32>
    %jit3A_1282 = arith.constant 0.000000e+00 : f32
    %broadcast_in_dim3A_1283 = vector.broadcast %reduce_sum3A_1281 : f32 to vector<1x128xf32>
    %broadcast_in_dim3A_1284 = vector.broadcast %jit3A_1282 : f32 to vector<1x128xf32>
    %select_n3A_1285 = arith.select %eq3A_1276, %broadcast_in_dim3A_1283, %broadcast_in_dim3A_1284 : vector<1x128xi1>, vector<1x128xf32>
    %add3A_1286 = arith.addf %add3A_1249, %select_n3A_1285 : vector<1x128xf32>
    %lt3A_1287 = arith.constant 16 : i32
    %lt3A_1288 = vector.broadcast %lt3A_1287 : i32 to vector<16x1024xi32>
    %lt3A_1289 = arith.cmpi slt, %iota3A_5, %lt3A_1288 : vector<16x1024xi32>
    %jit3A_1290 = arith.constant 0x7F800000 : f32
    %broadcast_in_dim3A_1291 = vector.broadcast %jit3A_1290 : f32 to vector<16x1024xf32>
    %select_n3A_1292 = arith.select %lt3A_1289, %sub3A_1175, %broadcast_in_dim3A_1291 : vector<16x1024xi1>, vector<16x1024xf32>
    %reduce_min3A_1293 = arith.constant dense<0x7F800000> : vector<1024xf32>
    %reduce_min3A_1294 = vector.multi_reduction <minimumf>, %select_n3A_1292, %reduce_min3A_1293 [0] : vector<16x1024xf32> to vector<1024xf32>
    %broadcast_in_dim3A_1295 = vector.shape_cast %reduce_min3A_1294 : vector<1024xf32> to vector<1x1024xf32>
    %eq3A_1296 = vector.broadcast %broadcast_in_dim3A_1295 : vector<1x1024xf32> to vector<16x1024xf32>
    %eq3A_1297 = arith.cmpf oeq, %select_n3A_1292, %eq3A_1296 : vector<16x1024xf32>
    %jit3A_1298 = arith.constant 16 : i32
    %broadcast_in_dim3A_1299 = vector.broadcast %jit3A_1298 : i32 to vector<16x1024xi32>
    %select_n3A_1300 = arith.select %eq3A_1297, %iota3A_5, %broadcast_in_dim3A_1299 : vector<16x1024xi1>, vector<16x1024xi32>
    %reduce_min3A_1301 = arith.constant dense<2147483647> : vector<1024xi32>
    %reduce_min3A_1302 = vector.multi_reduction <minsi>, %select_n3A_1300, %reduce_min3A_1301 [0] : vector<16x1024xi32> to vector<1024xi32>
    %broadcast_in_dim3A_1303 = vector.shape_cast %reduce_min3A_1302 : vector<1024xi32> to vector<1x1024xi32>
    %squeeze3A_1304 = vector.shape_cast %broadcast_in_dim3A_1303 : vector<1x1024xi32> to vector<1024xi32>
    %swap3A_1305 = arith.constant 3 : index
    %swap3A_1306 = arith.constant 7 : index
    %swap3A_1307 = arith.constant 0 : index
    %swap3A_1308 = vector.load %arg4[%swap3A_1305, %swap3A_1306, %swap3A_1307] : memref<4x8x1024xi32, #tpu.memory_space<vmem>>, vector<1x1x1024xi32>
    %swap3A_1309 = vector.shape_cast %swap3A_1308 : vector<1x1x1024xi32> to vector<1024xi32>
    %swap3A_1310 = vector.shape_cast %squeeze3A_1304 : vector<1024xi32> to vector<1x1x1024xi32>
    tpu.vector_store %arg4[%swap3A_1305, %swap3A_1306, %swap3A_1307], %swap3A_1310 {strides = array<i32>} : memref<4x8x1024xi32, #tpu.memory_space<vmem>>, vector<1x1x1024xi32>,
    %eq3A_1311 = arith.constant 3 : i32
    %eq3A_1312 = vector.broadcast %eq3A_1311 : i32 to vector<1x128xi32>
    %eq3A_1313 = arith.cmpi eq, %iota3A, %eq3A_1312 : vector<1x128xi32>
    %reduce_sum3A_1314 = vector.shape_cast %broadcast_in_dim3A_1295 : vector<1x1024xf32> to vector<1x1x1024xf32>
    %reduce_sum3A_1315 = arith.constant dense<0.000000e+00> : vector<1xf32>
    %reduce_sum3A_1316 = vector.multi_reduction <add>, %reduce_sum3A_1314, %reduce_sum3A_1315 [1, 2] : vector<1x1x1024xf32> to vector<1xf32>
    %reduce_sum3A_1317 = vector.shape_cast %reduce_sum3A_1316 : vector<1xf32> to vector<1x1x1xf32>
    %reduce_sum3A_1318 = vector.extract %reduce_sum3A_1317[0, 0, 0] : f32 from vector<1x1x1xf32>
    %jit3A_1319 = arith.constant 0.000000e+00 : f32
    %broadcast_in_dim3A_1320 = vector.broadcast %reduce_sum3A_1318 : f32 to vector<1x128xf32>
    %broadcast_in_dim3A_1321 = vector.broadcast %jit3A_1319 : f32 to vector<1x128xf32>
    %select_n3A_1322 = arith.select %eq3A_1313, %broadcast_in_dim3A_1320, %broadcast_in_dim3A_1321 : vector<1x128xi1>, vector<1x128xf32>
    %add3A_1323 = arith.addf %add3A_1286, %select_n3A_1322 : vector<1x128xf32>
    %eq3A_1324 = arith.constant 0 : i32
    %eq3A_1325 = arith.cmpi eq, %arg0, %eq3A_1324 : i32
    %convert_element_type3A = arith.extui %eq3A_1325 : i1 to i32
    %cond3A = arith.constant 0 : i32
    %cond3A_1326 = arith.cmpi ne, %convert_element_type3A, %cond3A : i32
    scf.if %cond3A_1326 {
      %broadcast_in_dim3A_1425 = arith.constant 0.000000e+00 : f32
      %broadcast_in_dim3A_1426 = vector.broadcast %broadcast_in_dim3A_1425 : f32 to vector<1x128xf32>
      %swap3A_1427 = arith.constant 0 : index
      %swap3A_1428 = arith.constant 0 : index
      %swap3A_1429 = vector.load %arg5[%swap3A_1427, %swap3A_1428] : memref<1x128xf32, #tpu.memory_space<vmem>>, vector<1x128xf32>
      tpu.vector_store %arg5[%swap3A_1427, %swap3A_1428], %broadcast_in_dim3A_1426 {strides = array<i32>} : memref<1x128xf32, #tpu.memory_space<vmem>>, vector<1x128xf32>,
    } else {
    }
    %get3A_1327 = arith.constant 0 : index
    %get3A_1328 = arith.constant 0 : index
    %get3A_1329 = vector.load %arg5[%get3A_1327, %get3A_1328] : memref<1x128xf32, #tpu.memory_space<vmem>>, vector<1x128xf32>
    %add3A_1330 = arith.addf %get3A_1329, %add3A_1323 : vector<1x128xf32>
    %mul3A_1331 = arith.constant 9.53674316E-7 : f32
    %mul3A_1332 = vector.broadcast %mul3A_1331 : f32 to vector<1x128xf32>
    %mul3A_1333 = arith.mulf %add3A_1330, %mul3A_1332 : vector<1x128xf32>
    %get3A_1334 = arith.constant 0 : index
    %get3A_1335 = arith.constant 0 : index
    %get3A_1336 = vector.load %arg3[%get3A_1334, %get3A_1335] : memref<16x64xf32, #tpu.memory_space<vmem>>, vector<16x64xf32>
    %sub3A_1337 = arith.subf %get3A_1336, %get3A_1 : vector<16x64xf32>
    %mul3A_1338 = arith.mulf %sub3A_1337, %sub3A_1337 : vector<16x64xf32>
    %iota3A_1339 = tpu.iota {dimensions = array<i32: 0>} : vector<16x64xi32>
    %lt3A_1340 = arith.constant 2 : i32
    %lt3A_1341 = vector.broadcast %lt3A_1340 : i32 to vector<16x64xi32>
    %lt3A_1342 = arith.cmpi slt, %iota3A_1339, %lt3A_1341 : vector<16x64xi32>
    %jit3A_1343 = arith.constant 0.000000e+00 : f32
    %broadcast_in_dim3A_1344 = vector.broadcast %jit3A_1343 : f32 to vector<16x64xf32>
    %select_n3A_1345 = arith.select %lt3A_1342, %mul3A_1338, %broadcast_in_dim3A_1344 : vector<16x64xi1>, vector<16x64xf32>
    %reduce_sum3A_1346 = vector.shape_cast %select_n3A_1345 : vector<16x64xf32> to vector<1x16x64xf32>
    %reduce_sum3A_1347 = arith.constant dense<0.000000e+00> : vector<1xf32>
    %reduce_sum3A_1348 = vector.multi_reduction <add>, %reduce_sum3A_1346, %reduce_sum3A_1347 [1, 2] : vector<1x16x64xf32> to vector<1xf32>
    %reduce_sum3A_1349 = vector.shape_cast %reduce_sum3A_1348 : vector<1xf32> to vector<1x1x1xf32>
    %reduce_sum3A_1350 = vector.extract %reduce_sum3A_1349[0, 0, 0] : f32 from vector<1x1x1xf32>
    %mul3A_1351 = arith.constant 7.812500e-03 : f32
    %mul3A_1352 = arith.mulf %reduce_sum3A_1350, %mul3A_1351 : f32
    %lt3A_1353 = arith.constant 4 : i32
    %lt3A_1354 = vector.broadcast %lt3A_1353 : i32 to vector<16x64xi32>
    %lt3A_1355 = arith.cmpi slt, %iota3A_1339, %lt3A_1354 : vector<16x64xi32>
    %jit3A_1356 = arith.constant 0.000000e+00 : f32
    %broadcast_in_dim3A_1357 = vector.broadcast %jit3A_1356 : f32 to vector<16x64xf32>
    %select_n3A_1358 = arith.select %lt3A_1355, %mul3A_1338, %broadcast_in_dim3A_1357 : vector<16x64xi1>, vector<16x64xf32>
    %reduce_sum3A_1359 = vector.shape_cast %select_n3A_1358 : vector<16x64xf32> to vector<1x16x64xf32>
    %reduce_sum3A_1360 = arith.constant dense<0.000000e+00> : vector<1xf32>
    %reduce_sum3A_1361 = vector.multi_reduction <add>, %reduce_sum3A_1359, %reduce_sum3A_1360 [1, 2] : vector<1x16x64xf32> to vector<1xf32>
    %reduce_sum3A_1362 = vector.shape_cast %reduce_sum3A_1361 : vector<1xf32> to vector<1x1x1xf32>
    %reduce_sum3A_1363 = vector.extract %reduce_sum3A_1362[0, 0, 0] : f32 from vector<1x1x1xf32>
    %mul3A_1364 = arith.constant 3.906250e-03 : f32
    %mul3A_1365 = arith.mulf %reduce_sum3A_1363, %mul3A_1364 : f32
    %lt3A_1366 = arith.constant 8 : i32
    %lt3A_1367 = vector.broadcast %lt3A_1366 : i32 to vector<16x64xi32>
    %lt3A_1368 = arith.cmpi slt, %iota3A_1339, %lt3A_1367 : vector<16x64xi32>
    %jit3A_1369 = arith.constant 0.000000e+00 : f32
    %broadcast_in_dim3A_1370 = vector.broadcast %jit3A_1369 : f32 to vector<16x64xf32>
    %select_n3A_1371 = arith.select %lt3A_1368, %mul3A_1338, %broadcast_in_dim3A_1370 : vector<16x64xi1>, vector<16x64xf32>
    %reduce_sum3A_1372 = vector.shape_cast %select_n3A_1371 : vector<16x64xf32> to vector<1x16x64xf32>
    %reduce_sum3A_1373 = arith.constant dense<0.000000e+00> : vector<1xf32>
    %reduce_sum3A_1374 = vector.multi_reduction <add>, %reduce_sum3A_1372, %reduce_sum3A_1373 [1, 2] : vector<1x16x64xf32> to vector<1xf32>
    %reduce_sum3A_1375 = vector.shape_cast %reduce_sum3A_1374 : vector<1xf32> to vector<1x1x1xf32>
    %reduce_sum3A_1376 = vector.extract %reduce_sum3A_1375[0, 0, 0] : f32 from vector<1x1x1xf32>
    %mul3A_1377 = arith.constant 0.001953125 : f32
    %mul3A_1378 = arith.mulf %reduce_sum3A_1376, %mul3A_1377 : f32
    %lt3A_1379 = arith.constant 2 : i32
    %lt3A_1380 = vector.broadcast %lt3A_1379 : i32 to vector<1x128xi32>
    %lt3A_1381 = arith.cmpi slt, %iota3A, %lt3A_1380 : vector<1x128xi32>
    %jit3A_1382 = arith.constant 1.000000e-01 : f32
    %jit3A_1383 = arith.constant 0.000000e+00 : f32
    %broadcast_in_dim3A_1384 = vector.broadcast %jit3A_1382 : f32 to vector<1x128xf32>
    %broadcast_in_dim3A_1385 = vector.broadcast %jit3A_1383 : f32 to vector<1x128xf32>
    %select_n3A_1386 = arith.select %lt3A_1381, %broadcast_in_dim3A_1384, %broadcast_in_dim3A_1385 : vector<1x128xi1>, vector<1x128xf32>
    %eq3A_1387 = arith.constant 1 : i32
    %eq3A_1388 = vector.broadcast %eq3A_1387 : i32 to vector<1x128xi32>
    %eq3A_1389 = arith.cmpi eq, %iota3A, %eq3A_1388 : vector<1x128xi32>
    %mul3A_1390 = arith.constant 3.300000e-01 : f32
    %mul3A_1391 = arith.mulf %mul3A_1390, %mul3A_1352 : f32
    %jit3A_1392 = arith.constant 0.000000e+00 : f32
    %broadcast_in_dim3A_1393 = vector.broadcast %mul3A_1391 : f32 to vector<1x128xf32>
    %broadcast_in_dim3A_1394 = vector.broadcast %jit3A_1392 : f32 to vector<1x128xf32>
    %select_n3A_1395 = arith.select %eq3A_1389, %broadcast_in_dim3A_1393, %broadcast_in_dim3A_1394 : vector<1x128xi1>, vector<1x128xf32>
    %eq3A_1396 = arith.constant 2 : i32
    %eq3A_1397 = vector.broadcast %eq3A_1396 : i32 to vector<1x128xi32>
    %eq3A_1398 = arith.cmpi eq, %iota3A, %eq3A_1397 : vector<1x128xi32>
    %mul3A_1399 = arith.constant 3.300000e-01 : f32
    %mul3A_1400 = arith.mulf %mul3A_1399, %mul3A_1365 : f32
    %jit3A_1401 = arith.constant 0.000000e+00 : f32
    %broadcast_in_dim3A_1402 = vector.broadcast %mul3A_1400 : f32 to vector<1x128xf32>
    %broadcast_in_dim3A_1403 = vector.broadcast %jit3A_1401 : f32 to vector<1x128xf32>
    %select_n3A_1404 = arith.select %eq3A_1398, %broadcast_in_dim3A_1402, %broadcast_in_dim3A_1403 : vector<1x128xi1>, vector<1x128xf32>
    %add3A_1405 = arith.addf %select_n3A_1395, %select_n3A_1404 : vector<1x128xf32>
    %eq3A_1406 = arith.constant 3 : i32
    %eq3A_1407 = vector.broadcast %eq3A_1406 : i32 to vector<1x128xi32>
    %eq3A_1408 = arith.cmpi eq, %iota3A, %eq3A_1407 : vector<1x128xi32>
    %mul3A_1409 = arith.constant 3.300000e-01 : f32
    %mul3A_1410 = arith.mulf %mul3A_1409, %mul3A_1378 : f32
    %jit3A_1411 = arith.constant 0.000000e+00 : f32
    %broadcast_in_dim3A_1412 = vector.broadcast %mul3A_1410 : f32 to vector<1x128xf32>
    %broadcast_in_dim3A_1413 = vector.broadcast %jit3A_1411 : f32 to vector<1x128xf32>
    %select_n3A_1414 = arith.select %eq3A_1408, %broadcast_in_dim3A_1412, %broadcast_in_dim3A_1413 : vector<1x128xi1>, vector<1x128xf32>
    %add3A_1415 = arith.addf %add3A_1405, %select_n3A_1414 : vector<1x128xf32>
    %mul3A_1416 = arith.mulf %select_n3A_1386, %mul3A_1333 : vector<1x128xf32>
    %add3A_1417 = arith.addf %mul3A_1333, %mul3A_1416 : vector<1x128xf32>
    %add3A_1418 = arith.addf %add3A_1417, %add3A_1415 : vector<1x128xf32>
    %eq3A_1419 = arith.constant 1 : i32
    %eq3A_1420 = arith.cmpi eq, %arg0, %eq3A_1419 : i32
    %select_n3A_1421 = arith.select %eq3A_1420, %add3A_1418, %add3A_1330 : vector<1x128xf32>
    %swap3A_1422 = arith.constant 0 : index
    %swap3A_1423 = arith.constant 0 : index
    %swap3A_1424 = vector.load %arg5[%swap3A_1422, %swap3A_1423] : memref<1x128xf32, #tpu.memory_space<vmem>>, vector<1x128xf32>
    tpu.vector_store %arg5[%swap3A_1422, %swap3A_1423], %select_n3A_1421 {strides = array<i32>} : memref<1x128xf32, #tpu.memory_space<vmem>>, vector<1x128xf32>,
    return
  }
  func.func @transform_0(%arg0: i32) -> (i32, i32, i32) {
    %c0_i32 = arith.constant 0 : i32
    %c0_i32_0 = arith.constant 0 : i32
    %c0_i32_1 = arith.constant 0 : i32
    return %arg0, %c0_i32, %c0_i32_0 : i32, i32, i32
  }
  func.func @transform_1(%arg0: i32) -> (i32, i32) {
    %c0_i32 = arith.constant 0 : i32
    %c0_i32_0 = arith.constant 0 : i32
    %c0_i32_1 = arith.constant 0 : i32
    return %c0_i32, %c0_i32_0 : i32, i32
  }
  func.func @transform_2(%arg0: i32) -> (i32, i32) {
    %c0_i32 = arith.constant 0 : i32
    %c0_i32_0 = arith.constant 0 : i32
    %c0_i32_1 = arith.constant 0 : i32
    return %c0_i32, %c0_i32_0 : i32, i32
  }
  func.func @transform_3(%arg0: i32) -> (i32, i32, i32) {
    %c0_i32 = arith.constant 0 : i32
    %c0_i32_0 = arith.constant 0 : i32
    %c0_i32_1 = arith.constant 0 : i32
    return %c0_i32, %arg0, %c0_i32_0 : i32, i32, i32
  }
  func.func @transform_4(%arg0: i32) -> (i32, i32) {
    %c0_i32 = arith.constant 0 : i32
    %c0_i32_0 = arith.constant 0 : i32
    %c0_i32_1 = arith.constant 0 : i32
    return %c0_i32, %c0_i32_0 : i32, i32
  }
}

</mosaic_0001>

<sc_bundles>
// kernel: _run.4.cloned.1.call-start
scs
__scs_entry_jumppad:
0x0: {  	(pc) =	sbr.rel $0x88, $3  }
0x1: {  	(tag) =	ssettag $0x0;
	lr =	simm.s32 $0x1  }
0x2: {  	[smem:$0x3F9D] =	sst lr;
	_ =	strace $0xD0000000  }
0x3: {  	_ = 	snop  }
0x4: {  	_ = 	snop  }
0x5: {  	_ = 	snop  }
0x6: {  	_ = 	snop  }
0x7: {  	_ = 	snop  }
__scs_overlays_trampoline_lowered:
0x8: {  	[smem:$0x3FAC] =	sst s0  }
0x9: {  	[smem:$0x3FAD] =	sst s1  }
0xa: {  	[smem:$0x3FAE] =	sst s2  }
0xb: {  	[smem:$0x3FAF] =	sst s3  }
0xc: {  	[smem:$0x3FB0] =	sst s4  }
0xd: {  	[smem:$0x3FB1] =	sst s5  }
0xe: {  	[smem:$0x3FB2] =	sst s6  }
0xf: {  	[smem:$0x3FB3] =	sst s7  }
0x10: {  	[smem:$0x3FB4] =	sst s8  }
0x11: {  	[smem:$0x3FB5] =	sst s9;
	s0 =	simm.s32 @!p0 $0x0  }
0x12: {  	s1 =	sld [smem:$0x3F9B];
	s0 =	simm.s32 @p0 $0x1  }
0x13: {  	[smem:$0x3FB6] =	sst s0;
	s0 =	simm.s32 @!p1 $0x0  }
0x14: {  	s2 =	sld [smem:$0x3F9A];
	s0 =	simm.s32 @p1 $0x1  }
0x15: {  	[smem:$0x3FB7] =	sst s0;
	s0 =	simm.s32 @!p2 $0x0  }
0x16: {  	s3 =	sld [smem:$0x3FDB];
	s0 =	simm.s32 @p2 $0x1  }
0x17: {  	s4 =	simm.s32 $0x1BF5;
	[smem:$0x3FB9] =	sst s0  }
0x18: {  	s0 =	sld [smem:$0x3F9C];
	_ =	swait.ge [sflag:s4], $0x0  }
0x19: {  	s7 =	sld [smem:$0x3F9D]  }
0x1a: {  	s8 =	sadd.s32 $0xFFFFE003, lr  }
0x1b: {  	s9 =	sadd.s32 $0xFFFFFEF7, lr;
	s5 =	simm.s32 $0xFFFFFFFF;
	p2 =	slt.u32 s8, $0xFFFFF086  }
0x1c: {  	p1 =	slt.u32 s9, $0xF7A;
	s5 =	simm.s32 @!p2 $0x0  }
0x1d: {  	s5 =	simm.s32 @p1 $0x1;
	p0 =	seq.s32 s7, s2  }
0x1e: {  	s7 =	smul.u32 @!p0 $0xF7A, s2;
	p2 =	seq.s32 @!p0 s5, $0x0  }
0x1f: {  	s9 =	smul.u32 $0xF7A, s1;
	s8 =	simm.s32 @!p0 $0x1BF5;
	p2 =	por !p2, p0  }
0x20: {  	[sflag:s8] =	ssyncset.s32 @!p0 $0xFFFFF086;
	s6 =	sadd.s32 @!p0 s3, s7;
	s7 =	simm.s32 @!p0 $0x108  }
0x21: {  	s3 =	sadd.s32 s3, s9;
	s6 =	sadd.s32 @!p0 $0x88, s6;
	s7 =	simm.s32 @p2 $0x1082  }
0x22: {  	[simem:s7], [sflag:s8] =	dma.local @!p0 [hbm:s6], $0xF7A  }
0x23: {  	s9 =	sor.u32 $0xD0000000, s2;
	s6 =	simm.s32 $0x108;
	_ =	swait.ge @!p0 [sflag:s8], $0x0  }
0x24: {  	s3 =	sadd.s32 $0x88, s3;
	s6 =	simm.s32 @!p1 $0x1082;
	[sflag:s4] =	ssyncset.s32 $0xFFFFF086  }
0x25: {  	[simem:s6], [sflag:s4] =	dma.local [hbm:s3], $0xF7A  }
0x26: {  	[smem:$0x3F9D] =	sst s1;
	(tag) =	ssettag s2;
	_ =	strace s9  }
0x27: {  	s1 =	sld [smem:$0x3FAD]  }
0x28: {  	s2 =	sld [smem:$0x3FAE]  }
0x29: {  	s4 =	sld [smem:$0x3FB0]  }
0x2a: {  	p0 =	seq.s32 s5, $0x0;
	s5 =	sld [smem:$0x3FB1]  }
0x2b: {  	s6 =	sld [smem:$0x3FB2]  }
0x2c: {  	s7 =	sld [smem:$0x3FB3]  }
0x2d: {  	s3 =	simm.s32 $0x108;
	s8 =	sld [smem:$0x3FB4]  }
0x2e: {  	s3 =	simm.s32 @!p0 $0x1082;
	s9 =	sld [smem:$0x3FB5]  }
0x2f: {  	lr =	sadd.s32 s0, s3;
	s0 =	sld [smem:$0x3FAC]  }
0x30: {  	s3 =	sld [smem:$0x3FAF]  }
0x31: {  	[smem:$0x3FB8] =	sst s10  }
0x32: {  	s10 =	sld [smem:$0x3FB6];
	_ =	sdelay $0x3  }
0x33: {  	p0 =	seq.s32 s10, $0x1;
	s10 =	sld [smem:$0x3FB8];
	_ =	sdelay $0x3  }
0x34: {  	[smem:$0x3FB8] =	sst s10  }
0x35: {  	s10 =	sld [smem:$0x3FB7];
	_ =	sdelay $0x3  }
0x36: {  	p1 =	seq.s32 s10, $0x1;
	s10 =	sld [smem:$0x3FB8];
	_ =	sdelay $0x3  }
0x37: {  	[smem:$0x3FB8] =	sst s10  }
0x38: {  	s10 =	sld [smem:$0x3FB9]  }
0x39: {  	_ = 	snop;
	(pc) =	sbr.ind lr, $3  }
0x3a: {  	_ = 	snop  }
0x3b: {  	_ = 	snop  }
0x3c: {  	p2 =	seq.s32 s10, $0x1;
	s10 =	sld [smem:$0x3FB8]  }
0x3d: {  	_ =	shalt  }
0x3e: {  	_ =	shalt  }
0x3f: {  	_ =	shalt  }
0x40: {  	_ =	shalt  }
0x41: {  	_ =	shalt  }
0x42: {  	_ =	shalt  }
0x43: {  	_ =	shalt  }
0x44: {  	_ =	shalt  }
0x45: {  	_ =	shalt  }
0x46: {  	_ =	shalt  }
0x47: {  	_ =	shalt  }
0x48: {  	_ =	shalt  }
0x49: {  	_ =	shalt  }
0x4a: {  	_ =	shalt  }
0x4b: {  	_ =	shalt  }
0x4c: {  	_ =	shalt  }
0x4d: {  	_ =	shalt  }
0x4e: {  	_ =	shalt  }
0x4f: {  	_ =	shalt  }
0x50: {  	_ =	shalt  }
0x51: {  	_ =	shalt  }
0x52: {  	_ =	shalt  }
0x53: {  	_ =	shalt  }
0x54: {  	_ =	shalt  }
0x55: {  	_ =	shalt  }
0x56: {  	_ =	shalt  }
0x57: {  	_ =	shalt  }
0x58: {  	_ =	shalt  }
0x59: {  	_ =	shalt  }
0x5a: {  	_ =	shalt  }
0x5b: {  	_ =	shalt  }
0x5c: {  	_ =	shalt  }
0x5d: {  	_ =	shalt  }
0x5e: {  	_ =	shalt  }
0x5f: {  	_ =	shalt  }
0x60: {  	_ =	shalt  }
0x61: {  	_ =	shalt  }
0x62: {  	_ =	shalt  }
0x63: {  	_ =	shalt  }
0x64: {  	_ =	shalt  }
0x65: {  	_ =	shalt  }
0x66: {  	_ =	shalt  }
0x67: {  	_ =	shalt  }
0x68: {  	_ =	shalt  }
0x69: {  	_ =	shalt  }
0x6a: {  	_ =	shalt  }
0x6b: {  	_ =	shalt  }
0x6c: {  	_ =	shalt  }
0x6d: {  	_ =	shalt  }
0x6e: {  	_ =	shalt  }
0x6f: {  	_ =	shalt  }
0x70: {  	_ =	shalt  }
0x71: {  	_ =	shalt  }
0x72: {  	_ =	shalt  }
0x73: {  	_ =	shalt  }
0x74: {  	_ =	shalt  }
0x75: {  	_ =	shalt  }
0x76: {  	_ =	shalt  }
0x77: {  	_ =	shalt  }
0x78: {  	_ =	shalt  }
0x79: {  	_ =	shalt  }
0x7a: {  	_ =	shalt  }
0x7b: {  	_ =	shalt  }
0x7c: {  	_ =	shalt  }
0x7d: {  	_ =	shalt  }
0x7e: {  	_ =	shalt  }
0x7f: {  	_ =	shalt  }
0x80: {  	_ =	shalt  }
0x81: {  	_ =	shalt  }
0x82: {  	_ =	shalt  }
0x83: {  	_ =	shalt  }
0x84: {  	_ =	shalt  }
0x85: {  	_ =	shalt  }
0x86: {  	_ =	shalt  }
0x87: {  	_ =	shalt  }
.Lfunc_end0:
.L_simem_size_0:
called_computation_lowered:
.L_overlay_start_0:
0x88: {  	s2 =	sld [smem:$0x3FD9]  }
0x89: {  	s3 =	sld [smem:$0x3FFE];
	_ =	sdelay $0x1  }
0x8a: {  	s1 =	srdreg.scid  }
0x8b: {  	s0 =	sand.u32 $0x1, s1  }
0x8c: {  	s14 =	sshll.u32 s0, $0xA;
	s2 =	sadd.s32 s3, s2  }
0x8d: {  	s2 =	sadd.s32 s2, s14  }
0x8e: {  	[smem:$0x3FC4] =	sst s2  }
0x8f: {  	_ = 	snop  }
0x90: {  	s2 =	sld [smem:$0x3FD0];
	_ =	sdelay $0x2  }
0x91: {  	s4 =	simm.s32 $0xA;
	s5 =	simm.s32 $0x10;
	s15 =	sld [smem:$0x3FC7]  }
0x92: {  	[smem:s5], [sflag:s4] =	dma.local [hbm:s2], $0x1  }
0x93: {  	_ =	swait.eq [sflag:s4], $0x1  }
0x94: {  	[sflag:s4] =	ssyncset.done $0x0  }
0x95: {  	[sflag:s4] =	ssyncadd.s32 $0xFFFFFFFF  }
0x96: {  	s16 =	sld [smem:$0x10];
	(tm) =	ssettm $0x1  }
0x97: {  	s17 =	sld [smem:$0x3FFB];
	_ =	sdelay $0x3  }
0x98: {  	_ =	strace s17  }
0x99: {  	s4 =	sld [smem:$0x3FFC];
	_ =	sdelay $0x3  }
0x9a: {  	_ =	strace s4  }
0x9b: {  	s4 =	sld [smem:$0x3FFD];
	_ =	sdelay $0x3  }
0x9c: {  	_ =	strace s4  }
0x9d: {  	_ =	strace $0x8FFFFFFF  }
0x9e: {  	s18 =	sld [smem:$0x3FDB];
	_ =	sdelay $0x1  }
0x9f: {  	s19 =	simm.s32 $_scs_section_size  }
0xa0: {  	s6 =	simm.s32 $_size__tile_overlayer_lowered;
	s7 =	simm.s32 $_tile_overlayer_lowered  }
0xa1: {  	s22 =	simm.s32 $0x1BFF;
	s21 =	sshll.u32 s7, $0x1;
	s4 =	sadd.s32 s19, s18  }
0xa2: {  	s8 =	simm.s32 $0x0;
	s20 =	sshll.u32 s6, $0x1;
	s6 =	sadd.s32 s21, s4  }
0xa3: {  	[timem:s8], [sflag:s22] =	dma.local [hbm:s6], s20  }
0xa4: {  	_ =	swait.ge [sflag:s22], s20  }
0xa5: {  	s5 =	ssub.s32 $0x0, s20;
	[sflag:s22] =	ssyncset.done $0x0  }
0xa6: {  	[sflag:s22] =	ssyncadd.s32 s5;
	_ =	sdelay $0x1  }
0xa7: {  	s23 =	simm.s32 $0x1B8B  }
0xa8: {  	_ =	swait.ge [sflag:s23], $0x1  }
0xa9: {  	[sflag:s23] =	ssyncset.done $0x0  }
0xaa: {  	s25 =	simm.s32 $0x1B8E;
	s24 =	sld [smem:$0x3FFE];
	[sflag:s23] =	ssyncadd.s32 $0xFFFFFFFF  }
0xab: {  	s26 =	simm.s32 $execute0_lowered;
	[smem:$0x3FD2] =	sst s25  }
0xac: {  	s6 =	sshll.u32 s26, $0x1;
	_ =	strace $0x80000046;
	[dreg:$0x1] =	wrdreg $0xFFFFFFFF  }
0xad: {  	s28 =	simm.s32 $_size_execute0_lowered;
	s4 =	sadd.s32 s4, s6;
	[dreg:$0x0] =	wrdreg $0x0  }
0xae: {  	s6 =	sshll.u32 s28, $0x1;
	[dreg:$0x2] =	wrdreg s4  }
0xaf: {  	[dreg:$0x3] =	wrdreg s6  }
0xb0: {  	[dreg:$0x4] =	wrdreg $0xC0  }
0xb1: {  	_ =	task [dreg:s8], $0x5FFFF  }
0xb2: {  	[dreg:$0x1] =	wrdreg $0xFFFFFFFF  }
0xb3: {  	[dreg:$0x0] =	wrdreg $0x60  }
0xb4: {  	[dreg:$0x2] =	wrdreg s24  }
0xb5: {  	[dreg:$0x3] =	wrdreg s15  }
0xb6: {  	[dreg:$0x4] =	wrdreg s16  }
0xb7: {  	[dreg:$0x5] =	wrdreg $0x9  }
0xb8: {  	_ =	task.clear_ibuf [dreg:s8], $0x6FFFF;
	_ =	strace $0x90000046  }
0xb9: {  	s29 =	simm.s32 $0x9;
	_ =	strace $0x80000048  }
0xba: {  	_ =	swait.ge [sflag:s29], $0x1  }
0xbb: {  	[sflag:s29] =	ssyncadd.s32 $0xFFFFFFFF  }
0xbc: {  	_ =	strace $0x90000048  }
0xbd: {  	_ =	sfence  }
0xbe: {  	s30 =	sld [smem:$0x0];
	_ =	sdelay $0x2  }
0xbf: {  	s31 =	sshll.u32 s1, $0xD;
	s1 =	sshrl.u32 s1, $0x2  }
0xc0: {  	s3 =	sand.u32 $0x4000, s31;
	s1 =	sadd.s32 s1, s30  }
0xc1: {  	s0 =	sor.u32 s3, s0;
	s1 =	sshll.u32 s1, $0x11  }
0xc2: {  	s0 =	sor.u32 s1, s0  }
0xc3: {  	s0 =	sadd.s32 $0x8F2B, s0  }
0xc4: {  	[sflag:s0] =	ssyncadd.remote.s32 $0x1  }
0xc5: {  	_ =	sfence.sel $0xFFFF  }
0xc6: {  	[dreg:$0x0] =	wrdreg $0xFFFFFFFF;
	(pc) =	sbr.abs _section_cstart, $3  }
0xc7: {  	[dreg:$0x1] =	wrdreg $0xFFFFFFFF  }
0xc8: {  	_ =	task.clear_ibuf [dreg:s8], $0x2FFFF;
	_ =	strace $0x9FFFFFFF  }
0xc9: {  	(tm) =	ssettm $0x7FFFFFFF  }
tec
execute0_lowered:
.L_overlay_start_1:
0x0: {  	(tag) =	ssettag $0x1  }
0x1: {  	s0 =	srdreg.scid;
	s26 =	rddreg [dreg:$0x0]  }
0x2: {  	s3 =	stileid.u32;
	s2 =	simm.s32 $0x1;
	s9 =	rddreg [dreg:$0x2]  }
0x3: {  	s12 =	simm.s32 $0x3;
	s13 =	simm.s32 $0x80;
	s14 =	simm.s32 $0x4000  }
0x4: {  	s16 =	simm.s32 $0x200;
	s18 =	simm.s32 $0x400;
	s0 =	sand.u32 $0x1, s0  }
0x5: {  	s20 =	simm.s32 $0x600;
	s21 =	simm.s32 $0x1000;
	s1 =	sor.u32 s0, s3  }
0x6: {  	s22 =	simm.s32 $0x2000;
	p1 =	seq.s32 s0, $0x1;
	p0 =	seq.s32 s1, $0x0  }
0x7: {  	s6 =	sshll.u32 s0, $0xC;
	s0 =	ssub.s32 $0x2, s0;
	p0 =	por !p0, !p1  }
0x8: {  	s23 =	simm.s32 $0x4800;
	s28 =	sshrl.u32 s0, $0x1;
	p0 =	por !p0, !p0  }
0x9: {  	s24 =	simm.s32 $0xC800;
	s0 =	ssub.s32 s0, s28;
	s2 =	simm.s32 @!p0 $0x0  }
0xa: {  	s25 =	simm.s32 $0x2;
	s10 =	smax.u32 s0, $0x1;
	s2 =	ssub.s32 s3, s2  }
0xb: {  	s3 =	simm.s32 $0x0;
	s4 =	sshll.u32 s2, $0xA;
	s5 =	sshll.u32 s2, $0x7  }
0xc: {  	[smem:$0x7FF] =	sst s3;
	s2 =	sshll.u32 s2, $0x10;
	s4 =	sand.u32 $0xFFFFE000, s4  }
0xd: {  	s5 =	sand.u32 $0x380, s5;
	_ =	strace $0x80000047;
	s2 =	sor.u32 s6, s2  }
0xe: {  	s5 =	sor.u32 s4, s5;
	s4 =	simm.s32 $0x1;
	s29 =	sshrl.u32 s2, $0x3  }
0xf: {  	s30 =	sadd.s32 $0x100000, s2;
	s7 =	sadd.s32 $0x200000, s2;
	s5 =	sor.u32 s6, s5  }
0x10: {  	s2 =	sadd.s32 $0x300000, s2;
	s6 =	sadd.s32 s9, s29;
	s5 =	sshrl.u32 s5, $0x3  }
0x11: {  	s8 =	sshrl.u32 s7, $0x3;
	s31 =	sshrl.u32 s2, $0x3;
	s1 =	sadd.s32 s5, s26  }
0x12: {  	s8 =	sadd.s32 s9, s8;
	s5 =	sadd.s32 $0xE00, s1;
	s1 =	sshrl.u32 s30, $0x3  }
0x13: {  	s26 =	simm.s32 $0x0;
	s7 =	sadd.s32 s9, s1;
	s9 =	sadd.s32 s9, s31  }
0x14: {  	v0 =	vlaneseq.u32;
	s15 =	sadd.s32 $0x80, s5;
	s17 =	sadd.s32 $0x100, s5;
	s19 =	sadd.s32 $0x180, s5  }
.LBB2_1:
0x15: {  	s0 =	rddreg [dreg:$0x1];
	s1 =	simm.s32 $0x800  }
0x16: {  	[tilespmem:s1], [sflag:$0x3] =	stream.linear.gather [hbm4b:s0+s3], $0x4000, $0x38;
	[tilespmem:$0x14800] =	vst v63  }
0x17: {  	_ =	swait.ge [sflag:s12], $0x4000  }
0x18: {  	[sflag:s12] =	ssyncset.done $0x0  }
0x19: {  	[sflag:s12] =	ssyncadd.s32 $0xFFFFC000  }
0x1a: {  	[tilespmem:s3], [sflag:$0x3] =	stream.strided.gather [hbm4b:s5+s13], $0x200, s14, s13, $0x38;
	[tilespmem:$0x14800] =	vst v63  }
0x1b: {  	_ = 	snop  }
0x1c: {  	[tilespmem:s16], [sflag:$0x3] =	stream.strided.gather [hbm4b:s15+s13], $0x200, s14, s13, $0x38;
	[tilespmem:$0x14800] =	vst v63  }
0x1d: {  	_ = 	snop  }
0x1e: {  	[tilespmem:s18], [sflag:$0x3] =	stream.strided.gather [hbm4b:s17+s13], $0x200, s14, s13, $0x38;
	[tilespmem:$0x14800] =	vst v63  }
0x1f: {  	_ = 	snop  }
0x20: {  	[tilespmem:s20], [sflag:$0x3] =	stream.strided.gather [hbm4b:s19+s13], $0x200, s14, s13, $0x38;
	[tilespmem:$0x14800] =	vst v63  }
0x21: {  	_ =	swait.ge [sflag:s12], $0x800  }
0x22: {  	[sflag:s12] =	ssyncset.done $0x0  }
0x23: {  	s28 =	simm.s32 $0x0;
	s29 =	simm.s32 $0x0;
	[sflag:s12] =	ssyncadd.s32 $0xFFFFF800  }
.LBB2_2:
0x24: {  	s0 =	sshll.u32 s29, $0x4;
	s1 =	sshll.u32 s29, $0x6  }
0x25: {  	s31 =	sand.u32 $0x60, s0;
	s1 =	sand.u32 $0x3FFFFE00, s1  }
0x26: {  	s0 =	sor.u32 s31, s1  }
0x27: {  	v1 =	vld [tilespmem:s0+$0x0];
	_ =	sdelay $0x4  }
0x28: {  	v1 =	vshll.u32 v1, $0x4  }
0x29: {  	v1 =	vor.u32 v0, v1;
	_ =	sdelay $0x3  }
0x2a: {  	s11 =	simm.s32 $0xF00  }
0x2b: {  	v7 =	vld.idx.msk [tilespmem:v1+s11+$0x0], $0xffff  }
0x2c: {  	s2 =	sand.u32 $0x3, s28;
	s0 =	sshll.u32 s29, $0x9;
	v8 =	vld.idx.msk [tilespmem:v1+s11+$0xFFFFFA00], $0xffff  }
0x2d: {  	s2 =	sshll.u32 s2, $0x7;
	s0 =	sand.u32 $0xFFFFF000, s0;
	v6 =	vld.idx.msk [tilespmem:v1+s11+$0xFFFFFB00], $0xffff  }
0x2e: {  	s0 =	sor.u32 s2, s0;
	v2 =	vld.idx.msk [tilespmem:v1+s11+$0xFFFFFC00], $0xffff  }
0x2f: {  	s2 =	sshrl.u32 s0, $0x2;
	v3 =	vld.idx.msk [tilespmem:v1+s11+$0xFFFFFD00], $0xffff  }
0x30: {  	s0 =	sadd.s32 $0x4A00, s2;
	v4 =	vld.idx.msk [tilespmem:v1+s11+$0xFFFFFE00], $0xffff  }
0x31: {  	v5 =	vld.idx.msk [tilespmem:v1+s11+$0xFFFFFF00], $0xffff;
	[tilespmem:s0+$0x180] =	vst v7  }
0x32: {  	s30 =	sadd.s32 $0x4A10, s2;
	s2 =	simm.s32 $0x0;
	v7 =	vld.idx.msk [tilespmem:v1+s11+$0xFFFFF900], $0xffff;
	[tilespmem:s0+$0xFFFFFE80] =	vst v8;
	s11 =	simm.s32 $0x1700  }
.LBB2_3:
0x33: {  	v8 =	vld.idx.msk [tilespmem:v1+s11+$0x0], $0xffff;
	s2 =	sadd.s32 $0x8, s2;
	[tilespmem:s0+$0xFFFFFF00] =	vst v6  }
0x34: {  	v9 =	vld.idx.msk [tilespmem:v1+s11+$0xFFFFFA00], $0xffff;
	p0 =	slt.u32 s2, $0x38;
	[tilespmem:s0+$0xFFFFFF80] =	vst v2  }
0x35: {  	v6 =	vld.idx.msk [tilespmem:v1+s11+$0xFFFFFB00], $0xffff;
	[tilespmem:s0+$0x0] =	vst v3  }
.Ltmp0:
0x36: {  	v2 =	vld.idx.msk [tilespmem:v1+s11+$0xFFFFFC00], $0xffff;
	[tilespmem:s0+$0x80] =	vst v4;
	(pc) =	sbr.rel @p0 .LBB2_3-.Ltmp0, $4  }
0x37: {  	v3 =	vld.idx.msk [tilespmem:v1+s11+$0xFFFFFD00], $0xffff;
	[tilespmem:s0+$0x100] =	vst v5  }
0x38: {  	v4 =	vld.idx.msk [tilespmem:v1+s11+$0xFFFFFE00], $0xffff;
	[tilespmem:s0+$0xFFFFFE00] =	vst v7;
	s0 =	sadd.s32 $0x1000, s0  }
0x39: {  	v5 =	vld.idx.msk [tilespmem:v1+s11+$0xFFFFFF00], $0xffff;
	[tilespmem:s0+$0x180] =	vst v8  }
0x3a: {  	v7 =	vld.idx.msk [tilespmem:v1+s11+$0xFFFFF900], $0xffff;
	[tilespmem:s0+$0xFFFFFE80] =	vst v9;
	s11 =	sadd.s32 $0x800, s11  }
0x3b: {  	s1 =	sadd.s32 s31, s1  }
0x3c: {  	v1 =	vld [tilespmem:s1+$0x10];
	_ =	sdelay $0x4  }
0x3d: {  	v1 =	vshll.u32 v1, $0x4  }
0x3e: {  	v1 =	vor.u32 v0, v1;
	_ =	sdelay $0x3  }
0x3f: {  	s31 =	simm.s32 $0xF00  }
0x40: {  	[tilespmem:s0+$0xFFFFFF00] =	vst v6;
	v8 =	vld.idx.msk [tilespmem:v1+s31+$0x0], $0xffff  }
0x41: {  	[tilespmem:s0+$0xFFFFFF80] =	vst v2;
	v9 =	vld.idx.msk [tilespmem:v1+s31+$0xFFFFFA00], $0xffff  }
0x42: {  	[tilespmem:s0+$0x0] =	vst v3;
	v2 =	vld.idx.msk [tilespmem:v1+s31+$0xFFFFFB00], $0xffff  }
0x43: {  	[tilespmem:s0+$0x80] =	vst v4;
	v3 =	vld.idx.msk [tilespmem:v1+s31+$0xFFFFFC00], $0xffff  }
0x44: {  	[tilespmem:s0+$0x100] =	vst v5;
	v4 =	vld.idx.msk [tilespmem:v1+s31+$0xFFFFFD00], $0xffff  }
0x45: {  	[tilespmem:s0+$0xFFFFFE00] =	vst v7;
	v5 =	vld.idx.msk [tilespmem:v1+s31+$0xFFFFFE00], $0xffff  }
0x46: {  	v6 =	vld.idx.msk [tilespmem:v1+s31+$0xFFFFFF00], $0xffff;
	[tilespmem:s30+$0x180] =	vst v8  }
0x47: {  	s1 =	simm.s32 $0x1700;
	s0 =	simm.s32 $0x0;
	v7 =	vld.idx.msk [tilespmem:v1+s31+$0xFFFFF900], $0xffff;
	[tilespmem:s30+$0xFFFFFE80] =	vst v9  }
.LBB2_5:
0x48: {  	v8 =	vld.idx.msk [tilespmem:v1+s1+$0x0], $0xffff;
	s0 =	sadd.s32 $0x8, s0;
	[tilespmem:s30+$0xFFFFFF00] =	vst v2  }
0x49: {  	v9 =	vld.idx.msk [tilespmem:v1+s1+$0xFFFFFA00], $0xffff;
	p0 =	slt.u32 s0, $0x38;
	[tilespmem:s30+$0xFFFFFF80] =	vst v3  }
0x4a: {  	v2 =	vld.idx.msk [tilespmem:v1+s1+$0xFFFFFB00], $0xffff;
	[tilespmem:s30+$0x0] =	vst v4  }
.Ltmp1:
0x4b: {  	v3 =	vld.idx.msk [tilespmem:v1+s1+$0xFFFFFC00], $0xffff;
	[tilespmem:s30+$0x80] =	vst v5;
	(pc) =	sbr.rel @p0 .LBB2_5-.Ltmp1, $4  }
0x4c: {  	v4 =	vld.idx.msk [tilespmem:v1+s1+$0xFFFFFD00], $0xffff;
	[tilespmem:s30+$0x100] =	vst v6  }
0x4d: {  	v5 =	vld.idx.msk [tilespmem:v1+s1+$0xFFFFFE00], $0xffff;
	[tilespmem:s30+$0xFFFFFE00] =	vst v7;
	s30 =	sadd.s32 $0x1000, s30  }
0x4e: {  	v6 =	vld.idx.msk [tilespmem:v1+s1+$0xFFFFFF00], $0xffff;
	[tilespmem:s30+$0x180] =	vst v8  }
0x4f: {  	v7 =	vld.idx.msk [tilespmem:v1+s1+$0xFFFFF900], $0xffff;
	[tilespmem:s30+$0xFFFFFE80] =	vst v9;
	s1 =	sadd.s32 $0x800, s1  }
0x50: {  	[tilespmem:s30+$0xFFFFFF00] =	vst v2;
	p0 =	slt.u32 s29, $0x1E  }
.Ltmp2:
0x51: {  	[tilespmem:s30+$0xFFFFFF80] =	vst v3;
	(pc) =	sbr.rel @p0 .LBB2_2-.Ltmp2, $4  }
0x52: {  	[tilespmem:s30+$0x0] =	vst v4  }
0x53: {  	[tilespmem:s30+$0x80] =	vst v5  }
0x54: {  	s0 =	sadd.s32 $0x2, s29;
	[tilespmem:s30+$0x100] =	vst v6  }
0x55: {  	s28 =	sadd.s32 $0x1, s28;
	s29 =	smov.u32 s0;
	[tilespmem:s30+$0xFFFFFE00] =	vst v7  }
0x56: {  	[hbm4b:s6+s21] =	stream.strided.scatter [tilespmem:s23], [sflag:$0x1], $0x8000, s22, s21, $0x38;
	[tilespmem:$0x14800] =	vst v63  }
0x57: {  	s29 =	simm.s32 $0x0;
	s28 =	simm.s32 $0x0  }
.LBB2_8:
0x58: {  	s0 =	sshll.u32 s29, $0x4;
	s1 =	sshll.u32 s29, $0x6  }
0x59: {  	s31 =	sand.u32 $0x60, s0;
	s1 =	sand.u32 $0x3FFFFE00, s1  }
0x5a: {  	s0 =	sor.u32 s31, s1  }
0x5b: {  	v1 =	vld [tilespmem:s0+$0x80];
	_ =	sdelay $0x4  }
0x5c: {  	v1 =	vshll.u32 v1, $0x4  }
0x5d: {  	v1 =	vor.u32 v0, v1;
	_ =	sdelay $0x3  }
0x5e: {  	s11 =	simm.s32 $0xF00  }
0x5f: {  	v7 =	vld.idx.msk [tilespmem:v1+s11+$0x0], $0xffff  }
0x60: {  	s2 =	sand.u32 $0x3, s28;
	s0 =	sshll.u32 s29, $0x9;
	v8 =	vld.idx.msk [tilespmem:v1+s11+$0xFFFFFA00], $0xffff  }
0x61: {  	s2 =	sshll.u32 s2, $0x7;
	s0 =	sand.u32 $0xFFFFF000, s0;
	v6 =	vld.idx.msk [tilespmem:v1+s11+$0xFFFFFB00], $0xffff  }
0x62: {  	s0 =	sor.u32 s2, s0;
	v2 =	vld.idx.msk [tilespmem:v1+s11+$0xFFFFFC00], $0xffff  }
0x63: {  	s2 =	sshrl.u32 s0, $0x2;
	v3 =	vld.idx.msk [tilespmem:v1+s11+$0xFFFFFD00], $0xffff  }
0x64: {  	s0 =	sadd.s32 $0xCB80, s2;
	v4 =	vld.idx.msk [tilespmem:v1+s11+$0xFFFFFE00], $0xffff  }
0x65: {  	v5 =	vld.idx.msk [tilespmem:v1+s11+$0xFFFFFF00], $0xffff;
	[tilespmem:s0+$0x0] =	vst v7  }
0x66: {  	s30 =	sadd.s32 $0xCB90, s2;
	s2 =	simm.s32 $0x0;
	v7 =	vld.idx.msk [tilespmem:v1+s11+$0xFFFFF900], $0xffff;
	[tilespmem:s0+$0xFFFFFD00] =	vst v8;
	s11 =	simm.s32 $0x1700  }
.LBB2_9:
0x67: {  	v8 =	vld.idx.msk [tilespmem:v1+s11+$0x0], $0xffff;
	s2 =	sadd.s32 $0x8, s2;
	[tilespmem:s0+$0xFFFFFD80] =	vst v6  }
0x68: {  	v9 =	vld.idx.msk [tilespmem:v1+s11+$0xFFFFFA00], $0xffff;
	p0 =	slt.u32 s2, $0x38;
	[tilespmem:s0+$0xFFFFFE00] =	vst v2  }
0x69: {  	v6 =	vld.idx.msk [tilespmem:v1+s11+$0xFFFFFB00], $0xffff;
	[tilespmem:s0+$0xFFFFFE80] =	vst v3  }
.Ltmp3:
0x6a: {  	v2 =	vld.idx.msk [tilespmem:v1+s11+$0xFFFFFC00], $0xffff;
	[tilespmem:s0+$0xFFFFFF00] =	vst v4;
	(pc) =	sbr.rel @p0 .LBB2_9-.Ltmp3, $4  }
0x6b: {  	v3 =	vld.idx.msk [tilespmem:v1+s11+$0xFFFFFD00], $0xffff;
	[tilespmem:s0+$0xFFFFFF80] =	vst v5  }
0x6c: {  	v4 =	vld.idx.msk [tilespmem:v1+s11+$0xFFFFFE00], $0xffff;
	[tilespmem:s0+$0xFFFFFC80] =	vst v7;
	s0 =	sadd.s32 $0x1000, s0  }
0x6d: {  	v5 =	vld.idx.msk [tilespmem:v1+s11+$0xFFFFFF00], $0xffff;
	[tilespmem:s0+$0x0] =	vst v8  }
0x6e: {  	v7 =	vld.idx.msk [tilespmem:v1+s11+$0xFFFFF900], $0xffff;
	[tilespmem:s0+$0xFFFFFD00] =	vst v9;
	s11 =	sadd.s32 $0x800, s11  }
0x6f: {  	s1 =	sadd.s32 s31, s1  }
0x70: {  	v1 =	vld [tilespmem:s1+$0x90];
	_ =	sdelay $0x4  }
0x71: {  	v1 =	vshll.u32 v1, $0x4  }
0x72: {  	v1 =	vor.u32 v0, v1;
	_ =	sdelay $0x3  }
0x73: {  	s31 =	simm.s32 $0xF00  }
0x74: {  	[tilespmem:s0+$0xFFFFFD80] =	vst v6;
	v8 =	vld.idx.msk [tilespmem:v1+s31+$0x0], $0xffff  }
0x75: {  	[tilespmem:s0+$0xFFFFFE00] =	vst v2;
	v9 =	vld.idx.msk [tilespmem:v1+s31+$0xFFFFFA00], $0xffff  }
0x76: {  	[tilespmem:s0+$0xFFFFFE80] =	vst v3;
	v2 =	vld.idx.msk [tilespmem:v1+s31+$0xFFFFFB00], $0xffff  }
0x77: {  	[tilespmem:s0+$0xFFFFFF00] =	vst v4;
	v3 =	vld.idx.msk [tilespmem:v1+s31+$0xFFFFFC00], $0xffff  }
0x78: {  	[tilespmem:s0+$0xFFFFFF80] =	vst v5;
	v4 =	vld.idx.msk [tilespmem:v1+s31+$0xFFFFFD00], $0xffff  }
0x79: {  	[tilespmem:s0+$0xFFFFFC80] =	vst v7;
	v5 =	vld.idx.msk [tilespmem:v1+s31+$0xFFFFFE00], $0xffff  }
0x7a: {  	v6 =	vld.idx.msk [tilespmem:v1+s31+$0xFFFFFF00], $0xffff;
	[tilespmem:s30+$0x0] =	vst v8  }
0x7b: {  	s1 =	simm.s32 $0x1700;
	s0 =	simm.s32 $0x0;
	v7 =	vld.idx.msk [tilespmem:v1+s31+$0xFFFFF900], $0xffff;
	[tilespmem:s30+$0xFFFFFD00] =	vst v9  }
.LBB2_11:
0x7c: {  	v8 =	vld.idx.msk [tilespmem:v1+s1+$0x0], $0xffff;
	s0 =	sadd.s32 $0x8, s0;
	[tilespmem:s30+$0xFFFFFD80] =	vst v2  }
0x7d: {  	v9 =	vld.idx.msk [tilespmem:v1+s1+$0xFFFFFA00], $0xffff;
	p0 =	slt.u32 s0, $0x38;
	[tilespmem:s30+$0xFFFFFE00] =	vst v3  }
0x7e: {  	v2 =	vld.idx.msk [tilespmem:v1+s1+$0xFFFFFB00], $0xffff;
	[tilespmem:s30+$0xFFFFFE80] =	vst v4  }
.Ltmp4:
0x7f: {  	v3 =	vld.idx.msk [tilespmem:v1+s1+$0xFFFFFC00], $0xffff;
	[tilespmem:s30+$0xFFFFFF00] =	vst v5;
	(pc) =	sbr.rel @p0 .LBB2_11-.Ltmp4, $4  }
0x80: {  	v4 =	vld.idx.msk [tilespmem:v1+s1+$0xFFFFFD00], $0xffff;
	[tilespmem:s30+$0xFFFFFF80] =	vst v6  }
0x81: {  	v5 =	vld.idx.msk [tilespmem:v1+s1+$0xFFFFFE00], $0xffff;
	[tilespmem:s30+$0xFFFFFC80] =	vst v7;
	s30 =	sadd.s32 $0x1000, s30  }
0x82: {  	v6 =	vld.idx.msk [tilespmem:v1+s1+$0xFFFFFF00], $0xffff;
	[tilespmem:s30+$0x0] =	vst v8  }
0x83: {  	v7 =	vld.idx.msk [tilespmem:v1+s1+$0xFFFFF900], $0xffff;
	[tilespmem:s30+$0xFFFFFD00] =	vst v9;
	s1 =	sadd.s32 $0x800, s1  }
0x84: {  	[tilespmem:s30+$0xFFFFFD80] =	vst v2;
	p0 =	slt.u32 s29, $0x1E  }
.Ltmp5:
0x85: {  	[tilespmem:s30+$0xFFFFFE00] =	vst v3;
	(pc) =	sbr.rel @p0 .LBB2_8-.Ltmp5, $4  }
0x86: {  	[tilespmem:s30+$0xFFFFFE80] =	vst v4  }
0x87: {  	[tilespmem:s30+$0xFFFFFF00] =	vst v5  }
0x88: {  	s0 =	sadd.s32 $0x2, s29;
	[tilespmem:s30+$0xFFFFFF80] =	vst v6  }
0x89: {  	s28 =	sadd.s32 $0x1, s28;
	s29 =	smov.u32 s0;
	[tilespmem:s30+$0xFFFFFC80] =	vst v7  }
0x8a: {  	[hbm4b:s7+s21] =	stream.strided.scatter [tilespmem:s24], [sflag:$0x2], $0x8000, s22, s21, $0x38;
	[tilespmem:$0x14800] =	vst v63  }
0x8b: {  	_ =	swait.ge [sflag:s4], $0x8000  }
0x8c: {  	[sflag:s4] =	ssyncset.done $0x0  }
0x8d: {  	s29 =	simm.s32 $0x0;
	s28 =	simm.s32 $0x0;
	[sflag:s4] =	ssyncadd.s32 $0xFFFF8000  }
.LBB2_14:
0x8e: {  	s0 =	sshll.u32 s29, $0x4;
	s1 =	sshll.u32 s29, $0x6  }
0x8f: {  	s31 =	sand.u32 $0x60, s0;
	s1 =	sand.u32 $0x3FFFFE00, s1  }
0x90: {  	s0 =	sor.u32 s31, s1  }
0x91: {  	v1 =	vld [tilespmem:s0+$0x100];
	_ =	sdelay $0x4  }
0x92: {  	v1 =	vshll.u32 v1, $0x4  }
0x93: {  	v1 =	vor.u32 v0, v1;
	_ =	sdelay $0x3  }
0x94: {  	s11 =	simm.s32 $0xF00  }
0x95: {  	v7 =	vld.idx.msk [tilespmem:v1+s11+$0x0], $0xffff  }
0x96: {  	s2 =	sand.u32 $0x3, s28;
	s0 =	sshll.u32 s29, $0x9;
	v8 =	vld.idx.msk [tilespmem:v1+s11+$0xFFFFFA00], $0xffff  }
0x97: {  	s2 =	sshll.u32 s2, $0x7;
	s0 =	sand.u32 $0xFFFFF000, s0;
	v6 =	vld.idx.msk [tilespmem:v1+s11+$0xFFFFFB00], $0xffff  }
0x98: {  	s0 =	sor.u32 s2, s0;
	v2 =	vld.idx.msk [tilespmem:v1+s11+$0xFFFFFC00], $0xffff  }
0x99: {  	s2 =	sshrl.u32 s0, $0x2;
	v3 =	vld.idx.msk [tilespmem:v1+s11+$0xFFFFFD00], $0xffff  }
0x9a: {  	s0 =	sadd.s32 $0x4A00, s2;
	v4 =	vld.idx.msk [tilespmem:v1+s11+$0xFFFFFE00], $0xffff  }
0x9b: {  	v5 =	vld.idx.msk [tilespmem:v1+s11+$0xFFFFFF00], $0xffff;
	[tilespmem:s0+$0x180] =	vst v7  }
0x9c: {  	s30 =	sadd.s32 $0x4A10, s2;
	s2 =	simm.s32 $0x0;
	v7 =	vld.idx.msk [tilespmem:v1+s11+$0xFFFFF900], $0xffff;
	[tilespmem:s0+$0xFFFFFE80] =	vst v8;
	s11 =	simm.s32 $0x1700  }
.LBB2_15:
0x9d: {  	v8 =	vld.idx.msk [tilespmem:v1+s11+$0x0], $0xffff;
	s2 =	sadd.s32 $0x8, s2;
	[tilespmem:s0+$0xFFFFFF00] =	vst v6  }
0x9e: {  	v9 =	vld.idx.msk [tilespmem:v1+s11+$0xFFFFFA00], $0xffff;
	p0 =	slt.u32 s2, $0x38;
	[tilespmem:s0+$0xFFFFFF80] =	vst v2  }
0x9f: {  	v6 =	vld.idx.msk [tilespmem:v1+s11+$0xFFFFFB00], $0xffff;
	[tilespmem:s0+$0x0] =	vst v3  }
.Ltmp6:
0xa0: {  	v2 =	vld.idx.msk [tilespmem:v1+s11+$0xFFFFFC00], $0xffff;
	[tilespmem:s0+$0x80] =	vst v4;
	(pc) =	sbr.rel @p0 .LBB2_15-.Ltmp6, $4  }
0xa1: {  	v3 =	vld.idx.msk [tilespmem:v1+s11+$0xFFFFFD00], $0xffff;
	[tilespmem:s0+$0x100] =	vst v5  }
0xa2: {  	v4 =	vld.idx.msk [tilespmem:v1+s11+$0xFFFFFE00], $0xffff;
	[tilespmem:s0+$0xFFFFFE00] =	vst v7;
	s0 =	sadd.s32 $0x1000, s0  }
0xa3: {  	v5 =	vld.idx.msk [tilespmem:v1+s11+$0xFFFFFF00], $0xffff;
	[tilespmem:s0+$0x180] =	vst v8  }
0xa4: {  	v7 =	vld.idx.msk [tilespmem:v1+s11+$0xFFFFF900], $0xffff;
	[tilespmem:s0+$0xFFFFFE80] =	vst v9;
	s11 =	sadd.s32 $0x800, s11  }
0xa5: {  	s1 =	sadd.s32 s31, s1  }
0xa6: {  	v1 =	vld [tilespmem:s1+$0x110];
	_ =	sdelay $0x4  }
0xa7: {  	v1 =	vshll.u32 v1, $0x4  }
0xa8: {  	v1 =	vor.u32 v0, v1;
	_ =	sdelay $0x3  }
0xa9: {  	s31 =	simm.s32 $0xF00  }
0xaa: {  	[tilespmem:s0+$0xFFFFFF00] =	vst v6;
	v8 =	vld.idx.msk [tilespmem:v1+s31+$0x0], $0xffff  }
0xab: {  	[tilespmem:s0+$0xFFFFFF80] =	vst v2;
	v9 =	vld.idx.msk [tilespmem:v1+s31+$0xFFFFFA00], $0xffff  }
0xac: {  	[tilespmem:s0+$0x0] =	vst v3;
	v2 =	vld.idx.msk [tilespmem:v1+s31+$0xFFFFFB00], $0xffff  }
0xad: {  	[tilespmem:s0+$0x80] =	vst v4;
	v3 =	vld.idx.msk [tilespmem:v1+s31+$0xFFFFFC00], $0xffff  }
0xae: {  	[tilespmem:s0+$0x100] =	vst v5;
	v4 =	vld.idx.msk [tilespmem:v1+s31+$0xFFFFFD00], $0xffff  }
0xaf: {  	[tilespmem:s0+$0xFFFFFE00] =	vst v7;
	v5 =	vld.idx.msk [tilespmem:v1+s31+$0xFFFFFE00], $0xffff  }
0xb0: {  	v6 =	vld.idx.msk [tilespmem:v1+s31+$0xFFFFFF00], $0xffff;
	[tilespmem:s30+$0x180] =	vst v8  }
0xb1: {  	s1 =	simm.s32 $0x1700;
	s0 =	simm.s32 $0x0;
	v7 =	vld.idx.msk [tilespmem:v1+s31+$0xFFFFF900], $0xffff;
	[tilespmem:s30+$0xFFFFFE80] =	vst v9  }
.LBB2_17:
0xb2: {  	v8 =	vld.idx.msk [tilespmem:v1+s1+$0x0], $0xffff;
	s0 =	sadd.s32 $0x8, s0;
	[tilespmem:s30+$0xFFFFFF00] =	vst v2  }
0xb3: {  	v9 =	vld.idx.msk [tilespmem:v1+s1+$0xFFFFFA00], $0xffff;
	p0 =	slt.u32 s0, $0x38;
	[tilespmem:s30+$0xFFFFFF80] =	vst v3  }
0xb4: {  	v2 =	vld.idx.msk [tilespmem:v1+s1+$0xFFFFFB00], $0xffff;
	[tilespmem:s30+$0x0] =	vst v4  }
.Ltmp7:
0xb5: {  	v3 =	vld.idx.msk [tilespmem:v1+s1+$0xFFFFFC00], $0xffff;
	[tilespmem:s30+$0x80] =	vst v5;
	(pc) =	sbr.rel @p0 .LBB2_17-.Ltmp7, $4  }
0xb6: {  	v4 =	vld.idx.msk [tilespmem:v1+s1+$0xFFFFFD00], $0xffff;
	[tilespmem:s30+$0x100] =	vst v6  }
0xb7: {  	v5 =	vld.idx.msk [tilespmem:v1+s1+$0xFFFFFE00], $0xffff;
	[tilespmem:s30+$0xFFFFFE00] =	vst v7;
	s30 =	sadd.s32 $0x1000, s30  }
0xb8: {  	v6 =	vld.idx.msk [tilespmem:v1+s1+$0xFFFFFF00], $0xffff;
	[tilespmem:s30+$0x180] =	vst v8  }
0xb9: {  	v7 =	vld.idx.msk [tilespmem:v1+s1+$0xFFFFF900], $0xffff;
	[tilespmem:s30+$0xFFFFFE80] =	vst v9;
	s1 =	sadd.s32 $0x800, s1  }
0xba: {  	[tilespmem:s30+$0xFFFFFF00] =	vst v2;
	p0 =	slt.u32 s29, $0x1E  }
.Ltmp8:
0xbb: {  	[tilespmem:s30+$0xFFFFFF80] =	vst v3;
	(pc) =	sbr.rel @p0 .LBB2_14-.Ltmp8, $4  }
0xbc: {  	[tilespmem:s30+$0x0] =	vst v4  }
0xbd: {  	[tilespmem:s30+$0x80] =	vst v5  }
0xbe: {  	s0 =	sadd.s32 $0x2, s29;
	[tilespmem:s30+$0x100] =	vst v6  }
0xbf: {  	s28 =	sadd.s32 $0x1, s28;
	s29 =	smov.u32 s0;
	[tilespmem:s30+$0xFFFFFE00] =	vst v7  }
0xc0: {  	[hbm4b:s8+s21] =	stream.strided.scatter [tilespmem:s23], [sflag:$0x1], $0x8000, s22, s21, $0x38;
	[tilespmem:$0x14800] =	vst v63  }
0xc1: {  	_ =	swait.ge [sflag:s25], $0x8000  }
0xc2: {  	[sflag:s25] =	ssyncset.done $0x0  }
0xc3: {  	s29 =	simm.s32 $0x0;
	s28 =	simm.s32 $0x0;
	[sflag:s25] =	ssyncadd.s32 $0xFFFF8000  }
.LBB2_20:
0xc4: {  	s0 =	sshll.u32 s29, $0x4;
	s1 =	sshll.u32 s29, $0x6  }
0xc5: {  	s31 =	sand.u32 $0x60, s0;
	s1 =	sand.u32 $0x3FFFFE00, s1  }
0xc6: {  	s0 =	sor.u32 s31, s1  }
0xc7: {  	v1 =	vld [tilespmem:s0+$0x180];
	_ =	sdelay $0x4  }
0xc8: {  	v1 =	vshll.u32 v1, $0x4  }
0xc9: {  	v1 =	vor.u32 v0, v1;
	_ =	sdelay $0x3  }
0xca: {  	s11 =	simm.s32 $0xF00  }
0xcb: {  	v7 =	vld.idx.msk [tilespmem:v1+s11+$0x0], $0xffff  }
0xcc: {  	s2 =	sand.u32 $0x3, s28;
	s0 =	sshll.u32 s29, $0x9;
	v8 =	vld.idx.msk [tilespmem:v1+s11+$0xFFFFFA00], $0xffff  }
0xcd: {  	s2 =	sshll.u32 s2, $0x7;
	s0 =	sand.u32 $0xFFFFF000, s0;
	v6 =	vld.idx.msk [tilespmem:v1+s11+$0xFFFFFB00], $0xffff  }
0xce: {  	s0 =	sor.u32 s2, s0;
	v2 =	vld.idx.msk [tilespmem:v1+s11+$0xFFFFFC00], $0xffff  }
0xcf: {  	s2 =	sshrl.u32 s0, $0x2;
	v3 =	vld.idx.msk [tilespmem:v1+s11+$0xFFFFFD00], $0xffff  }
0xd0: {  	s0 =	sadd.s32 $0xCB80, s2;
	v4 =	vld.idx.msk [tilespmem:v1+s11+$0xFFFFFE00], $0xffff  }
0xd1: {  	v5 =	vld.idx.msk [tilespmem:v1+s11+$0xFFFFFF00], $0xffff;
	[tilespmem:s0+$0x0] =	vst v7  }
0xd2: {  	s30 =	sadd.s32 $0xCB90, s2;
	s2 =	simm.s32 $0x0;
	v7 =	vld.idx.msk [tilespmem:v1+s11+$0xFFFFF900], $0xffff;
	[tilespmem:s0+$0xFFFFFD00] =	vst v8;
	s11 =	simm.s32 $0x1700  }
.LBB2_21:
0xd3: {  	v8 =	vld.idx.msk [tilespmem:v1+s11+$0x0], $0xffff;
	s2 =	sadd.s32 $0x8, s2;
	[tilespmem:s0+$0xFFFFFD80] =	vst v6  }
0xd4: {  	v9 =	vld.idx.msk [tilespmem:v1+s11+$0xFFFFFA00], $0xffff;
	p0 =	slt.u32 s2, $0x38;
	[tilespmem:s0+$0xFFFFFE00] =	vst v2  }
0xd5: {  	v6 =	vld.idx.msk [tilespmem:v1+s11+$0xFFFFFB00], $0xffff;
	[tilespmem:s0+$0xFFFFFE80] =	vst v3  }
.Ltmp9:
0xd6: {  	v2 =	vld.idx.msk [tilespmem:v1+s11+$0xFFFFFC00], $0xffff;
	[tilespmem:s0+$0xFFFFFF00] =	vst v4;
	(pc) =	sbr.rel @p0 .LBB2_21-.Ltmp9, $4  }
0xd7: {  	v3 =	vld.idx.msk [tilespmem:v1+s11+$0xFFFFFD00], $0xffff;
	[tilespmem:s0+$0xFFFFFF80] =	vst v5  }
0xd8: {  	v4 =	vld.idx.msk [tilespmem:v1+s11+$0xFFFFFE00], $0xffff;
	[tilespmem:s0+$0xFFFFFC80] =	vst v7;
	s0 =	sadd.s32 $0x1000, s0  }
0xd9: {  	v5 =	vld.idx.msk [tilespmem:v1+s11+$0xFFFFFF00], $0xffff;
	[tilespmem:s0+$0x0] =	vst v8  }
0xda: {  	v7 =	vld.idx.msk [tilespmem:v1+s11+$0xFFFFF900], $0xffff;
	[tilespmem:s0+$0xFFFFFD00] =	vst v9;
	s11 =	sadd.s32 $0x800, s11  }
0xdb: {  	s1 =	sadd.s32 s31, s1  }
0xdc: {  	v1 =	vld [tilespmem:s1+$0x190];
	_ =	sdelay $0x4  }
0xdd: {  	v1 =	vshll.u32 v1, $0x4  }
0xde: {  	v1 =	vor.u32 v0, v1;
	_ =	sdelay $0x3  }
0xdf: {  	s31 =	simm.s32 $0xF00  }
0xe0: {  	[tilespmem:s0+$0xFFFFFD80] =	vst v6;
	v8 =	vld.idx.msk [tilespmem:v1+s31+$0x0], $0xffff  }
0xe1: {  	[tilespmem:s0+$0xFFFFFE00] =	vst v2;
	v9 =	vld.idx.msk [tilespmem:v1+s31+$0xFFFFFA00], $0xffff  }
0xe2: {  	[tilespmem:s0+$0xFFFFFE80] =	vst v3;
	v2 =	vld.idx.msk [tilespmem:v1+s31+$0xFFFFFB00], $0xffff  }
0xe3: {  	[tilespmem:s0+$0xFFFFFF00] =	vst v4;
	v3 =	vld.idx.msk [tilespmem:v1+s31+$0xFFFFFC00], $0xffff  }
0xe4: {  	[tilespmem:s0+$0xFFFFFF80] =	vst v5;
	v4 =	vld.idx.msk [tilespmem:v1+s31+$0xFFFFFD00], $0xffff  }
0xe5: {  	[tilespmem:s0+$0xFFFFFC80] =	vst v7;
	v5 =	vld.idx.msk [tilespmem:v1+s31+$0xFFFFFE00], $0xffff  }
0xe6: {  	v6 =	vld.idx.msk [tilespmem:v1+s31+$0xFFFFFF00], $0xffff;
	[tilespmem:s30+$0x0] =	vst v8  }
0xe7: {  	s1 =	simm.s32 $0x1700;
	s0 =	simm.s32 $0x0;
	v7 =	vld.idx.msk [tilespmem:v1+s31+$0xFFFFF900], $0xffff;
	[tilespmem:s30+$0xFFFFFD00] =	vst v9  }
.LBB2_23:
0xe8: {  	v8 =	vld.idx.msk [tilespmem:v1+s1+$0x0], $0xffff;
	s0 =	sadd.s32 $0x8, s0;
	[tilespmem:s30+$0xFFFFFD80] =	vst v2  }
0xe9: {  	v9 =	vld.idx.msk [tilespmem:v1+s1+$0xFFFFFA00], $0xffff;
	p0 =	slt.u32 s0, $0x38;
	[tilespmem:s30+$0xFFFFFE00] =	vst v3  }
0xea: {  	v2 =	vld.idx.msk [tilespmem:v1+s1+$0xFFFFFB00], $0xffff;
	[tilespmem:s30+$0xFFFFFE80] =	vst v4  }
.Ltmp10:
0xeb: {  	v3 =	vld.idx.msk [tilespmem:v1+s1+$0xFFFFFC00], $0xffff;
	[tilespmem:s30+$0xFFFFFF00] =	vst v5;
	(pc) =	sbr.rel @p0 .LBB2_23-.Ltmp10, $4  }
0xec: {  	v4 =	vld.idx.msk [tilespmem:v1+s1+$0xFFFFFD00], $0xffff;
	[tilespmem:s30+$0xFFFFFF80] =	vst v6  }
0xed: {  	v5 =	vld.idx.msk [tilespmem:v1+s1+$0xFFFFFE00], $0xffff;
	[tilespmem:s30+$0xFFFFFC80] =	vst v7;
	s30 =	sadd.s32 $0x1000, s30  }
0xee: {  	v6 =	vld.idx.msk [tilespmem:v1+s1+$0xFFFFFF00], $0xffff;
	[tilespmem:s30+$0x0] =	vst v8  }
0xef: {  	v7 =	vld.idx.msk [tilespmem:v1+s1+$0xFFFFF900], $0xffff;
	[tilespmem:s30+$0xFFFFFD00] =	vst v9;
	s1 =	sadd.s32 $0x800, s1  }
0xf0: {  	[tilespmem:s30+$0xFFFFFD80] =	vst v2;
	p0 =	slt.u32 s29, $0x1E  }
.Ltmp11:
0xf1: {  	[tilespmem:s30+$0xFFFFFE00] =	vst v3;
	(pc) =	sbr.rel @p0 .LBB2_20-.Ltmp11, $4  }
0xf2: {  	[tilespmem:s30+$0xFFFFFE80] =	vst v4  }
0xf3: {  	[tilespmem:s30+$0xFFFFFF00] =	vst v5  }
0xf4: {  	s0 =	sadd.s32 $0x2, s29;
	[tilespmem:s30+$0xFFFFFF80] =	vst v6  }
0xf5: {  	s28 =	sadd.s32 $0x1, s28;
	s29 =	smov.u32 s0;
	[tilespmem:s30+$0xFFFFFC80] =	vst v7  }
0xf6: {  	[hbm4b:s9+s21] =	stream.strided.scatter [tilespmem:s24], [sflag:$0x2], $0x8000, s22, s21, $0x38;
	[tilespmem:$0x14800] =	vst v63  }
0xf7: {  	s26 =	sadd.s32 $0x1, s26  }
0xf8: {  	_ =	swait.ge [sflag:s4], $0x8000;
	p0 =	sne.s32 s26, s10  }
.Ltmp12:
0xf9: {  	[sflag:s4] =	ssyncset.done $0x0;
	(pc) =	sbr.rel @p0 .LBB2_1-.Ltmp12, $4  }
0xfa: {  	[sflag:s4] =	ssyncadd.s32 $0xFFFF8000  }
0xfb: {  	_ =	swait.ge [sflag:s25], $0x8000  }
0xfc: {  	[sflag:s25] =	ssyncset.done $0x0  }
0xfd: {  	[sflag:s25] =	ssyncadd.s32 $0xFFFF8000  }
0xfe: {  	_ =	sfence.sel $0x180000  }
0xff: {  	[bflag:$0x0] =	sbarrier.arrive $0xFFFF  }
0x100: {  	_ =	strace $0x90000047  }
0x101: {  	s0 =	stileid.u32;
	[bflag:$0x2] =	sbarrier.arrive $0xFFFF  }
0x102: {  	p0 =	sne.s32 s0, $0x0;
	s0 =	rddreg [dreg:$0x3]  }
0x103: {  	s0 =	sadd.s32 @!p0 $0x100000, s0  }
0x104: {  	[sflag:s0] =	ssyncadd.tile.s32 @!p0 $0x1;
	_ =	shalt  }
.Lfunc_end2:
_tile_overlayer_lowered:
.L_overlay_start_2:
0x105: {  	(tag) =	ssettag $0x2  }
0x106: {  	s0 =	rddreg [dreg:$0x0];
	s2 =	stileid.u32  }
0x107: {  	s1 =	rddreg [dreg:$0x1];
	p0 =	sne.s32 s2, $0x0  }
0x108: {  	s3 =	rddreg [dreg:$0x2];
	[bflag:$0x3] =	sbarrier.arrive $0xFFFF;
	s2 =	simm.s32 @!p0 $0x1C03  }
0x109: {  	[timem:s3], [sflag:s2] =	dma.local @!p0 [hbm:s0], s1  }
0x10a: {  	s0 =	simm.s32 @!p0 $0x3  }
0x10b: {  	_ =	swait.ge @!p0 [sflag:s0], s1  }
0x10c: {  	s1 =	ssub.s32 @!p0 $0x0, s1;
	[sflag:s0] =	ssyncset.done @!p0 $0x0  }
0x10d: {  	[sflag:s0] =	ssyncadd.s32 @!p0 s1  }
0x10e: {  	[bflag:$0x3] =	sbarrier.arrive $0xFFFF  }
0x10f: {  	_ =	shalt  }

</sc_bundles>
